<compile_context>
chip_gen: v7x
topology: tpu7x:2x2x1
jax: 0.10.2.dev20260603
libtpu: 0.0.44.dev20260713+nightly
codegen_flags: <defaults>
</compile_context>

<pallas_src>
import functools

import jax
import jax.numpy as jnp
from jax import lax
from jax.experimental import pallas as pl
from jax.experimental.pallas import tpu as pltpu
from jax.experimental.pallas import tpu_sc as plsc

_NC = 2
_NS = 16
_CHUNK = 80
_UNROLL = 3


def _prep_body(x_ref, wcat_ref, wad_ref, ea_ref, xa_ref, adst_ref, easum_ref):
    i = pl.program_id(0)
    xv = x_ref[...]
    xa_ref[...] = jnp.dot(xv, wcat_ref[...], preferred_element_type=jnp.float32)
    adst_ref[...] = jnp.dot(xv, wad_ref[...], preferred_element_type=jnp.float32)

    @pl.when(i == 0)
    def _():
        easum_ref[...] = jnp.zeros_like(easum_ref)

    easum_ref[...] += jnp.sum(ea_ref[...])[None, None]


def _dyn_gather(v, idx):
    return lax.gather(
        v, idx[:, None],
        lax.GatherDimensionNumbers(
            offset_dims=(), collapsed_slice_dims=(0,), start_index_map=(0,)),
        slice_sizes=(1,),
        mode=lax.GatherScatterMode.PROMISE_IN_BOUNDS)


def _chunks_per_tile(E):
    nw = _NC * _NS
    cpt = -(-E // (_CHUNK * nw))
    return -(-cpt // _UNROLL) * _UNROLL


def _make_sc_edge(N, E, Dp):
    cpt = _chunks_per_tile(E)
    rows_per_tile = -(-N // (_NS * 8)) * 8
    Npad = rows_per_tile * _NS

    mesh = plsc.VectorSubcoreMesh(core_axis_name="c", subcore_axis_name="s")

    idx_t = pltpu.VMEM((_CHUNK,), jnp.int32)
    ea_t = pltpu.VMEM((_CHUNK,), jnp.float32)
    rows_t = pltpu.VMEM((_CHUNK, Dp), jnp.float32)
    adr_t = pltpu.VMEM((_CHUNK, 16), jnp.float32)

    @functools.partial(
        pl.kernel,
        out_type=jax.ShapeDtypeStruct((_NC, Npad, Dp), jnp.float32),
        mesh=mesh,
        compiler_params=pltpu.CompilerParams(
            use_tc_tiling_on_sc=False, needs_layout_passes=False),
        scratch_types=[
            [idx_t] * 3, [idx_t] * 3, [ea_t] * 3,
            [rows_t] * 3,
            [adr_t] * 3,
            pltpu.VMEM((16,), jnp.float32),
            pltpu.VMEM_SHARED((Npad, Dp), jnp.float32),
            [pltpu.SemaphoreType.DMA] * 3,
            [pltpu.SemaphoreType.DMA] * 3,
        ],
    )
    def sc_fn(xa, adst16, srcA, dstA, eaA, c16, zrows, out,
              srcv, dstv, eav, rows, adr, cbuf, acc, sem_i, sem_g):
        cid = lax.axis_index("c")
        sid = lax.axis_index("s")
        last = cpt - 1
        start = (cid * _NS + sid) * cpt

        pltpu.sync_copy(zrows, acc.at[pl.ds(sid * rows_per_tile, rows_per_tile)])
        pltpu.sync_copy(c16, cbuf)
        plsc.subcore_barrier()

        c2v = cbuf[...]
        iot = lax.iota(jnp.int32, 16)
        row_off = iot >> 3
        colc = iot & 7

        def issue_idx(q, j, s):
            base = (start + q) * _CHUNK
            pltpu.async_copy(srcA.at[pl.ds(base, _CHUNK)], srcv[j], sem_i[s])
            pltpu.async_copy(dstA.at[pl.ds(base, _CHUNK)], dstv[j], sem_i[s])
            pltpu.async_copy(eaA.at[pl.ds(base, _CHUNK)], eav[j], sem_i[s])

        def wait_idx(j, s):
            pltpu.make_async_copy(srcA.at[pl.ds(0, _CHUNK)], srcv[j], sem_i[s]).wait()
            pltpu.make_async_copy(dstA.at[pl.ds(0, _CHUNK)], dstv[j], sem_i[s]).wait()
            pltpu.make_async_copy(eaA.at[pl.ds(0, _CHUNK)], eav[j], sem_i[s]).wait()

        def issue_gather(j, r, s):
            pltpu.async_copy(xa.at[srcv[j]], rows[r], sem_g[s])
            pltpu.async_copy(adst16.at[dstv[j]], adr[r], sem_g[s])

        def wait_gather(j, r, s):
            pltpu.make_async_copy(xa.at[srcv[j]], rows[r], sem_g[s]).wait()
            pltpu.make_async_copy(adst16.at[dstv[j]], adr[r], sem_g[s]).wait()

        def compute(r, j):
            rows_b, adr_b, eav_b = rows[r], adr[r], eav[j]

            @plsc.parallel_loop(0, _CHUNK // 2, unroll=2)
            def pair_body(p):
                e0 = 2 * p
                r2 = jnp.full((16,), e0, jnp.int32) + row_off
                a1 = plsc.load_gather(rows_b, [r2, colc + 128])
                a2 = plsc.load_gather(adr_b, [r2, colc])
                eb = plsc.load_gather(eav_b, [r2])
                al = a1 + a2 + eb * c2v
                ex = jnp.exp(jnp.maximum(al, 0.2 * al))
                plsc.store_scatter(rows_b, [r2, colc + 128], ex)
                for h in range(8):
                    s0 = _dyn_gather(ex, jnp.full((16,), h, jnp.int32))
                    s1 = _dyn_gather(ex, jnp.full((16,), 8 + h, jnp.int32))
                    rows_b[e0, pl.ds(16 * h, 16)] = (
                        rows_b[e0, pl.ds(16 * h, 16)] * s0)
                    rows_b[e0 + 1, pl.ds(16 * h, 16)] = (
                        rows_b[e0 + 1, pl.ds(16 * h, 16)] * s1)

        issue_idx(0, 0, 0)
        wait_idx(0, 0)
        issue_gather(0, 0, 0)
        issue_idx(1, 1, 1)

        def outer(g, carry):
            for b in range(_UNROLL):
                q = _UNROLL * g + b
                r0, r1, r2_ = b % 3, (b + 1) % 3, (b + 2) % 3

                wait_gather(r0, r0, r0)

                @pl.when(q < last)
                def _():
                    wait_idx(r1, r1)
                    issue_gather(r1, r1, r1)

                compute(r0, r0)
                pltpu.sync_copy(rows[r0], acc.at[dstv[r0]], add=True)

                @pl.when(q + 2 <= last)
                def _():
                    issue_idx(q + 2, r2_, r2_)
            return carry

        lax.fori_loop(0, cpt // _UNROLL, outer, 0)
        plsc.subcore_barrier()
        pltpu.sync_copy(
            acc.at[pl.ds(sid * rows_per_tile, rows_per_tile)],
            out.at[cid, pl.ds(sid * rows_per_tile, rows_per_tile)])

    return sc_fn


def _epi_body(num_ref, x_ref, xa_ref, easum_ref,
              c8_ref, psel_ref, padd_ref, eexp_ref, bias_ref, g_ref, b_ref,
              o_ref, *, inv_e):
    n144 = num_ref[0] + num_ref[1]
    xa = xa_ref[...]
    xp = xa[:, :128]
    me = easum_ref[...] * inv_e
    asum = jnp.dot(xa, padd_ref[...], preferred_element_type=jnp.float32)
    al = asum + me * c8_ref[...]
    ex8 = jnp.exp(jnp.maximum(al, 0.2 * al))
    den8 = jnp.dot(n144, psel_ref[...], preferred_element_type=jnp.float32) + ex8
    eexp = eexp_ref[...]
    num = (n144[:, :128]
           + xp * jnp.dot(ex8, eexp, preferred_element_type=jnp.float32))
    den = jnp.dot(den8, eexp, preferred_element_type=jnp.float32)
    out = num / (den + 1e-16) + bias_ref[...]
    h = out + x_ref[...]
    mu = jnp.mean(h, axis=1, keepdims=True)
    hc = h - mu
    var = jnp.mean(hc * hc, axis=1, keepdims=True)
    o_ref[...] = jax.nn.relu(hc / jnp.sqrt(var + 1e-5) * g_ref[...] + b_ref[...])


def kernel(x, edge_index, edge_attr, W, W_edge, att_src, att_dst, att_edge,
           bias, ln_g, ln_b):
    N, D = x.shape
    E = edge_attr.shape[0]
    H, Ch = att_src.shape
    Dp = D + 2 * H

    As = (W.reshape(D, H, Ch) * att_src[None]).sum(-1)
    Ad = (W.reshape(D, H, Ch) * att_dst[None]).sum(-1)
    c8 = (W_edge.reshape(H, Ch) * att_edge).sum(-1)
    Wcat = jnp.concatenate([W, As, Ad], axis=1)
    Wad = jnp.concatenate([Ad, jnp.zeros((D, H), jnp.float32)], axis=1)
    c16 = jnp.concatenate([c8, c8])
    eye = jnp.eye(H, dtype=jnp.float32)
    zpad = jnp.zeros((D, H), jnp.float32)
    psel = jnp.concatenate([zpad, eye, jnp.zeros((H, H), jnp.float32)], axis=0)
    padd = jnp.concatenate([zpad, eye, eye], axis=0)
    eexp = jnp.repeat(eye, Ch, axis=1)

    BN = 1000
    grid = N // BN
    EB = E // grid

    xa, adst16, easum = pl.pallas_call(
        _prep_body,
        grid=(grid,),
        in_specs=[
            pl.BlockSpec((BN, D), lambda i: (i, 0)),
            pl.BlockSpec((D, Dp), lambda i: (0, 0)),
            pl.BlockSpec((D, 16), lambda i: (0, 0)),
            pl.BlockSpec((1, 1, EB), lambda i: (i, 0, 0)),
        ],
        out_specs=[
            pl.BlockSpec((BN, Dp), lambda i: (i, 0)),
            pl.BlockSpec((BN, 16), lambda i: (i, 0)),
            pl.BlockSpec((1, 1), lambda i: (0, 0)),
        ],
        out_shape=[
            jax.ShapeDtypeStruct((N, Dp), jnp.float32),
            jax.ShapeDtypeStruct((N, 16), jnp.float32),
            jax.ShapeDtypeStruct((1, 1), jnp.float32),
        ],
    )(x, Wcat, Wad, edge_attr.reshape(grid, 1, EB))

    rows_per_tile = -(-N // (_NS * 8)) * 8
    Npad = rows_per_tile * _NS
    zrows = jnp.zeros((rows_per_tile, Dp), jnp.float32)
    Epad = _NC * _NS * _chunks_per_tile(E) * _CHUNK
    npadE = Epad - E
    src_p = jnp.concatenate([edge_index[0], jnp.zeros((npadE,), jnp.int32)])
    dst_p = jnp.concatenate(
        [edge_index[1], jnp.full((npadE,), Npad - 1, jnp.int32)])
    ea_p = jnp.concatenate([edge_attr, jnp.zeros((npadE,), jnp.float32)])
    num2 = _make_sc_edge(N, E, Dp)(xa, adst16, src_p, dst_p, ea_p, c16, zrows)

    out = pl.pallas_call(
        functools.partial(_epi_body, inv_e=1.0 / E),
        grid=(grid,),
        in_specs=[
            pl.BlockSpec((_NC, BN, Dp), lambda i: (0, i, 0)),
            pl.BlockSpec((BN, D), lambda i: (i, 0)),
            pl.BlockSpec((BN, Dp), lambda i: (i, 0)),
            pl.BlockSpec((1, 1), lambda i: (0, 0)),
            pl.BlockSpec((1, H), lambda i: (0, 0)),
            pl.BlockSpec((Dp, H), lambda i: (0, 0)),
            pl.BlockSpec((Dp, H), lambda i: (0, 0)),
            pl.BlockSpec((H, D), lambda i: (0, 0)),
            pl.BlockSpec((1, D), lambda i: (0, 0)),
            pl.BlockSpec((1, D), lambda i: (0, 0)),
            pl.BlockSpec((1, D), lambda i: (0, 0)),
        ],
        out_specs=pl.BlockSpec((BN, D), lambda i: (i, 0)),
        out_shape=jax.ShapeDtypeStruct((N, D), jnp.float32),
    )(num2, x, xa, easum, c8.reshape(1, H), psel, padd, eexp,
      bias.reshape(1, D), ln_g.reshape(1, D), ln_b.reshape(1, D))
    return out

# --- scband reference (transcript-rebuilt; emitter-appended) ---
"""Pipeline reference for scband-gatblock-34711925686354 (READ-ONLY COPY).

The authoritative reference and input builder live on the scoring server;
editing this copy changes nothing except your own understanding.
"""

import jax, jax.numpy as jnp
import numpy as np

N = 10000
E = 320000
D = 128
H = 8
Ch = 16

def setup_inputs(seed: int = 0):
    key = jax.random.key(seed)
    ks = jax.random.split(key, 11)
    x = jax.random.normal(ks[0], (N, D), dtype=jnp.float32)
    edge_index = jax.random.randint(ks[1], (2, E), 0, N, dtype=jnp.int32)
    edge_attr = jax.random.uniform(ks[2], (E,), dtype=jnp.float32)
    s = 1.0 / np.sqrt(D)
    W = jax.random.normal(ks[3], (D, H * Ch), dtype=jnp.float32) * s
    W_edge = jax.random.normal(ks[4], (1, H * Ch), dtype=jnp.float32)
    att_src = jax.random.normal(ks[5], (H, Ch), dtype=jnp.float32) * s
    att_dst = jax.random.normal(ks[6], (H, Ch), dtype=jnp.float32) * s
    att_edge = jax.random.normal(ks[7], (H, Ch), dtype=jnp.float32) * s
    bias = jnp.zeros((H * Ch,), dtype=jnp.float32)
    ln_g = jnp.ones((D,), dtype=jnp.float32)
    ln_b = jnp.zeros((D,), dtype=jnp.float32)
    return {"x": x, "edge_index": edge_index, "edge_attr": edge_attr, "W": W, "W_edge": W_edge, "att_src": att_src, "att_dst": att_dst, "att_edge": att_edge, "bias": bias, "ln_g": ln_g, "ln_b": ln_b}

def _gat_block(x, edge_attr, W, W_edge, att_src, att_dst, att_edge, bias, ln_g, ln_b, edge_index):
    src = edge_index[0]
    dst = edge_index[1]
    # add_self_loops=True with fill_value='mean' for self-loop edge_attr (PyG default)
    loop = jnp.arange(N, dtype=edge_index.dtype)
    src = jnp.concatenate([src, loop])
    dst = jnp.concatenate([dst, loop])
    ea = edge_attr[:, None]
    loop_attr = jnp.full((N, 1), jnp.mean(edge_attr), dtype=edge_attr.dtype)
    ea = jnp.concatenate([ea, loop_attr], axis=0)
    # linear projection to heads
    xp = (x @ W).reshape(N, H, Ch)
    a_src = (xp * att_src[None]).sum(-1)
    a_dst = (xp * att_dst[None]).sum(-1)
    ef = (ea @ W_edge).reshape(-1, H, Ch)
    a_e = (ef * att_edge[None]).sum(-1)
    alpha = a_src[src] + a_dst[dst] + a_e
    alpha = jax.nn.leaky_relu(alpha, negative_slope=0.2)
    # segment softmax over destination nodes
    amax = jax.ops.segment_max(alpha, dst, num_segments=N)
    amax = jnp.where(jnp.isfinite(amax), amax, 0.0)
    ex = jnp.exp(alpha - amax[dst])
    denom = jax.ops.segment_sum(ex, dst, num_segments=N)
    attn = ex / (denom[dst] + 1e-16)
    # message passing: gather src features, weight, scatter-add to dst
    msg = xp[src] * attn[:, :, None]
    out = jax.ops.segment_sum(msg, dst, num_segments=N).reshape(N, H * Ch) + bias
    # dropout p=0 -> identity; residual + LayerNorm + ReLU
    h = out + x
    mu = jnp.mean(h, axis=-1, keepdims=True)
    var = jnp.var(h, axis=-1, keepdims=True)
    h = (h - mu) / jnp.sqrt(var + 1e-5) * ln_g + ln_b
    return jax.nn.relu(h)

def reference(x, edge_index, edge_attr, W, W_edge, att_src, att_dst, att_edge, bias, ln_g, ln_b):
    return _gat_block(x, edge_attr, W, W_edge, att_src, att_dst, att_edge, bias, ln_g, ln_b, edge_index)

if __name__ == "__main__":
    import jax
    _d = setup_inputs()
    print(jax.jit(kernel)(*tuple(_d.values())))

</pallas_src>

<mosaic_0001>
#map = affine_map<(d0, d1) -> (0, 0)>
#map1 = affine_map<(d0, d1) -> (0)>
#map2 = affine_map<(d0, d1) -> (0, 0, 0)>
module attributes {stable_mosaic.version = 14 : i64} {
  func.func @sc_fn(%arg0: i32, %arg1: i32, %arg2: memref<10000x144xf32, #tpu.memory_space<hbm>>, %arg3: memref<10000x16xf32, #tpu.memory_space<hbm>>, %arg4: memref<322560xi32, #tpu.memory_space<hbm>>, %arg5: memref<322560xi32, #tpu.memory_space<hbm>>, %arg6: memref<322560xf32, #tpu.memory_space<hbm>>, %arg7: memref<16xf32, #tpu.memory_space<hbm>>, %arg8: memref<632x144xf32, #tpu.memory_space<hbm>>, %arg9: memref<2x10112x144xf32, #tpu.memory_space<hbm>>, %arg10: memref<80xi32, #tpu.memory_space<vmem>>, %arg11: memref<80xi32, #tpu.memory_space<vmem>>, %arg12: memref<80xi32, #tpu.memory_space<vmem>>, %arg13: memref<80xi32, #tpu.memory_space<vmem>>, %arg14: memref<80xi32, #tpu.memory_space<vmem>>, %arg15: memref<80xi32, #tpu.memory_space<vmem>>, %arg16: memref<80xf32, #tpu.memory_space<vmem>>, %arg17: memref<80xf32, #tpu.memory_space<vmem>>, %arg18: memref<80xf32, #tpu.memory_space<vmem>>, %arg19: memref<80x144xf32, #tpu.memory_space<vmem>>, %arg20: memref<80x144xf32, #tpu.memory_space<vmem>>, %arg21: memref<80x144xf32, #tpu.memory_space<vmem>>, %arg22: memref<80x16xf32, #tpu.memory_space<vmem>>, %arg23: memref<80x16xf32, #tpu.memory_space<vmem>>, %arg24: memref<80x16xf32, #tpu.memory_space<vmem>>, %arg25: memref<16xf32, #tpu.memory_space<vmem>>, %arg26: memref<10112x144xf32, #tpu.memory_space<vmem_shared>>, %arg27: memref<!tpu.dma_semaphore, #tpu.memory_space<semaphore_mem>>, %arg28: memref<!tpu.dma_semaphore, #tpu.memory_space<semaphore_mem>>, %arg29: memref<!tpu.dma_semaphore, #tpu.memory_space<semaphore_mem>>, %arg30: memref<!tpu.dma_semaphore, #tpu.memory_space<semaphore_mem>>, %arg31: memref<!tpu.dma_semaphore, #tpu.memory_space<semaphore_mem>>, %arg32: memref<!tpu.dma_semaphore, #tpu.memory_space<semaphore_mem>>) attributes {dimension_semantics = [#tpu.dimension_semantics<core_parallel>, #tpu.dimension_semantics<subcore_parallel>], iteration_bounds = array<i64: 2, 16>, scalar_prefetch = 0 : i64, scratch_operands = 23 : i64, tpu.core_type = #tpu.core_type<sc_vector_subcore>, window_params = [{transform_indices = #map}, {transform_indices = #map}, {transform_indices = #map1}, {transform_indices = #map1}, {transform_indices = #map1}, {transform_indices = #map1}, {transform_indices = #map}, {transform_indices = #map2}]} {
    %mul3A = arith.constant 16 : i32
    %mul3A_0 = arith.muli %arg0, %mul3A : i32
    %add3A = arith.addi %mul3A_0, %arg1 : i32
    %mul3A_1 = arith.constant 126 : i32
    %mul3A_2 = arith.muli %add3A, %mul3A_1 : i32
    %mul3A_3 = arith.constant 632 : i32
    %mul3A_4 = arith.muli %arg1, %mul3A_3 : i32
    "tpu.region"() ({
      %run_scoped3A = tpu.sem_alloc : memref<!tpu.dma_semaphore, #tpu.memory_space<semaphore_mem>>
      %dma_start3A_56 = arith.constant 0 : i32
      %dma_start3A_57 = tpu.memref_slice %arg26[%mul3A_4, %dma_start3A_56] : memref<10112x144xf32, #tpu.memory_space<vmem_shared>> -> memref<632x144xf32, #tpu.memory_space<vmem_shared>>
      tpu.enqueue_dma source(%arg8 : memref<632x144xf32, #tpu.memory_space<hbm>>) target(%dma_start3A_57 : memref<632x144xf32, #tpu.memory_space<vmem_shared>>) target_semaphore(%run_scoped3A : memref<!tpu.dma_semaphore, #tpu.memory_space<semaphore_mem>>)
      %dma_wait3A_58 = arith.constant 0 : i32
      %dma_wait3A_59 = tpu.memref_slice %arg26[%mul3A_4, %dma_wait3A_58] : memref<10112x144xf32, #tpu.memory_space<vmem_shared>> -> memref<632x144xf32, #tpu.memory_space<vmem_shared>>
      tpu.wait_dma2 semaphore(%run_scoped3A : memref<!tpu.dma_semaphore, #tpu.memory_space<semaphore_mem>>) src(%arg8 : memref<632x144xf32, #tpu.memory_space<hbm>>) dst(%dma_wait3A_59 : memref<632x144xf32, #tpu.memory_space<vmem_shared>>)
      tpu.yield
    }) : () -> ()
    "tpu.region"() ({
      %run_scoped3A = tpu.sem_alloc : memref<!tpu.dma_semaphore, #tpu.memory_space<semaphore_mem>>
      tpu.enqueue_dma source(%arg7 : memref<16xf32, #tpu.memory_space<hbm>>) target(%arg25 : memref<16xf32, #tpu.memory_space<vmem>>) target_semaphore(%run_scoped3A : memref<!tpu.dma_semaphore, #tpu.memory_space<semaphore_mem>>)
      tpu.wait_dma2 semaphore(%run_scoped3A : memref<!tpu.dma_semaphore, #tpu.memory_space<semaphore_mem>>) src(%arg7 : memref<16xf32, #tpu.memory_space<hbm>>) dst(%arg25 : memref<16xf32, #tpu.memory_space<vmem>>)
      tpu.yield
    }) : () -> ()
    %barrier3A = arith.constant 0 : index
    tpu.barrier barrier_id(%barrier3A)
    %get3A = arith.constant 0 : index
    %get3A_5 = tpu.vector_load %arg25[%get3A] {strides = array<i32>} : memref<16xf32, #tpu.memory_space<vmem>>, vector<16xf32>,
    %iota3A = tpu.iota {dimensions = array<i32: 0>} : vector<16xi32>
    %shift_right_arithmetic3A = arith.constant 3 : i32
    %shift_right_arithmetic3A_6 = vector.broadcast %shift_right_arithmetic3A : i32 to vector<16xi32>
    %shift_right_arithmetic3A_7 = arith.shrsi %iota3A, %shift_right_arithmetic3A_6 : vector<16xi32>
    %and3A = arith.constant 7 : i32
    %and3A_8 = vector.broadcast %and3A : i32 to vector<16xi32>
    %and3A_9 = arith.andi %iota3A, %and3A_8 : vector<16xi32>
    %add3A_10 = arith.constant 0 : i32
    %add3A_11 = arith.addi %mul3A_2, %add3A_10 : i32
    %mul3A_12 = arith.constant 80 : i32
    %mul3A_13 = arith.muli %add3A_11, %mul3A_12 : i32
    %dma_start3A = tpu.memref_slice %arg4[%mul3A_13] : memref<322560xi32, #tpu.memory_space<hbm>> -> memref<80xi32, #tpu.memory_space<hbm>>
    %dma_start3A_14 = tpu.memref_slice %arg4[%mul3A_13] : memref<322560xi32, #tpu.memory_space<hbm>> -> memref<80xi32, #tpu.memory_space<hbm>>
    tpu.enqueue_dma source(%dma_start3A_14 : memref<80xi32, #tpu.memory_space<hbm>>) target(%arg10 : memref<80xi32, #tpu.memory_space<vmem>>) target_semaphore(%arg27 : memref<!tpu.dma_semaphore, #tpu.memory_space<semaphore_mem>>)
    %dma_start3A_15 = tpu.memref_slice %arg5[%mul3A_13] : memref<322560xi32, #tpu.memory_space<hbm>> -> memref<80xi32, #tpu.memory_space<hbm>>
    %dma_start3A_16 = tpu.memref_slice %arg5[%mul3A_13] : memref<322560xi32, #tpu.memory_space<hbm>> -> memref<80xi32, #tpu.memory_space<hbm>>
    tpu.enqueue_dma source(%dma_start3A_16 : memref<80xi32, #tpu.memory_space<hbm>>) target(%arg13 : memref<80xi32, #tpu.memory_space<vmem>>) target_semaphore(%arg27 : memref<!tpu.dma_semaphore, #tpu.memory_space<semaphore_mem>>)
    %dma_start3A_17 = tpu.memref_slice %arg6[%mul3A_13] : memref<322560xf32, #tpu.memory_space<hbm>> -> memref<80xf32, #tpu.memory_space<hbm>>
    %dma_start3A_18 = tpu.memref_slice %arg6[%mul3A_13] : memref<322560xf32, #tpu.memory_space<hbm>> -> memref<80xf32, #tpu.memory_space<hbm>>
    tpu.enqueue_dma source(%dma_start3A_18 : memref<80xf32, #tpu.memory_space<hbm>>) target(%arg16 : memref<80xf32, #tpu.memory_space<vmem>>) target_semaphore(%arg27 : memref<!tpu.dma_semaphore, #tpu.memory_space<semaphore_mem>>)
    %dma_wait3A = arith.constant 0 : i32
    %dma_wait3A_19 = tpu.memref_slice %arg4[%dma_wait3A] : memref<322560xi32, #tpu.memory_space<hbm>> -> memref<80xi32, #tpu.memory_space<hbm>>
    %dma_wait3A_20 = arith.constant 0 : i32
    %dma_wait3A_21 = tpu.memref_slice %arg4[%dma_wait3A_20] : memref<322560xi32, #tpu.memory_space<hbm>> -> memref<80xi32, #tpu.memory_space<hbm>>
    tpu.wait_dma2 semaphore(%arg27 : memref<!tpu.dma_semaphore, #tpu.memory_space<semaphore_mem>>) src(%dma_wait3A_21 : memref<80xi32, #tpu.memory_space<hbm>>) dst(%arg10 : memref<80xi32, #tpu.memory_space<vmem>>)
    %dma_wait3A_22 = arith.constant 0 : i32
    %dma_wait3A_23 = tpu.memref_slice %arg5[%dma_wait3A_22] : memref<322560xi32, #tpu.memory_space<hbm>> -> memref<80xi32, #tpu.memory_space<hbm>>
    %dma_wait3A_24 = arith.constant 0 : i32
    %dma_wait3A_25 = tpu.memref_slice %arg5[%dma_wait3A_24] : memref<322560xi32, #tpu.memory_space<hbm>> -> memref<80xi32, #tpu.memory_space<hbm>>
    tpu.wait_dma2 semaphore(%arg27 : memref<!tpu.dma_semaphore, #tpu.memory_space<semaphore_mem>>) src(%dma_wait3A_25 : memref<80xi32, #tpu.memory_space<hbm>>) dst(%arg13 : memref<80xi32, #tpu.memory_space<vmem>>)
    %dma_wait3A_26 = arith.constant 0 : i32
    %dma_wait3A_27 = tpu.memref_slice %arg6[%dma_wait3A_26] : memref<322560xf32, #tpu.memory_space<hbm>> -> memref<80xf32, #tpu.memory_space<hbm>>
    %dma_wait3A_28 = arith.constant 0 : i32
    %dma_wait3A_29 = tpu.memref_slice %arg6[%dma_wait3A_28] : memref<322560xf32, #tpu.memory_space<hbm>> -> memref<80xf32, #tpu.memory_space<hbm>>
    tpu.wait_dma2 semaphore(%arg27 : memref<!tpu.dma_semaphore, #tpu.memory_space<semaphore_mem>>) src(%dma_wait3A_29 : memref<80xf32, #tpu.memory_space<hbm>>) dst(%arg16 : memref<80xf32, #tpu.memory_space<vmem>>)
    %dma_start3A_30 = arith.constant 0 : i32
    %dma_start3A_31 = arith.constant 0 : i32
    %dma_start3A_32 = tpu.memref_slice %arg2[%dma_start3A_30, %dma_start3A_31] : memref<10000x144xf32, #tpu.memory_space<hbm>> -> memref<10000x144xf32, #tpu.memory_space<hbm>>
    tpu.enqueue_indirect_dma source(%dma_start3A_32 : memref<10000x144xf32, #tpu.memory_space<hbm>>) target(%arg19 : memref<80x144xf32, #tpu.memory_space<vmem>>) offsets(%arg10 : memref<80xi32, #tpu.memory_space<vmem>>) semaphore(%arg30 : memref<!tpu.dma_semaphore, #tpu.memory_space<semaphore_mem>>)
    %dma_start3A_33 = arith.constant 0 : i32
    %dma_start3A_34 = arith.constant 0 : i32
    %dma_start3A_35 = tpu.memref_slice %arg3[%dma_start3A_33, %dma_start3A_34] : memref<10000x16xf32, #tpu.memory_space<hbm>> -> memref<10000x16xf32, #tpu.memory_space<hbm>>
    tpu.enqueue_indirect_dma source(%dma_start3A_35 : memref<10000x16xf32, #tpu.memory_space<hbm>>) target(%arg22 : memref<80x16xf32, #tpu.memory_space<vmem>>) offsets(%arg13 : memref<80xi32, #tpu.memory_space<vmem>>) semaphore(%arg30 : memref<!tpu.dma_semaphore, #tpu.memory_space<semaphore_mem>>)
    %add3A_36 = arith.constant 1 : i32
    %add3A_37 = arith.addi %mul3A_2, %add3A_36 : i32
    %mul3A_38 = arith.constant 80 : i32
    %mul3A_39 = arith.muli %add3A_37, %mul3A_38 : i32
    %dma_start3A_40 = tpu.memref_slice %arg4[%mul3A_39] : memref<322560xi32, #tpu.memory_space<hbm>> -> memref<80xi32, #tpu.memory_space<hbm>>
    %dma_start3A_41 = tpu.memref_slice %arg4[%mul3A_39] : memref<322560xi32, #tpu.memory_space<hbm>> -> memref<80xi32, #tpu.memory_space<hbm>>
    tpu.enqueue_dma source(%dma_start3A_41 : memref<80xi32, #tpu.memory_space<hbm>>) target(%arg11 : memref<80xi32, #tpu.memory_space<vmem>>) target_semaphore(%arg28 : memref<!tpu.dma_semaphore, #tpu.memory_space<semaphore_mem>>)
    %dma_start3A_42 = tpu.memref_slice %arg5[%mul3A_39] : memref<322560xi32, #tpu.memory_space<hbm>> -> memref<80xi32, #tpu.memory_space<hbm>>
    %dma_start3A_43 = tpu.memref_slice %arg5[%mul3A_39] : memref<322560xi32, #tpu.memory_space<hbm>> -> memref<80xi32, #tpu.memory_space<hbm>>
    tpu.enqueue_dma source(%dma_start3A_43 : memref<80xi32, #tpu.memory_space<hbm>>) target(%arg14 : memref<80xi32, #tpu.memory_space<vmem>>) target_semaphore(%arg28 : memref<!tpu.dma_semaphore, #tpu.memory_space<semaphore_mem>>)
    %dma_start3A_44 = tpu.memref_slice %arg6[%mul3A_39] : memref<322560xf32, #tpu.memory_space<hbm>> -> memref<80xf32, #tpu.memory_space<hbm>>
    %dma_start3A_45 = tpu.memref_slice %arg6[%mul3A_39] : memref<322560xf32, #tpu.memory_space<hbm>> -> memref<80xf32, #tpu.memory_space<hbm>>
    tpu.enqueue_dma source(%dma_start3A_45 : memref<80xf32, #tpu.memory_space<hbm>>) target(%arg17 : memref<80xf32, #tpu.memory_space<vmem>>) target_semaphore(%arg28 : memref<!tpu.dma_semaphore, #tpu.memory_space<semaphore_mem>>)
    %scan3A = arith.constant 0 : i32
    %scan3A_46 = arith.constant 0 : i32
    %scan3A_47 = arith.constant 42 : i32
    %scan3A_48 = arith.addi %scan3A_46, %scan3A_47 : i32
    %scan3A_49 = arith.constant 1 : i32
    scf.for %scan3A_56 = %scan3A_46 to %scan3A_48 step %scan3A_49  : i32 {
      %mul3A_57 = arith.constant 3 : i32
      %mul3A_58 = arith.muli %mul3A_57, %scan3A_56 : i32
      %add3A_59 = arith.constant 0 : i32
      %add3A_60 = arith.addi %mul3A_58, %add3A_59 : i32
      %dma_wait3A_61 = arith.constant 0 : i32
      %dma_wait3A_62 = arith.constant 0 : i32
      %dma_wait3A_63 = tpu.memref_slice %arg2[%dma_wait3A_61, %dma_wait3A_62] : memref<10000x144xf32, #tpu.memory_space<hbm>> -> memref<10000x144xf32, #tpu.memory_space<hbm>>
      tpu.wait_indirect_dma semaphore(%arg30 : memref<!tpu.dma_semaphore, #tpu.memory_space<semaphore_mem>>) src(%dma_wait3A_63 : memref<10000x144xf32, #tpu.memory_space<hbm>>) dst(%arg19 : memref<80x144xf32, #tpu.memory_space<vmem>>)
      %dma_wait3A_64 = arith.constant 0 : i32
      %dma_wait3A_65 = arith.constant 0 : i32
      %dma_wait3A_66 = tpu.memref_slice %arg3[%dma_wait3A_64, %dma_wait3A_65] : memref<10000x16xf32, #tpu.memory_space<hbm>> -> memref<10000x16xf32, #tpu.memory_space<hbm>>
      tpu.wait_indirect_dma semaphore(%arg30 : memref<!tpu.dma_semaphore, #tpu.memory_space<semaphore_mem>>) src(%dma_wait3A_66 : memref<10000x16xf32, #tpu.memory_space<hbm>>) dst(%arg22 : memref<80x16xf32, #tpu.memory_space<vmem>>)
      %lt3A = arith.constant 125 : i32
      %lt3A_67 = arith.cmpi slt, %add3A_60, %lt3A : i32
      %convert_element_type3A = arith.extui %lt3A_67 : i1 to i32
      %cond3A = arith.constant 0 : i32
      %cond3A_68 = arith.cmpi ne, %convert_element_type3A, %cond3A : i32
      scf.if %cond3A_68 {
        %dma_wait3A_127 = arith.constant 0 : i32
        %dma_wait3A_128 = tpu.memref_slice %arg4[%dma_wait3A_127] : memref<322560xi32, #tpu.memory_space<hbm>> -> memref<80xi32, #tpu.memory_space<hbm>>
        %dma_wait3A_129 = arith.constant 0 : i32
        %dma_wait3A_130 = tpu.memref_slice %arg4[%dma_wait3A_129] : memref<322560xi32, #tpu.memory_space<hbm>> -> memref<80xi32, #tpu.memory_space<hbm>>
        tpu.wait_dma2 semaphore(%arg28 : memref<!tpu.dma_semaphore, #tpu.memory_space<semaphore_mem>>) src(%dma_wait3A_130 : memref<80xi32, #tpu.memory_space<hbm>>) dst(%arg11 : memref<80xi32, #tpu.memory_space<vmem>>)
        %dma_wait3A_131 = arith.constant 0 : i32
        %dma_wait3A_132 = tpu.memref_slice %arg5[%dma_wait3A_131] : memref<322560xi32, #tpu.memory_space<hbm>> -> memref<80xi32, #tpu.memory_space<hbm>>
        %dma_wait3A_133 = arith.constant 0 : i32
        %dma_wait3A_134 = tpu.memref_slice %arg5[%dma_wait3A_133] : memref<322560xi32, #tpu.memory_space<hbm>> -> memref<80xi32, #tpu.memory_space<hbm>>
        tpu.wait_dma2 semaphore(%arg28 : memref<!tpu.dma_semaphore, #tpu.memory_space<semaphore_mem>>) src(%dma_wait3A_134 : memref<80xi32, #tpu.memory_space<hbm>>) dst(%arg14 : memref<80xi32, #tpu.memory_space<vmem>>)
        %dma_wait3A_135 = arith.constant 0 : i32
        %dma_wait3A_136 = tpu.memref_slice %arg6[%dma_wait3A_135] : memref<322560xf32, #tpu.memory_space<hbm>> -> memref<80xf32, #tpu.memory_space<hbm>>
        %dma_wait3A_137 = arith.constant 0 : i32
        %dma_wait3A_138 = tpu.memref_slice %arg6[%dma_wait3A_137] : memref<322560xf32, #tpu.memory_space<hbm>> -> memref<80xf32, #tpu.memory_space<hbm>>
        tpu.wait_dma2 semaphore(%arg28 : memref<!tpu.dma_semaphore, #tpu.memory_space<semaphore_mem>>) src(%dma_wait3A_138 : memref<80xf32, #tpu.memory_space<hbm>>) dst(%arg17 : memref<80xf32, #tpu.memory_space<vmem>>)
        %dma_start3A_139 = arith.constant 0 : i32
        %dma_start3A_140 = arith.constant 0 : i32
        %dma_start3A_141 = tpu.memref_slice %arg2[%dma_start3A_139, %dma_start3A_140] : memref<10000x144xf32, #tpu.memory_space<hbm>> -> memref<10000x144xf32, #tpu.memory_space<hbm>>
        tpu.enqueue_indirect_dma source(%dma_start3A_141 : memref<10000x144xf32, #tpu.memory_space<hbm>>) target(%arg20 : memref<80x144xf32, #tpu.memory_space<vmem>>) offsets(%arg11 : memref<80xi32, #tpu.memory_space<vmem>>) semaphore(%arg31 : memref<!tpu.dma_semaphore, #tpu.memory_space<semaphore_mem>>)
        %dma_start3A_142 = arith.constant 0 : i32
        %dma_start3A_143 = arith.constant 0 : i32
        %dma_start3A_144 = tpu.memref_slice %arg3[%dma_start3A_142, %dma_start3A_143] : memref<10000x16xf32, #tpu.memory_space<hbm>> -> memref<10000x16xf32, #tpu.memory_space<hbm>>
        tpu.enqueue_indirect_dma source(%dma_start3A_144 : memref<10000x16xf32, #tpu.memory_space<hbm>>) target(%arg23 : memref<80x16xf32, #tpu.memory_space<vmem>>) offsets(%arg14 : memref<80xi32, #tpu.memory_space<vmem>>) semaphore(%arg31 : memref<!tpu.dma_semaphore, #tpu.memory_space<semaphore_mem>>)
      } else {
      }
      %parallel_loop3A = arith.constant 0 : i32
      %parallel_loop3A_69 = arith.constant 40 : i32
      %parallel_loop3A_70 = arith.constant 1 : i32
      scf.for %parallel_loop3A_127 = %parallel_loop3A to %parallel_loop3A_69 step %parallel_loop3A_70  : i32 {
        %parallel_loop3A_128 = arith.constant 2 : i32
        %parallel_loop3A_129 = arith.muli %parallel_loop3A_128, %parallel_loop3A_127 : i32
        %parallel_loop3A_130 = vector.broadcast %parallel_loop3A_129 : i32 to vector<16xi32>
        %parallel_loop3A_131 = arith.addi %parallel_loop3A_130, %shift_right_arithmetic3A_7 : vector<16xi32>
        %parallel_loop3A_132 = arith.constant 128 : i32
        %parallel_loop3A_133 = vector.broadcast %parallel_loop3A_132 : i32 to vector<16xi32>
        %parallel_loop3A_134 = arith.addi %and3A_9, %parallel_loop3A_133 : vector<16xi32>
        %parallel_loop3A_135 = tpu.vector_load_idx %arg19[%parallel_loop3A_131, %parallel_loop3A_134] : memref<80x144xf32, #tpu.memory_space<vmem>>[vector<16xi32>, vector<16xi32>], vector<16xf32>,
        %parallel_loop3A_136 = tpu.vector_load_idx %arg22[%parallel_loop3A_131, %and3A_9] : memref<80x16xf32, #tpu.memory_space<vmem>>[vector<16xi32>, vector<16xi32>], vector<16xf32>,
        %parallel_loop3A_137 = tpu.vector_load_idx %arg16[%parallel_loop3A_131] : memref<80xf32, #tpu.memory_space<vmem>>[vector<16xi32>], vector<16xf32>,
        %parallel_loop3A_138 = arith.addf %parallel_loop3A_135, %parallel_loop3A_136 : vector<16xf32>
        %parallel_loop3A_139 = arith.mulf %parallel_loop3A_137, %get3A_5 : vector<16xf32>
        %parallel_loop3A_140 = arith.addf %parallel_loop3A_138, %parallel_loop3A_139 : vector<16xf32>
        %parallel_loop3A_141 = arith.constant 2.000000e-01 : f32
        %parallel_loop3A_142 = vector.broadcast %parallel_loop3A_141 : f32 to vector<16xf32>
        %parallel_loop3A_143 = arith.mulf %parallel_loop3A_142, %parallel_loop3A_140 : vector<16xf32>
        %parallel_loop3A_144 = arith.maximumf %parallel_loop3A_140, %parallel_loop3A_143 : vector<16xf32>
        %parallel_loop3A_145 = math.exp %parallel_loop3A_144 : vector<16xf32>
        %parallel_loop3A_146 = arith.constant 128 : i32
        %parallel_loop3A_147 = vector.broadcast %parallel_loop3A_146 : i32 to vector<16xi32>
        %parallel_loop3A_148 = arith.addi %and3A_9, %parallel_loop3A_147 : vector<16xi32>
        tpu.vector_store_idx %arg19[%parallel_loop3A_131, %parallel_loop3A_148], %parallel_loop3A_145 : memref<80x144xf32, #tpu.memory_space<vmem>>[vector<16xi32>, vector<16xi32>], vector<16xf32>,
        %parallel_loop3A_149 = arith.constant 0 : i32
        %parallel_loop3A_150 = vector.broadcast %parallel_loop3A_149 : i32 to vector<16xi32>
        %parallel_loop3A_151 = vector.shape_cast %parallel_loop3A_150 : vector<16xi32> to vector<16x1xi32>
        %parallel_loop3A_152 = vector.shape_cast %parallel_loop3A_151 : vector<16x1xi32> to vector<16xi32>
        %parallel_loop3A_153 = tpu.dynamic_gather %parallel_loop3A_145[%parallel_loop3A_152] in [0] : vector<16xf32>, vector<16xi32> -> vector<16xf32>
        %parallel_loop3A_154 = arith.constant 8 : i32
        %parallel_loop3A_155 = vector.broadcast %parallel_loop3A_154 : i32 to vector<16xi32>
        %parallel_loop3A_156 = vector.shape_cast %parallel_loop3A_155 : vector<16xi32> to vector<16x1xi32>
        %parallel_loop3A_157 = vector.shape_cast %parallel_loop3A_156 : vector<16x1xi32> to vector<16xi32>
        %parallel_loop3A_158 = tpu.dynamic_gather %parallel_loop3A_145[%parallel_loop3A_157] in [0] : vector<16xf32>, vector<16xi32> -> vector<16xf32>
        %parallel_loop3A_159 = arith.index_cast %parallel_loop3A_129 : i32 to index
        %parallel_loop3A_160 = arith.constant 0 : index
        %parallel_loop3A_161 = tpu.vector_load %arg19[%parallel_loop3A_159, %parallel_loop3A_160] {strides = array<i32>} : memref<80x144xf32, #tpu.memory_space<vmem>>, vector<16xf32>,
        %parallel_loop3A_162 = arith.mulf %parallel_loop3A_161, %parallel_loop3A_153 : vector<16xf32>
        %parallel_loop3A_163 = arith.index_cast %parallel_loop3A_129 : i32 to index
        %parallel_loop3A_164 = arith.constant 0 : index
        %parallel_loop3A_165 = tpu.vector_load %arg19[%parallel_loop3A_163, %parallel_loop3A_164] {strides = array<i32>} : memref<80x144xf32, #tpu.memory_space<vmem>>, vector<16xf32>,
        tpu.vector_store %arg19[%parallel_loop3A_163, %parallel_loop3A_164], %parallel_loop3A_162 {strides = array<i32>} : memref<80x144xf32, #tpu.memory_space<vmem>>, vector<16xf32>,
        %parallel_loop3A_166 = arith.constant 1 : i32
        %parallel_loop3A_167 = arith.addi %parallel_loop3A_129, %parallel_loop3A_166 : i32
        %parallel_loop3A_168 = arith.index_cast %parallel_loop3A_167 : i32 to index
        %parallel_loop3A_169 = arith.constant 0 : index
        %parallel_loop3A_170 = tpu.vector_load %arg19[%parallel_loop3A_168, %parallel_loop3A_169] {strides = array<i32>} : memref<80x144xf32, #tpu.memory_space<vmem>>, vector<16xf32>,
        %parallel_loop3A_171 = arith.mulf %parallel_loop3A_170, %parallel_loop3A_158 : vector<16xf32>
        %parallel_loop3A_172 = arith.constant 1 : i32
        %parallel_loop3A_173 = arith.addi %parallel_loop3A_129, %parallel_loop3A_172 : i32
        %parallel_loop3A_174 = arith.index_cast %parallel_loop3A_173 : i32 to index
        %parallel_loop3A_175 = arith.constant 0 : index
        %parallel_loop3A_176 = tpu.vector_load %arg19[%parallel_loop3A_174, %parallel_loop3A_175] {strides = array<i32>} : memref<80x144xf32, #tpu.memory_space<vmem>>, vector<16xf32>,
        tpu.vector_store %arg19[%parallel_loop3A_174, %parallel_loop3A_175], %parallel_loop3A_171 {strides = array<i32>} : memref<80x144xf32, #tpu.memory_space<vmem>>, vector<16xf32>,
        %parallel_loop3A_177 = arith.constant 1 : i32
        %parallel_loop3A_178 = vector.broadcast %parallel_loop3A_177 : i32 to vector<16xi32>
        %parallel_loop3A_179 = vector.shape_cast %parallel_loop3A_178 : vector<16xi32> to vector<16x1xi32>
        %parallel_loop3A_180 = vector.shape_cast %parallel_loop3A_179 : vector<16x1xi32> to vector<16xi32>
        %parallel_loop3A_181 = tpu.dynamic_gather %parallel_loop3A_145[%parallel_loop3A_180] in [0] : vector<16xf32>, vector<16xi32> -> vector<16xf32>
        %parallel_loop3A_182 = arith.constant 9 : i32
        %parallel_loop3A_183 = vector.broadcast %parallel_loop3A_182 : i32 to vector<16xi32>
        %parallel_loop3A_184 = vector.shape_cast %parallel_loop3A_183 : vector<16xi32> to vector<16x1xi32>
        %parallel_loop3A_185 = vector.shape_cast %parallel_loop3A_184 : vector<16x1xi32> to vector<16xi32>
        %parallel_loop3A_186 = tpu.dynamic_gather %parallel_loop3A_145[%parallel_loop3A_185] in [0] : vector<16xf32>, vector<16xi32> -> vector<16xf32>
        %parallel_loop3A_187 = arith.index_cast %parallel_loop3A_129 : i32 to index
        %parallel_loop3A_188 = arith.constant 16 : index
        %parallel_loop3A_189 = tpu.vector_load %arg19[%parallel_loop3A_187, %parallel_loop3A_188] {strides = array<i32>} : memref<80x144xf32, #tpu.memory_space<vmem>>, vector<16xf32>,
        %parallel_loop3A_190 = arith.mulf %parallel_loop3A_189, %parallel_loop3A_181 : vector<16xf32>
        %parallel_loop3A_191 = arith.index_cast %parallel_loop3A_129 : i32 to index
        %parallel_loop3A_192 = arith.constant 16 : index
        %parallel_loop3A_193 = tpu.vector_load %arg19[%parallel_loop3A_191, %parallel_loop3A_192] {strides = array<i32>} : memref<80x144xf32, #tpu.memory_space<vmem>>, vector<16xf32>,
        tpu.vector_store %arg19[%parallel_loop3A_191, %parallel_loop3A_192], %parallel_loop3A_190 {strides = array<i32>} : memref<80x144xf32, #tpu.memory_space<vmem>>, vector<16xf32>,
        %parallel_loop3A_194 = arith.constant 1 : i32
        %parallel_loop3A_195 = arith.addi %parallel_loop3A_129, %parallel_loop3A_194 : i32
        %parallel_loop3A_196 = arith.index_cast %parallel_loop3A_195 : i32 to index
        %parallel_loop3A_197 = arith.constant 16 : index
        %parallel_loop3A_198 = tpu.vector_load %arg19[%parallel_loop3A_196, %parallel_loop3A_197] {strides = array<i32>} : memref<80x144xf32, #tpu.memory_space<vmem>>, vector<16xf32>,
        %parallel_loop3A_199 = arith.mulf %parallel_loop3A_198, %parallel_loop3A_186 : vector<16xf32>
        %parallel_loop3A_200 = arith.constant 1 : i32
        %parallel_loop3A_201 = arith.addi %parallel_loop3A_129, %parallel_loop3A_200 : i32
        %parallel_loop3A_202 = arith.index_cast %parallel_loop3A_201 : i32 to index
        %parallel_loop3A_203 = arith.constant 16 : index
        %parallel_loop3A_204 = tpu.vector_load %arg19[%parallel_loop3A_202, %parallel_loop3A_203] {strides = array<i32>} : memref<80x144xf32, #tpu.memory_space<vmem>>, vector<16xf32>,
        tpu.vector_store %arg19[%parallel_loop3A_202, %parallel_loop3A_203], %parallel_loop3A_199 {strides = array<i32>} : memref<80x144xf32, #tpu.memory_space<vmem>>, vector<16xf32>,
        %parallel_loop3A_205 = arith.constant 2 : i32
        %parallel_loop3A_206 = vector.broadcast %parallel_loop3A_205 : i32 to vector<16xi32>
        %parallel_loop3A_207 = vector.shape_cast %parallel_loop3A_206 : vector<16xi32> to vector<16x1xi32>
        %parallel_loop3A_208 = vector.shape_cast %parallel_loop3A_207 : vector<16x1xi32> to vector<16xi32>
        %parallel_loop3A_209 = tpu.dynamic_gather %parallel_loop3A_145[%parallel_loop3A_208] in [0] : vector<16xf32>, vector<16xi32> -> vector<16xf32>
        %parallel_loop3A_210 = arith.constant 10 : i32
        %parallel_loop3A_211 = vector.broadcast %parallel_loop3A_210 : i32 to vector<16xi32>
        %parallel_loop3A_212 = vector.shape_cast %parallel_loop3A_211 : vector<16xi32> to vector<16x1xi32>
        %parallel_loop3A_213 = vector.shape_cast %parallel_loop3A_212 : vector<16x1xi32> to vector<16xi32>
        %parallel_loop3A_214 = tpu.dynamic_gather %parallel_loop3A_145[%parallel_loop3A_213] in [0] : vector<16xf32>, vector<16xi32> -> vector<16xf32>
        %parallel_loop3A_215 = arith.index_cast %parallel_loop3A_129 : i32 to index
        %parallel_loop3A_216 = arith.constant 32 : index
        %parallel_loop3A_217 = tpu.vector_load %arg19[%parallel_loop3A_215, %parallel_loop3A_216] {strides = array<i32>} : memref<80x144xf32, #tpu.memory_space<vmem>>, vector<16xf32>,
        %parallel_loop3A_218 = arith.mulf %parallel_loop3A_217, %parallel_loop3A_209 : vector<16xf32>
        %parallel_loop3A_219 = arith.index_cast %parallel_loop3A_129 : i32 to index
        %parallel_loop3A_220 = arith.constant 32 : index
        %parallel_loop3A_221 = tpu.vector_load %arg19[%parallel_loop3A_219, %parallel_loop3A_220] {strides = array<i32>} : memref<80x144xf32, #tpu.memory_space<vmem>>, vector<16xf32>,
        tpu.vector_store %arg19[%parallel_loop3A_219, %parallel_loop3A_220], %parallel_loop3A_218 {strides = array<i32>} : memref<80x144xf32, #tpu.memory_space<vmem>>, vector<16xf32>,
        %parallel_loop3A_222 = arith.constant 1 : i32
        %parallel_loop3A_223 = arith.addi %parallel_loop3A_129, %parallel_loop3A_222 : i32
        %parallel_loop3A_224 = arith.index_cast %parallel_loop3A_223 : i32 to index
        %parallel_loop3A_225 = arith.constant 32 : index
        %parallel_loop3A_226 = tpu.vector_load %arg19[%parallel_loop3A_224, %parallel_loop3A_225] {strides = array<i32>} : memref<80x144xf32, #tpu.memory_space<vmem>>, vector<16xf32>,
        %parallel_loop3A_227 = arith.mulf %parallel_loop3A_226, %parallel_loop3A_214 : vector<16xf32>
        %parallel_loop3A_228 = arith.constant 1 : i32
        %parallel_loop3A_229 = arith.addi %parallel_loop3A_129, %parallel_loop3A_228 : i32
        %parallel_loop3A_230 = arith.index_cast %parallel_loop3A_229 : i32 to index
        %parallel_loop3A_231 = arith.constant 32 : index
        %parallel_loop3A_232 = tpu.vector_load %arg19[%parallel_loop3A_230, %parallel_loop3A_231] {strides = array<i32>} : memref<80x144xf32, #tpu.memory_space<vmem>>, vector<16xf32>,
        tpu.vector_store %arg19[%parallel_loop3A_230, %parallel_loop3A_231], %parallel_loop3A_227 {strides = array<i32>} : memref<80x144xf32, #tpu.memory_space<vmem>>, vector<16xf32>,
        %parallel_loop3A_233 = arith.constant 3 : i32
        %parallel_loop3A_234 = vector.broadcast %parallel_loop3A_233 : i32 to vector<16xi32>
        %parallel_loop3A_235 = vector.shape_cast %parallel_loop3A_234 : vector<16xi32> to vector<16x1xi32>
        %parallel_loop3A_236 = vector.shape_cast %parallel_loop3A_235 : vector<16x1xi32> to vector<16xi32>
        %parallel_loop3A_237 = tpu.dynamic_gather %parallel_loop3A_145[%parallel_loop3A_236] in [0] : vector<16xf32>, vector<16xi32> -> vector<16xf32>
        %parallel_loop3A_238 = arith.constant 11 : i32
        %parallel_loop3A_239 = vector.broadcast %parallel_loop3A_238 : i32 to vector<16xi32>
        %parallel_loop3A_240 = vector.shape_cast %parallel_loop3A_239 : vector<16xi32> to vector<16x1xi32>
        %parallel_loop3A_241 = vector.shape_cast %parallel_loop3A_240 : vector<16x1xi32> to vector<16xi32>
        %parallel_loop3A_242 = tpu.dynamic_gather %parallel_loop3A_145[%parallel_loop3A_241] in [0] : vector<16xf32>, vector<16xi32> -> vector<16xf32>
        %parallel_loop3A_243 = arith.index_cast %parallel_loop3A_129 : i32 to index
        %parallel_loop3A_244 = arith.constant 48 : index
        %parallel_loop3A_245 = tpu.vector_load %arg19[%parallel_loop3A_243, %parallel_loop3A_244] {strides = array<i32>} : memref<80x144xf32, #tpu.memory_space<vmem>>, vector<16xf32>,
        %parallel_loop3A_246 = arith.mulf %parallel_loop3A_245, %parallel_loop3A_237 : vector<16xf32>
        %parallel_loop3A_247 = arith.index_cast %parallel_loop3A_129 : i32 to index
        %parallel_loop3A_248 = arith.constant 48 : index
        %parallel_loop3A_249 = tpu.vector_load %arg19[%parallel_loop3A_247, %parallel_loop3A_248] {strides = array<i32>} : memref<80x144xf32, #tpu.memory_space<vmem>>, vector<16xf32>,
        tpu.vector_store %arg19[%parallel_loop3A_247, %parallel_loop3A_248], %parallel_loop3A_246 {strides = array<i32>} : memref<80x144xf32, #tpu.memory_space<vmem>>, vector<16xf32>,
        %parallel_loop3A_250 = arith.constant 1 : i32
        %parallel_loop3A_251 = arith.addi %parallel_loop3A_129, %parallel_loop3A_250 : i32
        %parallel_loop3A_252 = arith.index_cast %parallel_loop3A_251 : i32 to index
        %parallel_loop3A_253 = arith.constant 48 : index
        %parallel_loop3A_254 = tpu.vector_load %arg19[%parallel_loop3A_252, %parallel_loop3A_253] {strides = array<i32>} : memref<80x144xf32, #tpu.memory_space<vmem>>, vector<16xf32>,
        %parallel_loop3A_255 = arith.mulf %parallel_loop3A_254, %parallel_loop3A_242 : vector<16xf32>
        %parallel_loop3A_256 = arith.constant 1 : i32
        %parallel_loop3A_257 = arith.addi %parallel_loop3A_129, %parallel_loop3A_256 : i32
        %parallel_loop3A_258 = arith.index_cast %parallel_loop3A_257 : i32 to index
        %parallel_loop3A_259 = arith.constant 48 : index
        %parallel_loop3A_260 = tpu.vector_load %arg19[%parallel_loop3A_258, %parallel_loop3A_259] {strides = array<i32>} : memref<80x144xf32, #tpu.memory_space<vmem>>, vector<16xf32>,
        tpu.vector_store %arg19[%parallel_loop3A_258, %parallel_loop3A_259], %parallel_loop3A_255 {strides = array<i32>} : memref<80x144xf32, #tpu.memory_space<vmem>>, vector<16xf32>,
        %parallel_loop3A_261 = arith.constant 4 : i32
        %parallel_loop3A_262 = vector.broadcast %parallel_loop3A_261 : i32 to vector<16xi32>
        %parallel_loop3A_263 = vector.shape_cast %parallel_loop3A_262 : vector<16xi32> to vector<16x1xi32>
        %parallel_loop3A_264 = vector.shape_cast %parallel_loop3A_263 : vector<16x1xi32> to vector<16xi32>
        %parallel_loop3A_265 = tpu.dynamic_gather %parallel_loop3A_145[%parallel_loop3A_264] in [0] : vector<16xf32>, vector<16xi32> -> vector<16xf32>
        %parallel_loop3A_266 = arith.constant 12 : i32
        %parallel_loop3A_267 = vector.broadcast %parallel_loop3A_266 : i32 to vector<16xi32>
        %parallel_loop3A_268 = vector.shape_cast %parallel_loop3A_267 : vector<16xi32> to vector<16x1xi32>
        %parallel_loop3A_269 = vector.shape_cast %parallel_loop3A_268 : vector<16x1xi32> to vector<16xi32>
        %parallel_loop3A_270 = tpu.dynamic_gather %parallel_loop3A_145[%parallel_loop3A_269] in [0] : vector<16xf32>, vector<16xi32> -> vector<16xf32>
        %parallel_loop3A_271 = arith.index_cast %parallel_loop3A_129 : i32 to index
        %parallel_loop3A_272 = arith.constant 64 : index
        %parallel_loop3A_273 = tpu.vector_load %arg19[%parallel_loop3A_271, %parallel_loop3A_272] {strides = array<i32>} : memref<80x144xf32, #tpu.memory_space<vmem>>, vector<16xf32>,
        %parallel_loop3A_274 = arith.mulf %parallel_loop3A_273, %parallel_loop3A_265 : vector<16xf32>
        %parallel_loop3A_275 = arith.index_cast %parallel_loop3A_129 : i32 to index
        %parallel_loop3A_276 = arith.constant 64 : index
        %parallel_loop3A_277 = tpu.vector_load %arg19[%parallel_loop3A_275, %parallel_loop3A_276] {strides = array<i32>} : memref<80x144xf32, #tpu.memory_space<vmem>>, vector<16xf32>,
        tpu.vector_store %arg19[%parallel_loop3A_275, %parallel_loop3A_276], %parallel_loop3A_274 {strides = array<i32>} : memref<80x144xf32, #tpu.memory_space<vmem>>, vector<16xf32>,
        %parallel_loop3A_278 = arith.constant 1 : i32
        %parallel_loop3A_279 = arith.addi %parallel_loop3A_129, %parallel_loop3A_278 : i32
        %parallel_loop3A_280 = arith.index_cast %parallel_loop3A_279 : i32 to index
        %parallel_loop3A_281 = arith.constant 64 : index
        %parallel_loop3A_282 = tpu.vector_load %arg19[%parallel_loop3A_280, %parallel_loop3A_281] {strides = array<i32>} : memref<80x144xf32, #tpu.memory_space<vmem>>, vector<16xf32>,
        %parallel_loop3A_283 = arith.mulf %parallel_loop3A_282, %parallel_loop3A_270 : vector<16xf32>
        %parallel_loop3A_284 = arith.constant 1 : i32
        %parallel_loop3A_285 = arith.addi %parallel_loop3A_129, %parallel_loop3A_284 : i32
        %parallel_loop3A_286 = arith.index_cast %parallel_loop3A_285 : i32 to index
        %parallel_loop3A_287 = arith.constant 64 : index
        %parallel_loop3A_288 = tpu.vector_load %arg19[%parallel_loop3A_286, %parallel_loop3A_287] {strides = array<i32>} : memref<80x144xf32, #tpu.memory_space<vmem>>, vector<16xf32>,
        tpu.vector_store %arg19[%parallel_loop3A_286, %parallel_loop3A_287], %parallel_loop3A_283 {strides = array<i32>} : memref<80x144xf32, #tpu.memory_space<vmem>>, vector<16xf32>,
        %parallel_loop3A_289 = arith.constant 5 : i32
        %parallel_loop3A_290 = vector.broadcast %parallel_loop3A_289 : i32 to vector<16xi32>
        %parallel_loop3A_291 = vector.shape_cast %parallel_loop3A_290 : vector<16xi32> to vector<16x1xi32>
        %parallel_loop3A_292 = vector.shape_cast %parallel_loop3A_291 : vector<16x1xi32> to vector<16xi32>
        %parallel_loop3A_293 = tpu.dynamic_gather %parallel_loop3A_145[%parallel_loop3A_292] in [0] : vector<16xf32>, vector<16xi32> -> vector<16xf32>
        %parallel_loop3A_294 = arith.constant 13 : i32
        %parallel_loop3A_295 = vector.broadcast %parallel_loop3A_294 : i32 to vector<16xi32>
        %parallel_loop3A_296 = vector.shape_cast %parallel_loop3A_295 : vector<16xi32> to vector<16x1xi32>
        %parallel_loop3A_297 = vector.shape_cast %parallel_loop3A_296 : vector<16x1xi32> to vector<16xi32>
        %parallel_loop3A_298 = tpu.dynamic_gather %parallel_loop3A_145[%parallel_loop3A_297] in [0] : vector<16xf32>, vector<16xi32> -> vector<16xf32>
        %parallel_loop3A_299 = arith.index_cast %parallel_loop3A_129 : i32 to index
        %parallel_loop3A_300 = arith.constant 80 : index
        %parallel_loop3A_301 = tpu.vector_load %arg19[%parallel_loop3A_299, %parallel_loop3A_300] {strides = array<i32>} : memref<80x144xf32, #tpu.memory_space<vmem>>, vector<16xf32>,
        %parallel_loop3A_302 = arith.mulf %parallel_loop3A_301, %parallel_loop3A_293 : vector<16xf32>
        %parallel_loop3A_303 = arith.index_cast %parallel_loop3A_129 : i32 to index
        %parallel_loop3A_304 = arith.constant 80 : index
        %parallel_loop3A_305 = tpu.vector_load %arg19[%parallel_loop3A_303, %parallel_loop3A_304] {strides = array<i32>} : memref<80x144xf32, #tpu.memory_space<vmem>>, vector<16xf32>,
        tpu.vector_store %arg19[%parallel_loop3A_303, %parallel_loop3A_304], %parallel_loop3A_302 {strides = array<i32>} : memref<80x144xf32, #tpu.memory_space<vmem>>, vector<16xf32>,
        %parallel_loop3A_306 = arith.constant 1 : i32
        %parallel_loop3A_307 = arith.addi %parallel_loop3A_129, %parallel_loop3A_306 : i32
        %parallel_loop3A_308 = arith.index_cast %parallel_loop3A_307 : i32 to index
        %parallel_loop3A_309 = arith.constant 80 : index
        %parallel_loop3A_310 = tpu.vector_load %arg19[%parallel_loop3A_308, %parallel_loop3A_309] {strides = array<i32>} : memref<80x144xf32, #tpu.memory_space<vmem>>, vector<16xf32>,
        %parallel_loop3A_311 = arith.mulf %parallel_loop3A_310, %parallel_loop3A_298 : vector<16xf32>
        %parallel_loop3A_312 = arith.constant 1 : i32
        %parallel_loop3A_313 = arith.addi %parallel_loop3A_129, %parallel_loop3A_312 : i32
        %parallel_loop3A_314 = arith.index_cast %parallel_loop3A_313 : i32 to index
        %parallel_loop3A_315 = arith.constant 80 : index
        %parallel_loop3A_316 = tpu.vector_load %arg19[%parallel_loop3A_314, %parallel_loop3A_315] {strides = array<i32>} : memref<80x144xf32, #tpu.memory_space<vmem>>, vector<16xf32>,
        tpu.vector_store %arg19[%parallel_loop3A_314, %parallel_loop3A_315], %parallel_loop3A_311 {strides = array<i32>} : memref<80x144xf32, #tpu.memory_space<vmem>>, vector<16xf32>,
        %parallel_loop3A_317 = arith.constant 6 : i32
        %parallel_loop3A_318 = vector.broadcast %parallel_loop3A_317 : i32 to vector<16xi32>
        %parallel_loop3A_319 = vector.shape_cast %parallel_loop3A_318 : vector<16xi32> to vector<16x1xi32>
        %parallel_loop3A_320 = vector.shape_cast %parallel_loop3A_319 : vector<16x1xi32> to vector<16xi32>
        %parallel_loop3A_321 = tpu.dynamic_gather %parallel_loop3A_145[%parallel_loop3A_320] in [0] : vector<16xf32>, vector<16xi32> -> vector<16xf32>
        %parallel_loop3A_322 = arith.constant 14 : i32
        %parallel_loop3A_323 = vector.broadcast %parallel_loop3A_322 : i32 to vector<16xi32>
        %parallel_loop3A_324 = vector.shape_cast %parallel_loop3A_323 : vector<16xi32> to vector<16x1xi32>
        %parallel_loop3A_325 = vector.shape_cast %parallel_loop3A_324 : vector<16x1xi32> to vector<16xi32>
        %parallel_loop3A_326 = tpu.dynamic_gather %parallel_loop3A_145[%parallel_loop3A_325] in [0] : vector<16xf32>, vector<16xi32> -> vector<16xf32>
        %parallel_loop3A_327 = arith.index_cast %parallel_loop3A_129 : i32 to index
        %parallel_loop3A_328 = arith.constant 96 : index
        %parallel_loop3A_329 = tpu.vector_load %arg19[%parallel_loop3A_327, %parallel_loop3A_328] {strides = array<i32>} : memref<80x144xf32, #tpu.memory_space<vmem>>, vector<16xf32>,
        %parallel_loop3A_330 = arith.mulf %parallel_loop3A_329, %parallel_loop3A_321 : vector<16xf32>
        %parallel_loop3A_331 = arith.index_cast %parallel_loop3A_129 : i32 to index
        %parallel_loop3A_332 = arith.constant 96 : index
        %parallel_loop3A_333 = tpu.vector_load %arg19[%parallel_loop3A_331, %parallel_loop3A_332] {strides = array<i32>} : memref<80x144xf32, #tpu.memory_space<vmem>>, vector<16xf32>,
        tpu.vector_store %arg19[%parallel_loop3A_331, %parallel_loop3A_332], %parallel_loop3A_330 {strides = array<i32>} : memref<80x144xf32, #tpu.memory_space<vmem>>, vector<16xf32>,
        %parallel_loop3A_334 = arith.constant 1 : i32
        %parallel_loop3A_335 = arith.addi %parallel_loop3A_129, %parallel_loop3A_334 : i32
        %parallel_loop3A_336 = arith.index_cast %parallel_loop3A_335 : i32 to index
        %parallel_loop3A_337 = arith.constant 96 : index
        %parallel_loop3A_338 = tpu.vector_load %arg19[%parallel_loop3A_336, %parallel_loop3A_337] {strides = array<i32>} : memref<80x144xf32, #tpu.memory_space<vmem>>, vector<16xf32>,
        %parallel_loop3A_339 = arith.mulf %parallel_loop3A_338, %parallel_loop3A_326 : vector<16xf32>
        %parallel_loop3A_340 = arith.constant 1 : i32
        %parallel_loop3A_341 = arith.addi %parallel_loop3A_129, %parallel_loop3A_340 : i32
        %parallel_loop3A_342 = arith.index_cast %parallel_loop3A_341 : i32 to index
        %parallel_loop3A_343 = arith.constant 96 : index
        %parallel_loop3A_344 = tpu.vector_load %arg19[%parallel_loop3A_342, %parallel_loop3A_343] {strides = array<i32>} : memref<80x144xf32, #tpu.memory_space<vmem>>, vector<16xf32>,
        tpu.vector_store %arg19[%parallel_loop3A_342, %parallel_loop3A_343], %parallel_loop3A_339 {strides = array<i32>} : memref<80x144xf32, #tpu.memory_space<vmem>>, vector<16xf32>,
        %parallel_loop3A_345 = arith.constant 7 : i32
        %parallel_loop3A_346 = vector.broadcast %parallel_loop3A_345 : i32 to vector<16xi32>
        %parallel_loop3A_347 = vector.shape_cast %parallel_loop3A_346 : vector<16xi32> to vector<16x1xi32>
        %parallel_loop3A_348 = vector.shape_cast %parallel_loop3A_347 : vector<16x1xi32> to vector<16xi32>
        %parallel_loop3A_349 = tpu.dynamic_gather %parallel_loop3A_145[%parallel_loop3A_348] in [0] : vector<16xf32>, vector<16xi32> -> vector<16xf32>
        %parallel_loop3A_350 = arith.constant 15 : i32
        %parallel_loop3A_351 = vector.broadcast %parallel_loop3A_350 : i32 to vector<16xi32>
        %parallel_loop3A_352 = vector.shape_cast %parallel_loop3A_351 : vector<16xi32> to vector<16x1xi32>
        %parallel_loop3A_353 = vector.shape_cast %parallel_loop3A_352 : vector<16x1xi32> to vector<16xi32>
        %parallel_loop3A_354 = tpu.dynamic_gather %parallel_loop3A_145[%parallel_loop3A_353] in [0] : vector<16xf32>, vector<16xi32> -> vector<16xf32>
        %parallel_loop3A_355 = arith.index_cast %parallel_loop3A_129 : i32 to index
        %parallel_loop3A_356 = arith.constant 112 : index
        %parallel_loop3A_357 = tpu.vector_load %arg19[%parallel_loop3A_355, %parallel_loop3A_356] {strides = array<i32>} : memref<80x144xf32, #tpu.memory_space<vmem>>, vector<16xf32>,
        %parallel_loop3A_358 = arith.mulf %parallel_loop3A_357, %parallel_loop3A_349 : vector<16xf32>
        %parallel_loop3A_359 = arith.index_cast %parallel_loop3A_129 : i32 to index
        %parallel_loop3A_360 = arith.constant 112 : index
        %parallel_loop3A_361 = tpu.vector_load %arg19[%parallel_loop3A_359, %parallel_loop3A_360] {strides = array<i32>} : memref<80x144xf32, #tpu.memory_space<vmem>>, vector<16xf32>,
        tpu.vector_store %arg19[%parallel_loop3A_359, %parallel_loop3A_360], %parallel_loop3A_358 {strides = array<i32>} : memref<80x144xf32, #tpu.memory_space<vmem>>, vector<16xf32>,
        %parallel_loop3A_362 = arith.constant 1 : i32
        %parallel_loop3A_363 = arith.addi %parallel_loop3A_129, %parallel_loop3A_362 : i32
        %parallel_loop3A_364 = arith.index_cast %parallel_loop3A_363 : i32 to index
        %parallel_loop3A_365 = arith.constant 112 : index
        %parallel_loop3A_366 = tpu.vector_load %arg19[%parallel_loop3A_364, %parallel_loop3A_365] {strides = array<i32>} : memref<80x144xf32, #tpu.memory_space<vmem>>, vector<16xf32>,
        %parallel_loop3A_367 = arith.mulf %parallel_loop3A_366, %parallel_loop3A_354 : vector<16xf32>
        %parallel_loop3A_368 = arith.constant 1 : i32
        %parallel_loop3A_369 = arith.addi %parallel_loop3A_129, %parallel_loop3A_368 : i32
        %parallel_loop3A_370 = arith.index_cast %parallel_loop3A_369 : i32 to index
        %parallel_loop3A_371 = arith.constant 112 : index
        %parallel_loop3A_372 = tpu.vector_load %arg19[%parallel_loop3A_370, %parallel_loop3A_371] {strides = array<i32>} : memref<80x144xf32, #tpu.memory_space<vmem>>, vector<16xf32>,
        tpu.vector_store %arg19[%parallel_loop3A_370, %parallel_loop3A_371], %parallel_loop3A_367 {strides = array<i32>} : memref<80x144xf32, #tpu.memory_space<vmem>>, vector<16xf32>,
      } {sc.loop_unroll_factor = 2 : i64, sc.parallel_access}
      "tpu.region"() ({
        %run_scoped3A = tpu.sem_alloc : memref<!tpu.dma_semaphore, #tpu.memory_space<semaphore_mem>>
        %dma_start3A_127 = arith.constant 0 : i32
        %dma_start3A_128 = arith.constant 0 : i32
        %dma_start3A_129 = tpu.memref_slice %arg26[%dma_start3A_127, %dma_start3A_128] : memref<10112x144xf32, #tpu.memory_space<vmem_shared>> -> memref<10112x144xf32, #tpu.memory_space<vmem_shared>>
        tpu.enqueue_indirect_dma source(%arg19 : memref<80x144xf32, #tpu.memory_space<vmem>>) target(%dma_start3A_129 : memref<10112x144xf32, #tpu.memory_space<vmem_shared>>) offsets(%arg13 : memref<80xi32, #tpu.memory_space<vmem>>) semaphore(%run_scoped3A : memref<!tpu.dma_semaphore, #tpu.memory_space<semaphore_mem>>) {add = true}
        %dma_wait3A_130 = arith.constant 0 : i32
        %dma_wait3A_131 = arith.constant 0 : i32
        %dma_wait3A_132 = tpu.memref_slice %arg26[%dma_wait3A_130, %dma_wait3A_131] : memref<10112x144xf32, #tpu.memory_space<vmem_shared>> -> memref<10112x144xf32, #tpu.memory_space<vmem_shared>>
        tpu.wait_indirect_dma semaphore(%run_scoped3A : memref<!tpu.dma_semaphore, #tpu.memory_space<semaphore_mem>>) src(%arg19 : memref<80x144xf32, #tpu.memory_space<vmem>>) dst(%dma_wait3A_132 : memref<10112x144xf32, #tpu.memory_space<vmem_shared>>)
        tpu.yield
      }) : () -> ()
      %add3A_71 = arith.constant 2 : i32
      %add3A_72 = arith.addi %add3A_60, %add3A_71 : i32
      %le3A = arith.constant 125 : i32
      %le3A_73 = arith.cmpi sle, %add3A_72, %le3A : i32
      %convert_element_type3A_74 = arith.extui %le3A_73 : i1 to i32
      %cond3A_75 = arith.constant 0 : i32
      %cond3A_76 = arith.cmpi ne, %convert_element_type3A_74, %cond3A_75 : i32
      scf.if %cond3A_76 {
        %add3A_127 = arith.constant 2 : i32
        %add3A_128 = arith.addi %add3A_60, %add3A_127 : i32
        %add3A_129 = arith.addi %mul3A_2, %add3A_128 : i32
        %mul3A_130 = arith.constant 80 : i32
        %mul3A_131 = arith.muli %add3A_129, %mul3A_130 : i32
        %dma_start3A_132 = tpu.memref_slice %arg4[%mul3A_131] : memref<322560xi32, #tpu.memory_space<hbm>> -> memref<80xi32, #tpu.memory_space<hbm>>
        %dma_start3A_133 = tpu.memref_slice %arg4[%mul3A_131] : memref<322560xi32, #tpu.memory_space<hbm>> -> memref<80xi32, #tpu.memory_space<hbm>>
        tpu.enqueue_dma source(%dma_start3A_133 : memref<80xi32, #tpu.memory_space<hbm>>) target(%arg12 : memref<80xi32, #tpu.memory_space<vmem>>) target_semaphore(%arg29 : memref<!tpu.dma_semaphore, #tpu.memory_space<semaphore_mem>>)
        %dma_start3A_134 = tpu.memref_slice %arg5[%mul3A_131] : memref<322560xi32, #tpu.memory_space<hbm>> -> memref<80xi32, #tpu.memory_space<hbm>>
        %dma_start3A_135 = tpu.memref_slice %arg5[%mul3A_131] : memref<322560xi32, #tpu.memory_space<hbm>> -> memref<80xi32, #tpu.memory_space<hbm>>
        tpu.enqueue_dma source(%dma_start3A_135 : memref<80xi32, #tpu.memory_space<hbm>>) target(%arg15 : memref<80xi32, #tpu.memory_space<vmem>>) target_semaphore(%arg29 : memref<!tpu.dma_semaphore, #tpu.memory_space<semaphore_mem>>)
        %dma_start3A_136 = tpu.memref_slice %arg6[%mul3A_131] : memref<322560xf32, #tpu.memory_space<hbm>> -> memref<80xf32, #tpu.memory_space<hbm>>
        %dma_start3A_137 = tpu.memref_slice %arg6[%mul3A_131] : memref<322560xf32, #tpu.memory_space<hbm>> -> memref<80xf32, #tpu.memory_space<hbm>>
        tpu.enqueue_dma source(%dma_start3A_137 : memref<80xf32, #tpu.memory_space<hbm>>) target(%arg18 : memref<80xf32, #tpu.memory_space<vmem>>) target_semaphore(%arg29 : memref<!tpu.dma_semaphore, #tpu.memory_space<semaphore_mem>>)
      } else {
      }
      %mul3A_77 = arith.constant 3 : i32
      %mul3A_78 = arith.muli %mul3A_77, %scan3A_56 : i32
      %add3A_79 = arith.constant 1 : i32
      %add3A_80 = arith.addi %mul3A_78, %add3A_79 : i32
      %dma_wait3A_81 = arith.constant 0 : i32
      %dma_wait3A_82 = arith.constant 0 : i32
      %dma_wait3A_83 = tpu.memref_slice %arg2[%dma_wait3A_81, %dma_wait3A_82] : memref<10000x144xf32, #tpu.memory_space<hbm>> -> memref<10000x144xf32, #tpu.memory_space<hbm>>
      tpu.wait_indirect_dma semaphore(%arg31 : memref<!tpu.dma_semaphore, #tpu.memory_space<semaphore_mem>>) src(%dma_wait3A_83 : memref<10000x144xf32, #tpu.memory_space<hbm>>) dst(%arg20 : memref<80x144xf32, #tpu.memory_space<vmem>>)
      %dma_wait3A_84 = arith.constant 0 : i32
      %dma_wait3A_85 = arith.constant 0 : i32
      %dma_wait3A_86 = tpu.memref_slice %arg3[%dma_wait3A_84, %dma_wait3A_85] : memref<10000x16xf32, #tpu.memory_space<hbm>> -> memref<10000x16xf32, #tpu.memory_space<hbm>>
      tpu.wait_indirect_dma semaphore(%arg31 : memref<!tpu.dma_semaphore, #tpu.memory_space<semaphore_mem>>) src(%dma_wait3A_86 : memref<10000x16xf32, #tpu.memory_space<hbm>>) dst(%arg23 : memref<80x16xf32, #tpu.memory_space<vmem>>)
      %lt3A_87 = arith.constant 125 : i32
      %lt3A_88 = arith.cmpi slt, %add3A_80, %lt3A_87 : i32
      %convert_element_type3A_89 = arith.extui %lt3A_88 : i1 to i32
      %cond3A_90 = arith.constant 0 : i32
      %cond3A_91 = arith.cmpi ne, %convert_element_type3A_89, %cond3A_90 : i32
      scf.if %cond3A_91 {
        %dma_wait3A_127 = arith.constant 0 : i32
        %dma_wait3A_128 = tpu.memref_slice %arg4[%dma_wait3A_127] : memref<322560xi32, #tpu.memory_space<hbm>> -> memref<80xi32, #tpu.memory_space<hbm>>
        %dma_wait3A_129 = arith.constant 0 : i32
        %dma_wait3A_130 = tpu.memref_slice %arg4[%dma_wait3A_129] : memref<322560xi32, #tpu.memory_space<hbm>> -> memref<80xi32, #tpu.memory_space<hbm>>
        tpu.wait_dma2 semaphore(%arg29 : memref<!tpu.dma_semaphore, #tpu.memory_space<semaphore_mem>>) src(%dma_wait3A_130 : memref<80xi32, #tpu.memory_space<hbm>>) dst(%arg12 : memref<80xi32, #tpu.memory_space<vmem>>)
        %dma_wait3A_131 = arith.constant 0 : i32
        %dma_wait3A_132 = tpu.memref_slice %arg5[%dma_wait3A_131] : memref<322560xi32, #tpu.memory_space<hbm>> -> memref<80xi32, #tpu.memory_space<hbm>>
        %dma_wait3A_133 = arith.constant 0 : i32
        %dma_wait3A_134 = tpu.memref_slice %arg5[%dma_wait3A_133] : memref<322560xi32, #tpu.memory_space<hbm>> -> memref<80xi32, #tpu.memory_space<hbm>>
        tpu.wait_dma2 semaphore(%arg29 : memref<!tpu.dma_semaphore, #tpu.memory_space<semaphore_mem>>) src(%dma_wait3A_134 : memref<80xi32, #tpu.memory_space<hbm>>) dst(%arg15 : memref<80xi32, #tpu.memory_space<vmem>>)
        %dma_wait3A_135 = arith.constant 0 : i32
        %dma_wait3A_136 = tpu.memref_slice %arg6[%dma_wait3A_135] : memref<322560xf32, #tpu.memory_space<hbm>> -> memref<80xf32, #tpu.memory_space<hbm>>
        %dma_wait3A_137 = arith.constant 0 : i32
        %dma_wait3A_138 = tpu.memref_slice %arg6[%dma_wait3A_137] : memref<322560xf32, #tpu.memory_space<hbm>> -> memref<80xf32, #tpu.memory_space<hbm>>
        tpu.wait_dma2 semaphore(%arg29 : memref<!tpu.dma_semaphore, #tpu.memory_space<semaphore_mem>>) src(%dma_wait3A_138 : memref<80xf32, #tpu.memory_space<hbm>>) dst(%arg18 : memref<80xf32, #tpu.memory_space<vmem>>)
        %dma_start3A_139 = arith.constant 0 : i32
        %dma_start3A_140 = arith.constant 0 : i32
        %dma_start3A_141 = tpu.memref_slice %arg2[%dma_start3A_139, %dma_start3A_140] : memref<10000x144xf32, #tpu.memory_space<hbm>> -> memref<10000x144xf32, #tpu.memory_space<hbm>>
        tpu.enqueue_indirect_dma source(%dma_start3A_141 : memref<10000x144xf32, #tpu.memory_space<hbm>>) target(%arg21 : memref<80x144xf32, #tpu.memory_space<vmem>>) offsets(%arg12 : memref<80xi32, #tpu.memory_space<vmem>>) semaphore(%arg32 : memref<!tpu.dma_semaphore, #tpu.memory_space<semaphore_mem>>)
        %dma_start3A_142 = arith.constant 0 : i32
        %dma_start3A_143 = arith.constant 0 : i32
        %dma_start3A_144 = tpu.memref_slice %arg3[%dma_start3A_142, %dma_start3A_143] : memref<10000x16xf32, #tpu.memory_space<hbm>> -> memref<10000x16xf32, #tpu.memory_space<hbm>>
        tpu.enqueue_indirect_dma source(%dma_start3A_144 : memref<10000x16xf32, #tpu.memory_space<hbm>>) target(%arg24 : memref<80x16xf32, #tpu.memory_space<vmem>>) offsets(%arg15 : memref<80xi32, #tpu.memory_space<vmem>>) semaphore(%arg32 : memref<!tpu.dma_semaphore, #tpu.memory_space<semaphore_mem>>)
      } else {
      }
      %parallel_loop3A_92 = arith.constant 0 : i32
      %parallel_loop3A_93 = arith.constant 40 : i32
      %parallel_loop3A_94 = arith.constant 1 : i32
      scf.for %parallel_loop3A_127 = %parallel_loop3A_92 to %parallel_loop3A_93 step %parallel_loop3A_94  : i32 {
        %parallel_loop3A_128 = arith.constant 2 : i32
        %parallel_loop3A_129 = arith.muli %parallel_loop3A_128, %parallel_loop3A_127 : i32
        %parallel_loop3A_130 = vector.broadcast %parallel_loop3A_129 : i32 to vector<16xi32>
        %parallel_loop3A_131 = arith.addi %parallel_loop3A_130, %shift_right_arithmetic3A_7 : vector<16xi32>
        %parallel_loop3A_132 = arith.constant 128 : i32
        %parallel_loop3A_133 = vector.broadcast %parallel_loop3A_132 : i32 to vector<16xi32>
        %parallel_loop3A_134 = arith.addi %and3A_9, %parallel_loop3A_133 : vector<16xi32>
        %parallel_loop3A_135 = tpu.vector_load_idx %arg20[%parallel_loop3A_131, %parallel_loop3A_134] : memref<80x144xf32, #tpu.memory_space<vmem>>[vector<16xi32>, vector<16xi32>], vector<16xf32>,
        %parallel_loop3A_136 = tpu.vector_load_idx %arg23[%parallel_loop3A_131, %and3A_9] : memref<80x16xf32, #tpu.memory_space<vmem>>[vector<16xi32>, vector<16xi32>], vector<16xf32>,
        %parallel_loop3A_137 = tpu.vector_load_idx %arg17[%parallel_loop3A_131] : memref<80xf32, #tpu.memory_space<vmem>>[vector<16xi32>], vector<16xf32>,
        %parallel_loop3A_138 = arith.addf %parallel_loop3A_135, %parallel_loop3A_136 : vector<16xf32>
        %parallel_loop3A_139 = arith.mulf %parallel_loop3A_137, %get3A_5 : vector<16xf32>
        %parallel_loop3A_140 = arith.addf %parallel_loop3A_138, %parallel_loop3A_139 : vector<16xf32>
        %parallel_loop3A_141 = arith.constant 2.000000e-01 : f32
        %parallel_loop3A_142 = vector.broadcast %parallel_loop3A_141 : f32 to vector<16xf32>
        %parallel_loop3A_143 = arith.mulf %parallel_loop3A_142, %parallel_loop3A_140 : vector<16xf32>
        %parallel_loop3A_144 = arith.maximumf %parallel_loop3A_140, %parallel_loop3A_143 : vector<16xf32>
        %parallel_loop3A_145 = math.exp %parallel_loop3A_144 : vector<16xf32>
        %parallel_loop3A_146 = arith.constant 128 : i32
        %parallel_loop3A_147 = vector.broadcast %parallel_loop3A_146 : i32 to vector<16xi32>
        %parallel_loop3A_148 = arith.addi %and3A_9, %parallel_loop3A_147 : vector<16xi32>
        tpu.vector_store_idx %arg20[%parallel_loop3A_131, %parallel_loop3A_148], %parallel_loop3A_145 : memref<80x144xf32, #tpu.memory_space<vmem>>[vector<16xi32>, vector<16xi32>], vector<16xf32>,
        %parallel_loop3A_149 = arith.constant 0 : i32
        %parallel_loop3A_150 = vector.broadcast %parallel_loop3A_149 : i32 to vector<16xi32>
        %parallel_loop3A_151 = vector.shape_cast %parallel_loop3A_150 : vector<16xi32> to vector<16x1xi32>
        %parallel_loop3A_152 = vector.shape_cast %parallel_loop3A_151 : vector<16x1xi32> to vector<16xi32>
        %parallel_loop3A_153 = tpu.dynamic_gather %parallel_loop3A_145[%parallel_loop3A_152] in [0] : vector<16xf32>, vector<16xi32> -> vector<16xf32>
        %parallel_loop3A_154 = arith.constant 8 : i32
        %parallel_loop3A_155 = vector.broadcast %parallel_loop3A_154 : i32 to vector<16xi32>
        %parallel_loop3A_156 = vector.shape_cast %parallel_loop3A_155 : vector<16xi32> to vector<16x1xi32>
        %parallel_loop3A_157 = vector.shape_cast %parallel_loop3A_156 : vector<16x1xi32> to vector<16xi32>
        %parallel_loop3A_158 = tpu.dynamic_gather %parallel_loop3A_145[%parallel_loop3A_157] in [0] : vector<16xf32>, vector<16xi32> -> vector<16xf32>
        %parallel_loop3A_159 = arith.index_cast %parallel_loop3A_129 : i32 to index
        %parallel_loop3A_160 = arith.constant 0 : index
        %parallel_loop3A_161 = tpu.vector_load %arg20[%parallel_loop3A_159, %parallel_loop3A_160] {strides = array<i32>} : memref<80x144xf32, #tpu.memory_space<vmem>>, vector<16xf32>,
        %parallel_loop3A_162 = arith.mulf %parallel_loop3A_161, %parallel_loop3A_153 : vector<16xf32>
        %parallel_loop3A_163 = arith.index_cast %parallel_loop3A_129 : i32 to index
        %parallel_loop3A_164 = arith.constant 0 : index
        %parallel_loop3A_165 = tpu.vector_load %arg20[%parallel_loop3A_163, %parallel_loop3A_164] {strides = array<i32>} : memref<80x144xf32, #tpu.memory_space<vmem>>, vector<16xf32>,
        tpu.vector_store %arg20[%parallel_loop3A_163, %parallel_loop3A_164], %parallel_loop3A_162 {strides = array<i32>} : memref<80x144xf32, #tpu.memory_space<vmem>>, vector<16xf32>,
        %parallel_loop3A_166 = arith.constant 1 : i32
        %parallel_loop3A_167 = arith.addi %parallel_loop3A_129, %parallel_loop3A_166 : i32
        %parallel_loop3A_168 = arith.index_cast %parallel_loop3A_167 : i32 to index
        %parallel_loop3A_169 = arith.constant 0 : index
        %parallel_loop3A_170 = tpu.vector_load %arg20[%parallel_loop3A_168, %parallel_loop3A_169] {strides = array<i32>} : memref<80x144xf32, #tpu.memory_space<vmem>>, vector<16xf32>,
        %parallel_loop3A_171 = arith.mulf %parallel_loop3A_170, %parallel_loop3A_158 : vector<16xf32>
        %parallel_loop3A_172 = arith.constant 1 : i32
        %parallel_loop3A_173 = arith.addi %parallel_loop3A_129, %parallel_loop3A_172 : i32
        %parallel_loop3A_174 = arith.index_cast %parallel_loop3A_173 : i32 to index
        %parallel_loop3A_175 = arith.constant 0 : index
        %parallel_loop3A_176 = tpu.vector_load %arg20[%parallel_loop3A_174, %parallel_loop3A_175] {strides = array<i32>} : memref<80x144xf32, #tpu.memory_space<vmem>>, vector<16xf32>,
        tpu.vector_store %arg20[%parallel_loop3A_174, %parallel_loop3A_175], %parallel_loop3A_171 {strides = array<i32>} : memref<80x144xf32, #tpu.memory_space<vmem>>, vector<16xf32>,
        %parallel_loop3A_177 = arith.constant 1 : i32
        %parallel_loop3A_178 = vector.broadcast %parallel_loop3A_177 : i32 to vector<16xi32>
        %parallel_loop3A_179 = vector.shape_cast %parallel_loop3A_178 : vector<16xi32> to vector<16x1xi32>
        %parallel_loop3A_180 = vector.shape_cast %parallel_loop3A_179 : vector<16x1xi32> to vector<16xi32>
        %parallel_loop3A_181 = tpu.dynamic_gather %parallel_loop3A_145[%parallel_loop3A_180] in [0] : vector<16xf32>, vector<16xi32> -> vector<16xf32>
        %parallel_loop3A_182 = arith.constant 9 : i32
        %parallel_loop3A_183 = vector.broadcast %parallel_loop3A_182 : i32 to vector<16xi32>
        %parallel_loop3A_184 = vector.shape_cast %parallel_loop3A_183 : vector<16xi32> to vector<16x1xi32>
        %parallel_loop3A_185 = vector.shape_cast %parallel_loop3A_184 : vector<16x1xi32> to vector<16xi32>
        %parallel_loop3A_186 = tpu.dynamic_gather %parallel_loop3A_145[%parallel_loop3A_185] in [0] : vector<16xf32>, vector<16xi32> -> vector<16xf32>
        %parallel_loop3A_187 = arith.index_cast %parallel_loop3A_129 : i32 to index
        %parallel_loop3A_188 = arith.constant 16 : index
        %parallel_loop3A_189 = tpu.vector_load %arg20[%parallel_loop3A_187, %parallel_loop3A_188] {strides = array<i32>} : memref<80x144xf32, #tpu.memory_space<vmem>>, vector<16xf32>,
        %parallel_loop3A_190 = arith.mulf %parallel_loop3A_189, %parallel_loop3A_181 : vector<16xf32>
        %parallel_loop3A_191 = arith.index_cast %parallel_loop3A_129 : i32 to index
        %parallel_loop3A_192 = arith.constant 16 : index
        %parallel_loop3A_193 = tpu.vector_load %arg20[%parallel_loop3A_191, %parallel_loop3A_192] {strides = array<i32>} : memref<80x144xf32, #tpu.memory_space<vmem>>, vector<16xf32>,
        tpu.vector_store %arg20[%parallel_loop3A_191, %parallel_loop3A_192], %parallel_loop3A_190 {strides = array<i32>} : memref<80x144xf32, #tpu.memory_space<vmem>>, vector<16xf32>,
        %parallel_loop3A_194 = arith.constant 1 : i32
        %parallel_loop3A_195 = arith.addi %parallel_loop3A_129, %parallel_loop3A_194 : i32
        %parallel_loop3A_196 = arith.index_cast %parallel_loop3A_195 : i32 to index
        %parallel_loop3A_197 = arith.constant 16 : index
        %parallel_loop3A_198 = tpu.vector_load %arg20[%parallel_loop3A_196, %parallel_loop3A_197] {strides = array<i32>} : memref<80x144xf32, #tpu.memory_space<vmem>>, vector<16xf32>,
        %parallel_loop3A_199 = arith.mulf %parallel_loop3A_198, %parallel_loop3A_186 : vector<16xf32>
        %parallel_loop3A_200 = arith.constant 1 : i32
        %parallel_loop3A_201 = arith.addi %parallel_loop3A_129, %parallel_loop3A_200 : i32
        %parallel_loop3A_202 = arith.index_cast %parallel_loop3A_201 : i32 to index
        %parallel_loop3A_203 = arith.constant 16 : index
        %parallel_loop3A_204 = tpu.vector_load %arg20[%parallel_loop3A_202, %parallel_loop3A_203] {strides = array<i32>} : memref<80x144xf32, #tpu.memory_space<vmem>>, vector<16xf32>,
        tpu.vector_store %arg20[%parallel_loop3A_202, %parallel_loop3A_203], %parallel_loop3A_199 {strides = array<i32>} : memref<80x144xf32, #tpu.memory_space<vmem>>, vector<16xf32>,
        %parallel_loop3A_205 = arith.constant 2 : i32
        %parallel_loop3A_206 = vector.broadcast %parallel_loop3A_205 : i32 to vector<16xi32>
        %parallel_loop3A_207 = vector.shape_cast %parallel_loop3A_206 : vector<16xi32> to vector<16x1xi32>
        %parallel_loop3A_208 = vector.shape_cast %parallel_loop3A_207 : vector<16x1xi32> to vector<16xi32>
        %parallel_loop3A_209 = tpu.dynamic_gather %parallel_loop3A_145[%parallel_loop3A_208] in [0] : vector<16xf32>, vector<16xi32> -> vector<16xf32>
        %parallel_loop3A_210 = arith.constant 10 : i32
        %parallel_loop3A_211 = vector.broadcast %parallel_loop3A_210 : i32 to vector<16xi32>
        %parallel_loop3A_212 = vector.shape_cast %parallel_loop3A_211 : vector<16xi32> to vector<16x1xi32>
        %parallel_loop3A_213 = vector.shape_cast %parallel_loop3A_212 : vector<16x1xi32> to vector<16xi32>
        %parallel_loop3A_214 = tpu.dynamic_gather %parallel_loop3A_145[%parallel_loop3A_213] in [0] : vector<16xf32>, vector<16xi32> -> vector<16xf32>
        %parallel_loop3A_215 = arith.index_cast %parallel_loop3A_129 : i32 to index
        %parallel_loop3A_216 = arith.constant 32 : index
        %parallel_loop3A_217 = tpu.vector_load %arg20[%parallel_loop3A_215, %parallel_loop3A_216] {strides = array<i32>} : memref<80x144xf32, #tpu.memory_space<vmem>>, vector<16xf32>,
        %parallel_loop3A_218 = arith.mulf %parallel_loop3A_217, %parallel_loop3A_209 : vector<16xf32>
        %parallel_loop3A_219 = arith.index_cast %parallel_loop3A_129 : i32 to index
        %parallel_loop3A_220 = arith.constant 32 : index
        %parallel_loop3A_221 = tpu.vector_load %arg20[%parallel_loop3A_219, %parallel_loop3A_220] {strides = array<i32>} : memref<80x144xf32, #tpu.memory_space<vmem>>, vector<16xf32>,
        tpu.vector_store %arg20[%parallel_loop3A_219, %parallel_loop3A_220], %parallel_loop3A_218 {strides = array<i32>} : memref<80x144xf32, #tpu.memory_space<vmem>>, vector<16xf32>,
        %parallel_loop3A_222 = arith.constant 1 : i32
        %parallel_loop3A_223 = arith.addi %parallel_loop3A_129, %parallel_loop3A_222 : i32
        %parallel_loop3A_224 = arith.index_cast %parallel_loop3A_223 : i32 to index
        %parallel_loop3A_225 = arith.constant 32 : index
        %parallel_loop3A_226 = tpu.vector_load %arg20[%parallel_loop3A_224, %parallel_loop3A_225] {strides = array<i32>} : memref<80x144xf32, #tpu.memory_space<vmem>>, vector<16xf32>,
        %parallel_loop3A_227 = arith.mulf %parallel_loop3A_226, %parallel_loop3A_214 : vector<16xf32>
        %parallel_loop3A_228 = arith.constant 1 : i32
        %parallel_loop3A_229 = arith.addi %parallel_loop3A_129, %parallel_loop3A_228 : i32
        %parallel_loop3A_230 = arith.index_cast %parallel_loop3A_229 : i32 to index
        %parallel_loop3A_231 = arith.constant 32 : index
        %parallel_loop3A_232 = tpu.vector_load %arg20[%parallel_loop3A_230, %parallel_loop3A_231] {strides = array<i32>} : memref<80x144xf32, #tpu.memory_space<vmem>>, vector<16xf32>,
        tpu.vector_store %arg20[%parallel_loop3A_230, %parallel_loop3A_231], %parallel_loop3A_227 {strides = array<i32>} : memref<80x144xf32, #tpu.memory_space<vmem>>, vector<16xf32>,
        %parallel_loop3A_233 = arith.constant 3 : i32
        %parallel_loop3A_234 = vector.broadcast %parallel_loop3A_233 : i32 to vector<16xi32>
        %parallel_loop3A_235 = vector.shape_cast %parallel_loop3A_234 : vector<16xi32> to vector<16x1xi32>
        %parallel_loop3A_236 = vector.shape_cast %parallel_loop3A_235 : vector<16x1xi32> to vector<16xi32>
        %parallel_loop3A_237 = tpu.dynamic_gather %parallel_loop3A_145[%parallel_loop3A_236] in [0] : vector<16xf32>, vector<16xi32> -> vector<16xf32>
        %parallel_loop3A_238 = arith.constant 11 : i32
        %parallel_loop3A_239 = vector.broadcast %parallel_loop3A_238 : i32 to vector<16xi32>
        %parallel_loop3A_240 = vector.shape_cast %parallel_loop3A_239 : vector<16xi32> to vector<16x1xi32>
        %parallel_loop3A_241 = vector.shape_cast %parallel_loop3A_240 : vector<16x1xi32> to vector<16xi32>
        %parallel_loop3A_242 = tpu.dynamic_gather %parallel_loop3A_145[%parallel_loop3A_241] in [0] : vector<16xf32>, vector<16xi32> -> vector<16xf32>
        %parallel_loop3A_243 = arith.index_cast %parallel_loop3A_129 : i32 to index
        %parallel_loop3A_244 = arith.constant 48 : index
        %parallel_loop3A_245 = tpu.vector_load %arg20[%parallel_loop3A_243, %parallel_loop3A_244] {strides = array<i32>} : memref<80x144xf32, #tpu.memory_space<vmem>>, vector<16xf32>,
        %parallel_loop3A_246 = arith.mulf %parallel_loop3A_245, %parallel_loop3A_237 : vector<16xf32>
        %parallel_loop3A_247 = arith.index_cast %parallel_loop3A_129 : i32 to index
        %parallel_loop3A_248 = arith.constant 48 : index
        %parallel_loop3A_249 = tpu.vector_load %arg20[%parallel_loop3A_247, %parallel_loop3A_248] {strides = array<i32>} : memref<80x144xf32, #tpu.memory_space<vmem>>, vector<16xf32>,
        tpu.vector_store %arg20[%parallel_loop3A_247, %parallel_loop3A_248], %parallel_loop3A_246 {strides = array<i32>} : memref<80x144xf32, #tpu.memory_space<vmem>>, vector<16xf32>,
        %parallel_loop3A_250 = arith.constant 1 : i32
        %parallel_loop3A_251 = arith.addi %parallel_loop3A_129, %parallel_loop3A_250 : i32
        %parallel_loop3A_252 = arith.index_cast %parallel_loop3A_251 : i32 to index
        %parallel_loop3A_253 = arith.constant 48 : index
        %parallel_loop3A_254 = tpu.vector_load %arg20[%parallel_loop3A_252, %parallel_loop3A_253] {strides = array<i32>} : memref<80x144xf32, #tpu.memory_space<vmem>>, vector<16xf32>,
        %parallel_loop3A_255 = arith.mulf %parallel_loop3A_254, %parallel_loop3A_242 : vector<16xf32>
        %parallel_loop3A_256 = arith.constant 1 : i32
        %parallel_loop3A_257 = arith.addi %parallel_loop3A_129, %parallel_loop3A_256 : i32
        %parallel_loop3A_258 = arith.index_cast %parallel_loop3A_257 : i32 to index
        %parallel_loop3A_259 = arith.constant 48 : index
        %parallel_loop3A_260 = tpu.vector_load %arg20[%parallel_loop3A_258, %parallel_loop3A_259] {strides = array<i32>} : memref<80x144xf32, #tpu.memory_space<vmem>>, vector<16xf32>,
        tpu.vector_store %arg20[%parallel_loop3A_258, %parallel_loop3A_259], %parallel_loop3A_255 {strides = array<i32>} : memref<80x144xf32, #tpu.memory_space<vmem>>, vector<16xf32>,
        %parallel_loop3A_261 = arith.constant 4 : i32
        %parallel_loop3A_262 = vector.broadcast %parallel_loop3A_261 : i32 to vector<16xi32>
        %parallel_loop3A_263 = vector.shape_cast %parallel_loop3A_262 : vector<16xi32> to vector<16x1xi32>
        %parallel_loop3A_264 = vector.shape_cast %parallel_loop3A_263 : vector<16x1xi32> to vector<16xi32>
        %parallel_loop3A_265 = tpu.dynamic_gather %parallel_loop3A_145[%parallel_loop3A_264] in [0] : vector<16xf32>, vector<16xi32> -> vector<16xf32>
        %parallel_loop3A_266 = arith.constant 12 : i32
        %parallel_loop3A_267 = vector.broadcast %parallel_loop3A_266 : i32 to vector<16xi32>
        %parallel_loop3A_268 = vector.shape_cast %parallel_loop3A_267 : vector<16xi32> to vector<16x1xi32>
        %parallel_loop3A_269 = vector.shape_cast %parallel_loop3A_268 : vector<16x1xi32> to vector<16xi32>
        %parallel_loop3A_270 = tpu.dynamic_gather %parallel_loop3A_145[%parallel_loop3A_269] in [0] : vector<16xf32>, vector<16xi32> -> vector<16xf32>
        %parallel_loop3A_271 = arith.index_cast %parallel_loop3A_129 : i32 to index
        %parallel_loop3A_272 = arith.constant 64 : index
        %parallel_loop3A_273 = tpu.vector_load %arg20[%parallel_loop3A_271, %parallel_loop3A_272] {strides = array<i32>} : memref<80x144xf32, #tpu.memory_space<vmem>>, vector<16xf32>,
        %parallel_loop3A_274 = arith.mulf %parallel_loop3A_273, %parallel_loop3A_265 : vector<16xf32>
        %parallel_loop3A_275 = arith.index_cast %parallel_loop3A_129 : i32 to index
        %parallel_loop3A_276 = arith.constant 64 : index
        %parallel_loop3A_277 = tpu.vector_load %arg20[%parallel_loop3A_275, %parallel_loop3A_276] {strides = array<i32>} : memref<80x144xf32, #tpu.memory_space<vmem>>, vector<16xf32>,
        tpu.vector_store %arg20[%parallel_loop3A_275, %parallel_loop3A_276], %parallel_loop3A_274 {strides = array<i32>} : memref<80x144xf32, #tpu.memory_space<vmem>>, vector<16xf32>,
        %parallel_loop3A_278 = arith.constant 1 : i32
        %parallel_loop3A_279 = arith.addi %parallel_loop3A_129, %parallel_loop3A_278 : i32
        %parallel_loop3A_280 = arith.index_cast %parallel_loop3A_279 : i32 to index
        %parallel_loop3A_281 = arith.constant 64 : index
        %parallel_loop3A_282 = tpu.vector_load %arg20[%parallel_loop3A_280, %parallel_loop3A_281] {strides = array<i32>} : memref<80x144xf32, #tpu.memory_space<vmem>>, vector<16xf32>,
        %parallel_loop3A_283 = arith.mulf %parallel_loop3A_282, %parallel_loop3A_270 : vector<16xf32>
        %parallel_loop3A_284 = arith.constant 1 : i32
        %parallel_loop3A_285 = arith.addi %parallel_loop3A_129, %parallel_loop3A_284 : i32
        %parallel_loop3A_286 = arith.index_cast %parallel_loop3A_285 : i32 to index
        %parallel_loop3A_287 = arith.constant 64 : index
        %parallel_loop3A_288 = tpu.vector_load %arg20[%parallel_loop3A_286, %parallel_loop3A_287] {strides = array<i32>} : memref<80x144xf32, #tpu.memory_space<vmem>>, vector<16xf32>,
        tpu.vector_store %arg20[%parallel_loop3A_286, %parallel_loop3A_287], %parallel_loop3A_283 {strides = array<i32>} : memref<80x144xf32, #tpu.memory_space<vmem>>, vector<16xf32>,
        %parallel_loop3A_289 = arith.constant 5 : i32
        %parallel_loop3A_290 = vector.broadcast %parallel_loop3A_289 : i32 to vector<16xi32>
        %parallel_loop3A_291 = vector.shape_cast %parallel_loop3A_290 : vector<16xi32> to vector<16x1xi32>
        %parallel_loop3A_292 = vector.shape_cast %parallel_loop3A_291 : vector<16x1xi32> to vector<16xi32>
        %parallel_loop3A_293 = tpu.dynamic_gather %parallel_loop3A_145[%parallel_loop3A_292] in [0] : vector<16xf32>, vector<16xi32> -> vector<16xf32>
        %parallel_loop3A_294 = arith.constant 13 : i32
        %parallel_loop3A_295 = vector.broadcast %parallel_loop3A_294 : i32 to vector<16xi32>
        %parallel_loop3A_296 = vector.shape_cast %parallel_loop3A_295 : vector<16xi32> to vector<16x1xi32>
        %parallel_loop3A_297 = vector.shape_cast %parallel_loop3A_296 : vector<16x1xi32> to vector<16xi32>
        %parallel_loop3A_298 = tpu.dynamic_gather %parallel_loop3A_145[%parallel_loop3A_297] in [0] : vector<16xf32>, vector<16xi32> -> vector<16xf32>
        %parallel_loop3A_299 = arith.index_cast %parallel_loop3A_129 : i32 to index
        %parallel_loop3A_300 = arith.constant 80 : index
        %parallel_loop3A_301 = tpu.vector_load %arg20[%parallel_loop3A_299, %parallel_loop3A_300] {strides = array<i32>} : memref<80x144xf32, #tpu.memory_space<vmem>>, vector<16xf32>,
        %parallel_loop3A_302 = arith.mulf %parallel_loop3A_301, %parallel_loop3A_293 : vector<16xf32>
        %parallel_loop3A_303 = arith.index_cast %parallel_loop3A_129 : i32 to index
        %parallel_loop3A_304 = arith.constant 80 : index
        %parallel_loop3A_305 = tpu.vector_load %arg20[%parallel_loop3A_303, %parallel_loop3A_304] {strides = array<i32>} : memref<80x144xf32, #tpu.memory_space<vmem>>, vector<16xf32>,
        tpu.vector_store %arg20[%parallel_loop3A_303, %parallel_loop3A_304], %parallel_loop3A_302 {strides = array<i32>} : memref<80x144xf32, #tpu.memory_space<vmem>>, vector<16xf32>,
        %parallel_loop3A_306 = arith.constant 1 : i32
        %parallel_loop3A_307 = arith.addi %parallel_loop3A_129, %parallel_loop3A_306 : i32
        %parallel_loop3A_308 = arith.index_cast %parallel_loop3A_307 : i32 to index
        %parallel_loop3A_309 = arith.constant 80 : index
        %parallel_loop3A_310 = tpu.vector_load %arg20[%parallel_loop3A_308, %parallel_loop3A_309] {strides = array<i32>} : memref<80x144xf32, #tpu.memory_space<vmem>>, vector<16xf32>,
        %parallel_loop3A_311 = arith.mulf %parallel_loop3A_310, %parallel_loop3A_298 : vector<16xf32>
        %parallel_loop3A_312 = arith.constant 1 : i32
        %parallel_loop3A_313 = arith.addi %parallel_loop3A_129, %parallel_loop3A_312 : i32
        %parallel_loop3A_314 = arith.index_cast %parallel_loop3A_313 : i32 to index
        %parallel_loop3A_315 = arith.constant 80 : index
        %parallel_loop3A_316 = tpu.vector_load %arg20[%parallel_loop3A_314, %parallel_loop3A_315] {strides = array<i32>} : memref<80x144xf32, #tpu.memory_space<vmem>>, vector<16xf32>,
        tpu.vector_store %arg20[%parallel_loop3A_314, %parallel_loop3A_315], %parallel_loop3A_311 {strides = array<i32>} : memref<80x144xf32, #tpu.memory_space<vmem>>, vector<16xf32>,
        %parallel_loop3A_317 = arith.constant 6 : i32
        %parallel_loop3A_318 = vector.broadcast %parallel_loop3A_317 : i32 to vector<16xi32>
        %parallel_loop3A_319 = vector.shape_cast %parallel_loop3A_318 : vector<16xi32> to vector<16x1xi32>
        %parallel_loop3A_320 = vector.shape_cast %parallel_loop3A_319 : vector<16x1xi32> to vector<16xi32>
        %parallel_loop3A_321 = tpu.dynamic_gather %parallel_loop3A_145[%parallel_loop3A_320] in [0] : vector<16xf32>, vector<16xi32> -> vector<16xf32>
        %parallel_loop3A_322 = arith.constant 14 : i32
        %parallel_loop3A_323 = vector.broadcast %parallel_loop3A_322 : i32 to vector<16xi32>
        %parallel_loop3A_324 = vector.shape_cast %parallel_loop3A_323 : vector<16xi32> to vector<16x1xi32>
        %parallel_loop3A_325 = vector.shape_cast %parallel_loop3A_324 : vector<16x1xi32> to vector<16xi32>
        %parallel_loop3A_326 = tpu.dynamic_gather %parallel_loop3A_145[%parallel_loop3A_325] in [0] : vector<16xf32>, vector<16xi32> -> vector<16xf32>
        %parallel_loop3A_327 = arith.index_cast %parallel_loop3A_129 : i32 to index
        %parallel_loop3A_328 = arith.constant 96 : index
        %parallel_loop3A_329 = tpu.vector_load %arg20[%parallel_loop3A_327, %parallel_loop3A_328] {strides = array<i32>} : memref<80x144xf32, #tpu.memory_space<vmem>>, vector<16xf32>,
        %parallel_loop3A_330 = arith.mulf %parallel_loop3A_329, %parallel_loop3A_321 : vector<16xf32>
        %parallel_loop3A_331 = arith.index_cast %parallel_loop3A_129 : i32 to index
        %parallel_loop3A_332 = arith.constant 96 : index
        %parallel_loop3A_333 = tpu.vector_load %arg20[%parallel_loop3A_331, %parallel_loop3A_332] {strides = array<i32>} : memref<80x144xf32, #tpu.memory_space<vmem>>, vector<16xf32>,
        tpu.vector_store %arg20[%parallel_loop3A_331, %parallel_loop3A_332], %parallel_loop3A_330 {strides = array<i32>} : memref<80x144xf32, #tpu.memory_space<vmem>>, vector<16xf32>,
        %parallel_loop3A_334 = arith.constant 1 : i32
        %parallel_loop3A_335 = arith.addi %parallel_loop3A_129, %parallel_loop3A_334 : i32
        %parallel_loop3A_336 = arith.index_cast %parallel_loop3A_335 : i32 to index
        %parallel_loop3A_337 = arith.constant 96 : index
        %parallel_loop3A_338 = tpu.vector_load %arg20[%parallel_loop3A_336, %parallel_loop3A_337] {strides = array<i32>} : memref<80x144xf32, #tpu.memory_space<vmem>>, vector<16xf32>,
        %parallel_loop3A_339 = arith.mulf %parallel_loop3A_338, %parallel_loop3A_326 : vector<16xf32>
        %parallel_loop3A_340 = arith.constant 1 : i32
        %parallel_loop3A_341 = arith.addi %parallel_loop3A_129, %parallel_loop3A_340 : i32
        %parallel_loop3A_342 = arith.index_cast %parallel_loop3A_341 : i32 to index
        %parallel_loop3A_343 = arith.constant 96 : index
        %parallel_loop3A_344 = tpu.vector_load %arg20[%parallel_loop3A_342, %parallel_loop3A_343] {strides = array<i32>} : memref<80x144xf32, #tpu.memory_space<vmem>>, vector<16xf32>,
        tpu.vector_store %arg20[%parallel_loop3A_342, %parallel_loop3A_343], %parallel_loop3A_339 {strides = array<i32>} : memref<80x144xf32, #tpu.memory_space<vmem>>, vector<16xf32>,
        %parallel_loop3A_345 = arith.constant 7 : i32
        %parallel_loop3A_346 = vector.broadcast %parallel_loop3A_345 : i32 to vector<16xi32>
        %parallel_loop3A_347 = vector.shape_cast %parallel_loop3A_346 : vector<16xi32> to vector<16x1xi32>
        %parallel_loop3A_348 = vector.shape_cast %parallel_loop3A_347 : vector<16x1xi32> to vector<16xi32>
        %parallel_loop3A_349 = tpu.dynamic_gather %parallel_loop3A_145[%parallel_loop3A_348] in [0] : vector<16xf32>, vector<16xi32> -> vector<16xf32>
        %parallel_loop3A_350 = arith.constant 15 : i32
        %parallel_loop3A_351 = vector.broadcast %parallel_loop3A_350 : i32 to vector<16xi32>
        %parallel_loop3A_352 = vector.shape_cast %parallel_loop3A_351 : vector<16xi32> to vector<16x1xi32>
        %parallel_loop3A_353 = vector.shape_cast %parallel_loop3A_352 : vector<16x1xi32> to vector<16xi32>
        %parallel_loop3A_354 = tpu.dynamic_gather %parallel_loop3A_145[%parallel_loop3A_353] in [0] : vector<16xf32>, vector<16xi32> -> vector<16xf32>
        %parallel_loop3A_355 = arith.index_cast %parallel_loop3A_129 : i32 to index
        %parallel_loop3A_356 = arith.constant 112 : index
        %parallel_loop3A_357 = tpu.vector_load %arg20[%parallel_loop3A_355, %parallel_loop3A_356] {strides = array<i32>} : memref<80x144xf32, #tpu.memory_space<vmem>>, vector<16xf32>,
        %parallel_loop3A_358 = arith.mulf %parallel_loop3A_357, %parallel_loop3A_349 : vector<16xf32>
        %parallel_loop3A_359 = arith.index_cast %parallel_loop3A_129 : i32 to index
        %parallel_loop3A_360 = arith.constant 112 : index
        %parallel_loop3A_361 = tpu.vector_load %arg20[%parallel_loop3A_359, %parallel_loop3A_360] {strides = array<i32>} : memref<80x144xf32, #tpu.memory_space<vmem>>, vector<16xf32>,
        tpu.vector_store %arg20[%parallel_loop3A_359, %parallel_loop3A_360], %parallel_loop3A_358 {strides = array<i32>} : memref<80x144xf32, #tpu.memory_space<vmem>>, vector<16xf32>,
        %parallel_loop3A_362 = arith.constant 1 : i32
        %parallel_loop3A_363 = arith.addi %parallel_loop3A_129, %parallel_loop3A_362 : i32
        %parallel_loop3A_364 = arith.index_cast %parallel_loop3A_363 : i32 to index
        %parallel_loop3A_365 = arith.constant 112 : index
        %parallel_loop3A_366 = tpu.vector_load %arg20[%parallel_loop3A_364, %parallel_loop3A_365] {strides = array<i32>} : memref<80x144xf32, #tpu.memory_space<vmem>>, vector<16xf32>,
        %parallel_loop3A_367 = arith.mulf %parallel_loop3A_366, %parallel_loop3A_354 : vector<16xf32>
        %parallel_loop3A_368 = arith.constant 1 : i32
        %parallel_loop3A_369 = arith.addi %parallel_loop3A_129, %parallel_loop3A_368 : i32
        %parallel_loop3A_370 = arith.index_cast %parallel_loop3A_369 : i32 to index
        %parallel_loop3A_371 = arith.constant 112 : index
        %parallel_loop3A_372 = tpu.vector_load %arg20[%parallel_loop3A_370, %parallel_loop3A_371] {strides = array<i32>} : memref<80x144xf32, #tpu.memory_space<vmem>>, vector<16xf32>,
        tpu.vector_store %arg20[%parallel_loop3A_370, %parallel_loop3A_371], %parallel_loop3A_367 {strides = array<i32>} : memref<80x144xf32, #tpu.memory_space<vmem>>, vector<16xf32>,
      } {sc.loop_unroll_factor = 2 : i64, sc.parallel_access}
      "tpu.region"() ({
        %run_scoped3A = tpu.sem_alloc : memref<!tpu.dma_semaphore, #tpu.memory_space<semaphore_mem>>
        %dma_start3A_127 = arith.constant 0 : i32
        %dma_start3A_128 = arith.constant 0 : i32
        %dma_start3A_129 = tpu.memref_slice %arg26[%dma_start3A_127, %dma_start3A_128] : memref<10112x144xf32, #tpu.memory_space<vmem_shared>> -> memref<10112x144xf32, #tpu.memory_space<vmem_shared>>
        tpu.enqueue_indirect_dma source(%arg20 : memref<80x144xf32, #tpu.memory_space<vmem>>) target(%dma_start3A_129 : memref<10112x144xf32, #tpu.memory_space<vmem_shared>>) offsets(%arg14 : memref<80xi32, #tpu.memory_space<vmem>>) semaphore(%run_scoped3A : memref<!tpu.dma_semaphore, #tpu.memory_space<semaphore_mem>>) {add = true}
        %dma_wait3A_130 = arith.constant 0 : i32
        %dma_wait3A_131 = arith.constant 0 : i32
        %dma_wait3A_132 = tpu.memref_slice %arg26[%dma_wait3A_130, %dma_wait3A_131] : memref<10112x144xf32, #tpu.memory_space<vmem_shared>> -> memref<10112x144xf32, #tpu.memory_space<vmem_shared>>
        tpu.wait_indirect_dma semaphore(%run_scoped3A : memref<!tpu.dma_semaphore, #tpu.memory_space<semaphore_mem>>) src(%arg20 : memref<80x144xf32, #tpu.memory_space<vmem>>) dst(%dma_wait3A_132 : memref<10112x144xf32, #tpu.memory_space<vmem_shared>>)
        tpu.yield
      }) : () -> ()
      %add3A_95 = arith.constant 2 : i32
      %add3A_96 = arith.addi %add3A_80, %add3A_95 : i32
      %le3A_97 = arith.constant 125 : i32
      %le3A_98 = arith.cmpi sle, %add3A_96, %le3A_97 : i32
      %convert_element_type3A_99 = arith.extui %le3A_98 : i1 to i32
      %cond3A_100 = arith.constant 0 : i32
      %cond3A_101 = arith.cmpi ne, %convert_element_type3A_99, %cond3A_100 : i32
      scf.if %cond3A_101 {
        %add3A_127 = arith.constant 2 : i32
        %add3A_128 = arith.addi %add3A_80, %add3A_127 : i32
        %add3A_129 = arith.addi %mul3A_2, %add3A_128 : i32
        %mul3A_130 = arith.constant 80 : i32
        %mul3A_131 = arith.muli %add3A_129, %mul3A_130 : i32
        %dma_start3A_132 = tpu.memref_slice %arg4[%mul3A_131] : memref<322560xi32, #tpu.memory_space<hbm>> -> memref<80xi32, #tpu.memory_space<hbm>>
        %dma_start3A_133 = tpu.memref_slice %arg4[%mul3A_131] : memref<322560xi32, #tpu.memory_space<hbm>> -> memref<80xi32, #tpu.memory_space<hbm>>
        tpu.enqueue_dma source(%dma_start3A_133 : memref<80xi32, #tpu.memory_space<hbm>>) target(%arg10 : memref<80xi32, #tpu.memory_space<vmem>>) target_semaphore(%arg27 : memref<!tpu.dma_semaphore, #tpu.memory_space<semaphore_mem>>)
        %dma_start3A_134 = tpu.memref_slice %arg5[%mul3A_131] : memref<322560xi32, #tpu.memory_space<hbm>> -> memref<80xi32, #tpu.memory_space<hbm>>
        %dma_start3A_135 = tpu.memref_slice %arg5[%mul3A_131] : memref<322560xi32, #tpu.memory_space<hbm>> -> memref<80xi32, #tpu.memory_space<hbm>>
        tpu.enqueue_dma source(%dma_start3A_135 : memref<80xi32, #tpu.memory_space<hbm>>) target(%arg13 : memref<80xi32, #tpu.memory_space<vmem>>) target_semaphore(%arg27 : memref<!tpu.dma_semaphore, #tpu.memory_space<semaphore_mem>>)
        %dma_start3A_136 = tpu.memref_slice %arg6[%mul3A_131] : memref<322560xf32, #tpu.memory_space<hbm>> -> memref<80xf32, #tpu.memory_space<hbm>>
        %dma_start3A_137 = tpu.memref_slice %arg6[%mul3A_131] : memref<322560xf32, #tpu.memory_space<hbm>> -> memref<80xf32, #tpu.memory_space<hbm>>
        tpu.enqueue_dma source(%dma_start3A_137 : memref<80xf32, #tpu.memory_space<hbm>>) target(%arg16 : memref<80xf32, #tpu.memory_space<vmem>>) target_semaphore(%arg27 : memref<!tpu.dma_semaphore, #tpu.memory_space<semaphore_mem>>)
      } else {
      }
      %mul3A_102 = arith.constant 3 : i32
      %mul3A_103 = arith.muli %mul3A_102, %scan3A_56 : i32
      %add3A_104 = arith.constant 2 : i32
      %add3A_105 = arith.addi %mul3A_103, %add3A_104 : i32
      %dma_wait3A_106 = arith.constant 0 : i32
      %dma_wait3A_107 = arith.constant 0 : i32
      %dma_wait3A_108 = tpu.memref_slice %arg2[%dma_wait3A_106, %dma_wait3A_107] : memref<10000x144xf32, #tpu.memory_space<hbm>> -> memref<10000x144xf32, #tpu.memory_space<hbm>>
      tpu.wait_indirect_dma semaphore(%arg32 : memref<!tpu.dma_semaphore, #tpu.memory_space<semaphore_mem>>) src(%dma_wait3A_108 : memref<10000x144xf32, #tpu.memory_space<hbm>>) dst(%arg21 : memref<80x144xf32, #tpu.memory_space<vmem>>)
      %dma_wait3A_109 = arith.constant 0 : i32
      %dma_wait3A_110 = arith.constant 0 : i32
      %dma_wait3A_111 = tpu.memref_slice %arg3[%dma_wait3A_109, %dma_wait3A_110] : memref<10000x16xf32, #tpu.memory_space<hbm>> -> memref<10000x16xf32, #tpu.memory_space<hbm>>
      tpu.wait_indirect_dma semaphore(%arg32 : memref<!tpu.dma_semaphore, #tpu.memory_space<semaphore_mem>>) src(%dma_wait3A_111 : memref<10000x16xf32, #tpu.memory_space<hbm>>) dst(%arg24 : memref<80x16xf32, #tpu.memory_space<vmem>>)
      %lt3A_112 = arith.constant 125 : i32
      %lt3A_113 = arith.cmpi slt, %add3A_105, %lt3A_112 : i32
      %convert_element_type3A_114 = arith.extui %lt3A_113 : i1 to i32
      %cond3A_115 = arith.constant 0 : i32
      %cond3A_116 = arith.cmpi ne, %convert_element_type3A_114, %cond3A_115 : i32
      scf.if %cond3A_116 {
        %dma_wait3A_127 = arith.constant 0 : i32
        %dma_wait3A_128 = tpu.memref_slice %arg4[%dma_wait3A_127] : memref<322560xi32, #tpu.memory_space<hbm>> -> memref<80xi32, #tpu.memory_space<hbm>>
        %dma_wait3A_129 = arith.constant 0 : i32
        %dma_wait3A_130 = tpu.memref_slice %arg4[%dma_wait3A_129] : memref<322560xi32, #tpu.memory_space<hbm>> -> memref<80xi32, #tpu.memory_space<hbm>>
        tpu.wait_dma2 semaphore(%arg27 : memref<!tpu.dma_semaphore, #tpu.memory_space<semaphore_mem>>) src(%dma_wait3A_130 : memref<80xi32, #tpu.memory_space<hbm>>) dst(%arg10 : memref<80xi32, #tpu.memory_space<vmem>>)
        %dma_wait3A_131 = arith.constant 0 : i32
        %dma_wait3A_132 = tpu.memref_slice %arg5[%dma_wait3A_131] : memref<322560xi32, #tpu.memory_space<hbm>> -> memref<80xi32, #tpu.memory_space<hbm>>
        %dma_wait3A_133 = arith.constant 0 : i32
        %dma_wait3A_134 = tpu.memref_slice %arg5[%dma_wait3A_133] : memref<322560xi32, #tpu.memory_space<hbm>> -> memref<80xi32, #tpu.memory_space<hbm>>
        tpu.wait_dma2 semaphore(%arg27 : memref<!tpu.dma_semaphore, #tpu.memory_space<semaphore_mem>>) src(%dma_wait3A_134 : memref<80xi32, #tpu.memory_space<hbm>>) dst(%arg13 : memref<80xi32, #tpu.memory_space<vmem>>)
        %dma_wait3A_135 = arith.constant 0 : i32
        %dma_wait3A_136 = tpu.memref_slice %arg6[%dma_wait3A_135] : memref<322560xf32, #tpu.memory_space<hbm>> -> memref<80xf32, #tpu.memory_space<hbm>>
        %dma_wait3A_137 = arith.constant 0 : i32
        %dma_wait3A_138 = tpu.memref_slice %arg6[%dma_wait3A_137] : memref<322560xf32, #tpu.memory_space<hbm>> -> memref<80xf32, #tpu.memory_space<hbm>>
        tpu.wait_dma2 semaphore(%arg27 : memref<!tpu.dma_semaphore, #tpu.memory_space<semaphore_mem>>) src(%dma_wait3A_138 : memref<80xf32, #tpu.memory_space<hbm>>) dst(%arg16 : memref<80xf32, #tpu.memory_space<vmem>>)
        %dma_start3A_139 = arith.constant 0 : i32
        %dma_start3A_140 = arith.constant 0 : i32
        %dma_start3A_141 = tpu.memref_slice %arg2[%dma_start3A_139, %dma_start3A_140] : memref<10000x144xf32, #tpu.memory_space<hbm>> -> memref<10000x144xf32, #tpu.memory_space<hbm>>
        tpu.enqueue_indirect_dma source(%dma_start3A_141 : memref<10000x144xf32, #tpu.memory_space<hbm>>) target(%arg19 : memref<80x144xf32, #tpu.memory_space<vmem>>) offsets(%arg10 : memref<80xi32, #tpu.memory_space<vmem>>) semaphore(%arg30 : memref<!tpu.dma_semaphore, #tpu.memory_space<semaphore_mem>>)
        %dma_start3A_142 = arith.constant 0 : i32
        %dma_start3A_143 = arith.constant 0 : i32
        %dma_start3A_144 = tpu.memref_slice %arg3[%dma_start3A_142, %dma_start3A_143] : memref<10000x16xf32, #tpu.memory_space<hbm>> -> memref<10000x16xf32, #tpu.memory_space<hbm>>
        tpu.enqueue_indirect_dma source(%dma_start3A_144 : memref<10000x16xf32, #tpu.memory_space<hbm>>) target(%arg22 : memref<80x16xf32, #tpu.memory_space<vmem>>) offsets(%arg13 : memref<80xi32, #tpu.memory_space<vmem>>) semaphore(%arg30 : memref<!tpu.dma_semaphore, #tpu.memory_space<semaphore_mem>>)
      } else {
      }
      %parallel_loop3A_117 = arith.constant 0 : i32
      %parallel_loop3A_118 = arith.constant 40 : i32
      %parallel_loop3A_119 = arith.constant 1 : i32
      scf.for %parallel_loop3A_127 = %parallel_loop3A_117 to %parallel_loop3A_118 step %parallel_loop3A_119  : i32 {
        %parallel_loop3A_128 = arith.constant 2 : i32
        %parallel_loop3A_129 = arith.muli %parallel_loop3A_128, %parallel_loop3A_127 : i32
        %parallel_loop3A_130 = vector.broadcast %parallel_loop3A_129 : i32 to vector<16xi32>
        %parallel_loop3A_131 = arith.addi %parallel_loop3A_130, %shift_right_arithmetic3A_7 : vector<16xi32>
        %parallel_loop3A_132 = arith.constant 128 : i32
        %parallel_loop3A_133 = vector.broadcast %parallel_loop3A_132 : i32 to vector<16xi32>
        %parallel_loop3A_134 = arith.addi %and3A_9, %parallel_loop3A_133 : vector<16xi32>
        %parallel_loop3A_135 = tpu.vector_load_idx %arg21[%parallel_loop3A_131, %parallel_loop3A_134] : memref<80x144xf32, #tpu.memory_space<vmem>>[vector<16xi32>, vector<16xi32>], vector<16xf32>,
        %parallel_loop3A_136 = tpu.vector_load_idx %arg24[%parallel_loop3A_131, %and3A_9] : memref<80x16xf32, #tpu.memory_space<vmem>>[vector<16xi32>, vector<16xi32>], vector<16xf32>,
        %parallel_loop3A_137 = tpu.vector_load_idx %arg18[%parallel_loop3A_131] : memref<80xf32, #tpu.memory_space<vmem>>[vector<16xi32>], vector<16xf32>,
        %parallel_loop3A_138 = arith.addf %parallel_loop3A_135, %parallel_loop3A_136 : vector<16xf32>
        %parallel_loop3A_139 = arith.mulf %parallel_loop3A_137, %get3A_5 : vector<16xf32>
        %parallel_loop3A_140 = arith.addf %parallel_loop3A_138, %parallel_loop3A_139 : vector<16xf32>
        %parallel_loop3A_141 = arith.constant 2.000000e-01 : f32
        %parallel_loop3A_142 = vector.broadcast %parallel_loop3A_141 : f32 to vector<16xf32>
        %parallel_loop3A_143 = arith.mulf %parallel_loop3A_142, %parallel_loop3A_140 : vector<16xf32>
        %parallel_loop3A_144 = arith.maximumf %parallel_loop3A_140, %parallel_loop3A_143 : vector<16xf32>
        %parallel_loop3A_145 = math.exp %parallel_loop3A_144 : vector<16xf32>
        %parallel_loop3A_146 = arith.constant 128 : i32
        %parallel_loop3A_147 = vector.broadcast %parallel_loop3A_146 : i32 to vector<16xi32>
        %parallel_loop3A_148 = arith.addi %and3A_9, %parallel_loop3A_147 : vector<16xi32>
        tpu.vector_store_idx %arg21[%parallel_loop3A_131, %parallel_loop3A_148], %parallel_loop3A_145 : memref<80x144xf32, #tpu.memory_space<vmem>>[vector<16xi32>, vector<16xi32>], vector<16xf32>,
        %parallel_loop3A_149 = arith.constant 0 : i32
        %parallel_loop3A_150 = vector.broadcast %parallel_loop3A_149 : i32 to vector<16xi32>
        %parallel_loop3A_151 = vector.shape_cast %parallel_loop3A_150 : vector<16xi32> to vector<16x1xi32>
        %parallel_loop3A_152 = vector.shape_cast %parallel_loop3A_151 : vector<16x1xi32> to vector<16xi32>
        %parallel_loop3A_153 = tpu.dynamic_gather %parallel_loop3A_145[%parallel_loop3A_152] in [0] : vector<16xf32>, vector<16xi32> -> vector<16xf32>
        %parallel_loop3A_154 = arith.constant 8 : i32
        %parallel_loop3A_155 = vector.broadcast %parallel_loop3A_154 : i32 to vector<16xi32>
        %parallel_loop3A_156 = vector.shape_cast %parallel_loop3A_155 : vector<16xi32> to vector<16x1xi32>
        %parallel_loop3A_157 = vector.shape_cast %parallel_loop3A_156 : vector<16x1xi32> to vector<16xi32>
        %parallel_loop3A_158 = tpu.dynamic_gather %parallel_loop3A_145[%parallel_loop3A_157] in [0] : vector<16xf32>, vector<16xi32> -> vector<16xf32>
        %parallel_loop3A_159 = arith.index_cast %parallel_loop3A_129 : i32 to index
        %parallel_loop3A_160 = arith.constant 0 : index
        %parallel_loop3A_161 = tpu.vector_load %arg21[%parallel_loop3A_159, %parallel_loop3A_160] {strides = array<i32>} : memref<80x144xf32, #tpu.memory_space<vmem>>, vector<16xf32>,
        %parallel_loop3A_162 = arith.mulf %parallel_loop3A_161, %parallel_loop3A_153 : vector<16xf32>
        %parallel_loop3A_163 = arith.index_cast %parallel_loop3A_129 : i32 to index
        %parallel_loop3A_164 = arith.constant 0 : index
        %parallel_loop3A_165 = tpu.vector_load %arg21[%parallel_loop3A_163, %parallel_loop3A_164] {strides = array<i32>} : memref<80x144xf32, #tpu.memory_space<vmem>>, vector<16xf32>,
        tpu.vector_store %arg21[%parallel_loop3A_163, %parallel_loop3A_164], %parallel_loop3A_162 {strides = array<i32>} : memref<80x144xf32, #tpu.memory_space<vmem>>, vector<16xf32>,
        %parallel_loop3A_166 = arith.constant 1 : i32
        %parallel_loop3A_167 = arith.addi %parallel_loop3A_129, %parallel_loop3A_166 : i32
        %parallel_loop3A_168 = arith.index_cast %parallel_loop3A_167 : i32 to index
        %parallel_loop3A_169 = arith.constant 0 : index
        %parallel_loop3A_170 = tpu.vector_load %arg21[%parallel_loop3A_168, %parallel_loop3A_169] {strides = array<i32>} : memref<80x144xf32, #tpu.memory_space<vmem>>, vector<16xf32>,
        %parallel_loop3A_171 = arith.mulf %parallel_loop3A_170, %parallel_loop3A_158 : vector<16xf32>
        %parallel_loop3A_172 = arith.constant 1 : i32
        %parallel_loop3A_173 = arith.addi %parallel_loop3A_129, %parallel_loop3A_172 : i32
        %parallel_loop3A_174 = arith.index_cast %parallel_loop3A_173 : i32 to index
        %parallel_loop3A_175 = arith.constant 0 : index
        %parallel_loop3A_176 = tpu.vector_load %arg21[%parallel_loop3A_174, %parallel_loop3A_175] {strides = array<i32>} : memref<80x144xf32, #tpu.memory_space<vmem>>, vector<16xf32>,
        tpu.vector_store %arg21[%parallel_loop3A_174, %parallel_loop3A_175], %parallel_loop3A_171 {strides = array<i32>} : memref<80x144xf32, #tpu.memory_space<vmem>>, vector<16xf32>,
        %parallel_loop3A_177 = arith.constant 1 : i32
        %parallel_loop3A_178 = vector.broadcast %parallel_loop3A_177 : i32 to vector<16xi32>
        %parallel_loop3A_179 = vector.shape_cast %parallel_loop3A_178 : vector<16xi32> to vector<16x1xi32>
        %parallel_loop3A_180 = vector.shape_cast %parallel_loop3A_179 : vector<16x1xi32> to vector<16xi32>
        %parallel_loop3A_181 = tpu.dynamic_gather %parallel_loop3A_145[%parallel_loop3A_180] in [0] : vector<16xf32>, vector<16xi32> -> vector<16xf32>
        %parallel_loop3A_182 = arith.constant 9 : i32
        %parallel_loop3A_183 = vector.broadcast %parallel_loop3A_182 : i32 to vector<16xi32>
        %parallel_loop3A_184 = vector.shape_cast %parallel_loop3A_183 : vector<16xi32> to vector<16x1xi32>
        %parallel_loop3A_185 = vector.shape_cast %parallel_loop3A_184 : vector<16x1xi32> to vector<16xi32>
        %parallel_loop3A_186 = tpu.dynamic_gather %parallel_loop3A_145[%parallel_loop3A_185] in [0] : vector<16xf32>, vector<16xi32> -> vector<16xf32>
        %parallel_loop3A_187 = arith.index_cast %parallel_loop3A_129 : i32 to index
        %parallel_loop3A_188 = arith.constant 16 : index
        %parallel_loop3A_189 = tpu.vector_load %arg21[%parallel_loop3A_187, %parallel_loop3A_188] {strides = array<i32>} : memref<80x144xf32, #tpu.memory_space<vmem>>, vector<16xf32>,
        %parallel_loop3A_190 = arith.mulf %parallel_loop3A_189, %parallel_loop3A_181 : vector<16xf32>
        %parallel_loop3A_191 = arith.index_cast %parallel_loop3A_129 : i32 to index
        %parallel_loop3A_192 = arith.constant 16 : index
        %parallel_loop3A_193 = tpu.vector_load %arg21[%parallel_loop3A_191, %parallel_loop3A_192] {strides = array<i32>} : memref<80x144xf32, #tpu.memory_space<vmem>>, vector<16xf32>,
        tpu.vector_store %arg21[%parallel_loop3A_191, %parallel_loop3A_192], %parallel_loop3A_190 {strides = array<i32>} : memref<80x144xf32, #tpu.memory_space<vmem>>, vector<16xf32>,
        %parallel_loop3A_194 = arith.constant 1 : i32
        %parallel_loop3A_195 = arith.addi %parallel_loop3A_129, %parallel_loop3A_194 : i32
        %parallel_loop3A_196 = arith.index_cast %parallel_loop3A_195 : i32 to index
        %parallel_loop3A_197 = arith.constant 16 : index
        %parallel_loop3A_198 = tpu.vector_load %arg21[%parallel_loop3A_196, %parallel_loop3A_197] {strides = array<i32>} : memref<80x144xf32, #tpu.memory_space<vmem>>, vector<16xf32>,
        %parallel_loop3A_199 = arith.mulf %parallel_loop3A_198, %parallel_loop3A_186 : vector<16xf32>
        %parallel_loop3A_200 = arith.constant 1 : i32
        %parallel_loop3A_201 = arith.addi %parallel_loop3A_129, %parallel_loop3A_200 : i32
        %parallel_loop3A_202 = arith.index_cast %parallel_loop3A_201 : i32 to index
        %parallel_loop3A_203 = arith.constant 16 : index
        %parallel_loop3A_204 = tpu.vector_load %arg21[%parallel_loop3A_202, %parallel_loop3A_203] {strides = array<i32>} : memref<80x144xf32, #tpu.memory_space<vmem>>, vector<16xf32>,
        tpu.vector_store %arg21[%parallel_loop3A_202, %parallel_loop3A_203], %parallel_loop3A_199 {strides = array<i32>} : memref<80x144xf32, #tpu.memory_space<vmem>>, vector<16xf32>,
        %parallel_loop3A_205 = arith.constant 2 : i32
        %parallel_loop3A_206 = vector.broadcast %parallel_loop3A_205 : i32 to vector<16xi32>
        %parallel_loop3A_207 = vector.shape_cast %parallel_loop3A_206 : vector<16xi32> to vector<16x1xi32>
        %parallel_loop3A_208 = vector.shape_cast %parallel_loop3A_207 : vector<16x1xi32> to vector<16xi32>
        %parallel_loop3A_209 = tpu.dynamic_gather %parallel_loop3A_145[%parallel_loop3A_208] in [0] : vector<16xf32>, vector<16xi32> -> vector<16xf32>
        %parallel_loop3A_210 = arith.constant 10 : i32
        %parallel_loop3A_211 = vector.broadcast %parallel_loop3A_210 : i32 to vector<16xi32>
        %parallel_loop3A_212 = vector.shape_cast %parallel_loop3A_211 : vector<16xi32> to vector<16x1xi32>
        %parallel_loop3A_213 = vector.shape_cast %parallel_loop3A_212 : vector<16x1xi32> to vector<16xi32>
        %parallel_loop3A_214 = tpu.dynamic_gather %parallel_loop3A_145[%parallel_loop3A_213] in [0] : vector<16xf32>, vector<16xi32> -> vector<16xf32>
        %parallel_loop3A_215 = arith.index_cast %parallel_loop3A_129 : i32 to index
        %parallel_loop3A_216 = arith.constant 32 : index
        %parallel_loop3A_217 = tpu.vector_load %arg21[%parallel_loop3A_215, %parallel_loop3A_216] {strides = array<i32>} : memref<80x144xf32, #tpu.memory_space<vmem>>, vector<16xf32>,
        %parallel_loop3A_218 = arith.mulf %parallel_loop3A_217, %parallel_loop3A_209 : vector<16xf32>
        %parallel_loop3A_219 = arith.index_cast %parallel_loop3A_129 : i32 to index
        %parallel_loop3A_220 = arith.constant 32 : index
        %parallel_loop3A_221 = tpu.vector_load %arg21[%parallel_loop3A_219, %parallel_loop3A_220] {strides = array<i32>} : memref<80x144xf32, #tpu.memory_space<vmem>>, vector<16xf32>,
        tpu.vector_store %arg21[%parallel_loop3A_219, %parallel_loop3A_220], %parallel_loop3A_218 {strides = array<i32>} : memref<80x144xf32, #tpu.memory_space<vmem>>, vector<16xf32>,
        %parallel_loop3A_222 = arith.constant 1 : i32
        %parallel_loop3A_223 = arith.addi %parallel_loop3A_129, %parallel_loop3A_222 : i32
        %parallel_loop3A_224 = arith.index_cast %parallel_loop3A_223 : i32 to index
        %parallel_loop3A_225 = arith.constant 32 : index
        %parallel_loop3A_226 = tpu.vector_load %arg21[%parallel_loop3A_224, %parallel_loop3A_225] {strides = array<i32>} : memref<80x144xf32, #tpu.memory_space<vmem>>, vector<16xf32>,
        %parallel_loop3A_227 = arith.mulf %parallel_loop3A_226, %parallel_loop3A_214 : vector<16xf32>
        %parallel_loop3A_228 = arith.constant 1 : i32
        %parallel_loop3A_229 = arith.addi %parallel_loop3A_129, %parallel_loop3A_228 : i32
        %parallel_loop3A_230 = arith.index_cast %parallel_loop3A_229 : i32 to index
        %parallel_loop3A_231 = arith.constant 32 : index
        %parallel_loop3A_232 = tpu.vector_load %arg21[%parallel_loop3A_230, %parallel_loop3A_231] {strides = array<i32>} : memref<80x144xf32, #tpu.memory_space<vmem>>, vector<16xf32>,
        tpu.vector_store %arg21[%parallel_loop3A_230, %parallel_loop3A_231], %parallel_loop3A_227 {strides = array<i32>} : memref<80x144xf32, #tpu.memory_space<vmem>>, vector<16xf32>,
        %parallel_loop3A_233 = arith.constant 3 : i32
        %parallel_loop3A_234 = vector.broadcast %parallel_loop3A_233 : i32 to vector<16xi32>
        %parallel_loop3A_235 = vector.shape_cast %parallel_loop3A_234 : vector<16xi32> to vector<16x1xi32>
        %parallel_loop3A_236 = vector.shape_cast %parallel_loop3A_235 : vector<16x1xi32> to vector<16xi32>
        %parallel_loop3A_237 = tpu.dynamic_gather %parallel_loop3A_145[%parallel_loop3A_236] in [0] : vector<16xf32>, vector<16xi32> -> vector<16xf32>
        %parallel_loop3A_238 = arith.constant 11 : i32
        %parallel_loop3A_239 = vector.broadcast %parallel_loop3A_238 : i32 to vector<16xi32>
        %parallel_loop3A_240 = vector.shape_cast %parallel_loop3A_239 : vector<16xi32> to vector<16x1xi32>
        %parallel_loop3A_241 = vector.shape_cast %parallel_loop3A_240 : vector<16x1xi32> to vector<16xi32>
        %parallel_loop3A_242 = tpu.dynamic_gather %parallel_loop3A_145[%parallel_loop3A_241] in [0] : vector<16xf32>, vector<16xi32> -> vector<16xf32>
        %parallel_loop3A_243 = arith.index_cast %parallel_loop3A_129 : i32 to index
        %parallel_loop3A_244 = arith.constant 48 : index
        %parallel_loop3A_245 = tpu.vector_load %arg21[%parallel_loop3A_243, %parallel_loop3A_244] {strides = array<i32>} : memref<80x144xf32, #tpu.memory_space<vmem>>, vector<16xf32>,
        %parallel_loop3A_246 = arith.mulf %parallel_loop3A_245, %parallel_loop3A_237 : vector<16xf32>
        %parallel_loop3A_247 = arith.index_cast %parallel_loop3A_129 : i32 to index
        %parallel_loop3A_248 = arith.constant 48 : index
        %parallel_loop3A_249 = tpu.vector_load %arg21[%parallel_loop3A_247, %parallel_loop3A_248] {strides = array<i32>} : memref<80x144xf32, #tpu.memory_space<vmem>>, vector<16xf32>,
        tpu.vector_store %arg21[%parallel_loop3A_247, %parallel_loop3A_248], %parallel_loop3A_246 {strides = array<i32>} : memref<80x144xf32, #tpu.memory_space<vmem>>, vector<16xf32>,
        %parallel_loop3A_250 = arith.constant 1 : i32
        %parallel_loop3A_251 = arith.addi %parallel_loop3A_129, %parallel_loop3A_250 : i32
        %parallel_loop3A_252 = arith.index_cast %parallel_loop3A_251 : i32 to index
        %parallel_loop3A_253 = arith.constant 48 : index
        %parallel_loop3A_254 = tpu.vector_load %arg21[%parallel_loop3A_252, %parallel_loop3A_253] {strides = array<i32>} : memref<80x144xf32, #tpu.memory_space<vmem>>, vector<16xf32>,
        %parallel_loop3A_255 = arith.mulf %parallel_loop3A_254, %parallel_loop3A_242 : vector<16xf32>
        %parallel_loop3A_256 = arith.constant 1 : i32
        %parallel_loop3A_257 = arith.addi %parallel_loop3A_129, %parallel_loop3A_256 : i32
        %parallel_loop3A_258 = arith.index_cast %parallel_loop3A_257 : i32 to index
        %parallel_loop3A_259 = arith.constant 48 : index
        %parallel_loop3A_260 = tpu.vector_load %arg21[%parallel_loop3A_258, %parallel_loop3A_259] {strides = array<i32>} : memref<80x144xf32, #tpu.memory_space<vmem>>, vector<16xf32>,
        tpu.vector_store %arg21[%parallel_loop3A_258, %parallel_loop3A_259], %parallel_loop3A_255 {strides = array<i32>} : memref<80x144xf32, #tpu.memory_space<vmem>>, vector<16xf32>,
        %parallel_loop3A_261 = arith.constant 4 : i32
        %parallel_loop3A_262 = vector.broadcast %parallel_loop3A_261 : i32 to vector<16xi32>
        %parallel_loop3A_263 = vector.shape_cast %parallel_loop3A_262 : vector<16xi32> to vector<16x1xi32>
        %parallel_loop3A_264 = vector.shape_cast %parallel_loop3A_263 : vector<16x1xi32> to vector<16xi32>
        %parallel_loop3A_265 = tpu.dynamic_gather %parallel_loop3A_145[%parallel_loop3A_264] in [0] : vector<16xf32>, vector<16xi32> -> vector<16xf32>
        %parallel_loop3A_266 = arith.constant 12 : i32
        %parallel_loop3A_267 = vector.broadcast %parallel_loop3A_266 : i32 to vector<16xi32>
        %parallel_loop3A_268 = vector.shape_cast %parallel_loop3A_267 : vector<16xi32> to vector<16x1xi32>
        %parallel_loop3A_269 = vector.shape_cast %parallel_loop3A_268 : vector<16x1xi32> to vector<16xi32>
        %parallel_loop3A_270 = tpu.dynamic_gather %parallel_loop3A_145[%parallel_loop3A_269] in [0] : vector<16xf32>, vector<16xi32> -> vector<16xf32>
        %parallel_loop3A_271 = arith.index_cast %parallel_loop3A_129 : i32 to index
        %parallel_loop3A_272 = arith.constant 64 : index
        %parallel_loop3A_273 = tpu.vector_load %arg21[%parallel_loop3A_271, %parallel_loop3A_272] {strides = array<i32>} : memref<80x144xf32, #tpu.memory_space<vmem>>, vector<16xf32>,
        %parallel_loop3A_274 = arith.mulf %parallel_loop3A_273, %parallel_loop3A_265 : vector<16xf32>
        %parallel_loop3A_275 = arith.index_cast %parallel_loop3A_129 : i32 to index
        %parallel_loop3A_276 = arith.constant 64 : index
        %parallel_loop3A_277 = tpu.vector_load %arg21[%parallel_loop3A_275, %parallel_loop3A_276] {strides = array<i32>} : memref<80x144xf32, #tpu.memory_space<vmem>>, vector<16xf32>,
        tpu.vector_store %arg21[%parallel_loop3A_275, %parallel_loop3A_276], %parallel_loop3A_274 {strides = array<i32>} : memref<80x144xf32, #tpu.memory_space<vmem>>, vector<16xf32>,
        %parallel_loop3A_278 = arith.constant 1 : i32
        %parallel_loop3A_279 = arith.addi %parallel_loop3A_129, %parallel_loop3A_278 : i32
        %parallel_loop3A_280 = arith.index_cast %parallel_loop3A_279 : i32 to index
        %parallel_loop3A_281 = arith.constant 64 : index
        %parallel_loop3A_282 = tpu.vector_load %arg21[%parallel_loop3A_280, %parallel_loop3A_281] {strides = array<i32>} : memref<80x144xf32, #tpu.memory_space<vmem>>, vector<16xf32>,
        %parallel_loop3A_283 = arith.mulf %parallel_loop3A_282, %parallel_loop3A_270 : vector<16xf32>
        %parallel_loop3A_284 = arith.constant 1 : i32
        %parallel_loop3A_285 = arith.addi %parallel_loop3A_129, %parallel_loop3A_284 : i32
        %parallel_loop3A_286 = arith.index_cast %parallel_loop3A_285 : i32 to index
        %parallel_loop3A_287 = arith.constant 64 : index
        %parallel_loop3A_288 = tpu.vector_load %arg21[%parallel_loop3A_286, %parallel_loop3A_287] {strides = array<i32>} : memref<80x144xf32, #tpu.memory_space<vmem>>, vector<16xf32>,
        tpu.vector_store %arg21[%parallel_loop3A_286, %parallel_loop3A_287], %parallel_loop3A_283 {strides = array<i32>} : memref<80x144xf32, #tpu.memory_space<vmem>>, vector<16xf32>,
        %parallel_loop3A_289 = arith.constant 5 : i32
        %parallel_loop3A_290 = vector.broadcast %parallel_loop3A_289 : i32 to vector<16xi32>
        %parallel_loop3A_291 = vector.shape_cast %parallel_loop3A_290 : vector<16xi32> to vector<16x1xi32>
        %parallel_loop3A_292 = vector.shape_cast %parallel_loop3A_291 : vector<16x1xi32> to vector<16xi32>
        %parallel_loop3A_293 = tpu.dynamic_gather %parallel_loop3A_145[%parallel_loop3A_292] in [0] : vector<16xf32>, vector<16xi32> -> vector<16xf32>
        %parallel_loop3A_294 = arith.constant 13 : i32
        %parallel_loop3A_295 = vector.broadcast %parallel_loop3A_294 : i32 to vector<16xi32>
        %parallel_loop3A_296 = vector.shape_cast %parallel_loop3A_295 : vector<16xi32> to vector<16x1xi32>
        %parallel_loop3A_297 = vector.shape_cast %parallel_loop3A_296 : vector<16x1xi32> to vector<16xi32>
        %parallel_loop3A_298 = tpu.dynamic_gather %parallel_loop3A_145[%parallel_loop3A_297] in [0] : vector<16xf32>, vector<16xi32> -> vector<16xf32>
        %parallel_loop3A_299 = arith.index_cast %parallel_loop3A_129 : i32 to index
        %parallel_loop3A_300 = arith.constant 80 : index
        %parallel_loop3A_301 = tpu.vector_load %arg21[%parallel_loop3A_299, %parallel_loop3A_300] {strides = array<i32>} : memref<80x144xf32, #tpu.memory_space<vmem>>, vector<16xf32>,
        %parallel_loop3A_302 = arith.mulf %parallel_loop3A_301, %parallel_loop3A_293 : vector<16xf32>
        %parallel_loop3A_303 = arith.index_cast %parallel_loop3A_129 : i32 to index
        %parallel_loop3A_304 = arith.constant 80 : index
        %parallel_loop3A_305 = tpu.vector_load %arg21[%parallel_loop3A_303, %parallel_loop3A_304] {strides = array<i32>} : memref<80x144xf32, #tpu.memory_space<vmem>>, vector<16xf32>,
        tpu.vector_store %arg21[%parallel_loop3A_303, %parallel_loop3A_304], %parallel_loop3A_302 {strides = array<i32>} : memref<80x144xf32, #tpu.memory_space<vmem>>, vector<16xf32>,
        %parallel_loop3A_306 = arith.constant 1 : i32
        %parallel_loop3A_307 = arith.addi %parallel_loop3A_129, %parallel_loop3A_306 : i32
        %parallel_loop3A_308 = arith.index_cast %parallel_loop3A_307 : i32 to index
        %parallel_loop3A_309 = arith.constant 80 : index
        %parallel_loop3A_310 = tpu.vector_load %arg21[%parallel_loop3A_308, %parallel_loop3A_309] {strides = array<i32>} : memref<80x144xf32, #tpu.memory_space<vmem>>, vector<16xf32>,
        %parallel_loop3A_311 = arith.mulf %parallel_loop3A_310, %parallel_loop3A_298 : vector<16xf32>
        %parallel_loop3A_312 = arith.constant 1 : i32
        %parallel_loop3A_313 = arith.addi %parallel_loop3A_129, %parallel_loop3A_312 : i32
        %parallel_loop3A_314 = arith.index_cast %parallel_loop3A_313 : i32 to index
        %parallel_loop3A_315 = arith.constant 80 : index
        %parallel_loop3A_316 = tpu.vector_load %arg21[%parallel_loop3A_314, %parallel_loop3A_315] {strides = array<i32>} : memref<80x144xf32, #tpu.memory_space<vmem>>, vector<16xf32>,
        tpu.vector_store %arg21[%parallel_loop3A_314, %parallel_loop3A_315], %parallel_loop3A_311 {strides = array<i32>} : memref<80x144xf32, #tpu.memory_space<vmem>>, vector<16xf32>,
        %parallel_loop3A_317 = arith.constant 6 : i32
        %parallel_loop3A_318 = vector.broadcast %parallel_loop3A_317 : i32 to vector<16xi32>
        %parallel_loop3A_319 = vector.shape_cast %parallel_loop3A_318 : vector<16xi32> to vector<16x1xi32>
        %parallel_loop3A_320 = vector.shape_cast %parallel_loop3A_319 : vector<16x1xi32> to vector<16xi32>
        %parallel_loop3A_321 = tpu.dynamic_gather %parallel_loop3A_145[%parallel_loop3A_320] in [0] : vector<16xf32>, vector<16xi32> -> vector<16xf32>
        %parallel_loop3A_322 = arith.constant 14 : i32
        %parallel_loop3A_323 = vector.broadcast %parallel_loop3A_322 : i32 to vector<16xi32>
        %parallel_loop3A_324 = vector.shape_cast %parallel_loop3A_323 : vector<16xi32> to vector<16x1xi32>
        %parallel_loop3A_325 = vector.shape_cast %parallel_loop3A_324 : vector<16x1xi32> to vector<16xi32>
        %parallel_loop3A_326 = tpu.dynamic_gather %parallel_loop3A_145[%parallel_loop3A_325] in [0] : vector<16xf32>, vector<16xi32> -> vector<16xf32>
        %parallel_loop3A_327 = arith.index_cast %parallel_loop3A_129 : i32 to index
        %parallel_loop3A_328 = arith.constant 96 : index
        %parallel_loop3A_329 = tpu.vector_load %arg21[%parallel_loop3A_327, %parallel_loop3A_328] {strides = array<i32>} : memref<80x144xf32, #tpu.memory_space<vmem>>, vector<16xf32>,
        %parallel_loop3A_330 = arith.mulf %parallel_loop3A_329, %parallel_loop3A_321 : vector<16xf32>
        %parallel_loop3A_331 = arith.index_cast %parallel_loop3A_129 : i32 to index
        %parallel_loop3A_332 = arith.constant 96 : index
        %parallel_loop3A_333 = tpu.vector_load %arg21[%parallel_loop3A_331, %parallel_loop3A_332] {strides = array<i32>} : memref<80x144xf32, #tpu.memory_space<vmem>>, vector<16xf32>,
        tpu.vector_store %arg21[%parallel_loop3A_331, %parallel_loop3A_332], %parallel_loop3A_330 {strides = array<i32>} : memref<80x144xf32, #tpu.memory_space<vmem>>, vector<16xf32>,
        %parallel_loop3A_334 = arith.constant 1 : i32
        %parallel_loop3A_335 = arith.addi %parallel_loop3A_129, %parallel_loop3A_334 : i32
        %parallel_loop3A_336 = arith.index_cast %parallel_loop3A_335 : i32 to index
        %parallel_loop3A_337 = arith.constant 96 : index
        %parallel_loop3A_338 = tpu.vector_load %arg21[%parallel_loop3A_336, %parallel_loop3A_337] {strides = array<i32>} : memref<80x144xf32, #tpu.memory_space<vmem>>, vector<16xf32>,
        %parallel_loop3A_339 = arith.mulf %parallel_loop3A_338, %parallel_loop3A_326 : vector<16xf32>
        %parallel_loop3A_340 = arith.constant 1 : i32
        %parallel_loop3A_341 = arith.addi %parallel_loop3A_129, %parallel_loop3A_340 : i32
        %parallel_loop3A_342 = arith.index_cast %parallel_loop3A_341 : i32 to index
        %parallel_loop3A_343 = arith.constant 96 : index
        %parallel_loop3A_344 = tpu.vector_load %arg21[%parallel_loop3A_342, %parallel_loop3A_343] {strides = array<i32>} : memref<80x144xf32, #tpu.memory_space<vmem>>, vector<16xf32>,
        tpu.vector_store %arg21[%parallel_loop3A_342, %parallel_loop3A_343], %parallel_loop3A_339 {strides = array<i32>} : memref<80x144xf32, #tpu.memory_space<vmem>>, vector<16xf32>,
        %parallel_loop3A_345 = arith.constant 7 : i32
        %parallel_loop3A_346 = vector.broadcast %parallel_loop3A_345 : i32 to vector<16xi32>
        %parallel_loop3A_347 = vector.shape_cast %parallel_loop3A_346 : vector<16xi32> to vector<16x1xi32>
        %parallel_loop3A_348 = vector.shape_cast %parallel_loop3A_347 : vector<16x1xi32> to vector<16xi32>
        %parallel_loop3A_349 = tpu.dynamic_gather %parallel_loop3A_145[%parallel_loop3A_348] in [0] : vector<16xf32>, vector<16xi32> -> vector<16xf32>
        %parallel_loop3A_350 = arith.constant 15 : i32
        %parallel_loop3A_351 = vector.broadcast %parallel_loop3A_350 : i32 to vector<16xi32>
        %parallel_loop3A_352 = vector.shape_cast %parallel_loop3A_351 : vector<16xi32> to vector<16x1xi32>
        %parallel_loop3A_353 = vector.shape_cast %parallel_loop3A_352 : vector<16x1xi32> to vector<16xi32>
        %parallel_loop3A_354 = tpu.dynamic_gather %parallel_loop3A_145[%parallel_loop3A_353] in [0] : vector<16xf32>, vector<16xi32> -> vector<16xf32>
        %parallel_loop3A_355 = arith.index_cast %parallel_loop3A_129 : i32 to index
        %parallel_loop3A_356 = arith.constant 112 : index
        %parallel_loop3A_357 = tpu.vector_load %arg21[%parallel_loop3A_355, %parallel_loop3A_356] {strides = array<i32>} : memref<80x144xf32, #tpu.memory_space<vmem>>, vector<16xf32>,
        %parallel_loop3A_358 = arith.mulf %parallel_loop3A_357, %parallel_loop3A_349 : vector<16xf32>
        %parallel_loop3A_359 = arith.index_cast %parallel_loop3A_129 : i32 to index
        %parallel_loop3A_360 = arith.constant 112 : index
        %parallel_loop3A_361 = tpu.vector_load %arg21[%parallel_loop3A_359, %parallel_loop3A_360] {strides = array<i32>} : memref<80x144xf32, #tpu.memory_space<vmem>>, vector<16xf32>,
        tpu.vector_store %arg21[%parallel_loop3A_359, %parallel_loop3A_360], %parallel_loop3A_358 {strides = array<i32>} : memref<80x144xf32, #tpu.memory_space<vmem>>, vector<16xf32>,
        %parallel_loop3A_362 = arith.constant 1 : i32
        %parallel_loop3A_363 = arith.addi %parallel_loop3A_129, %parallel_loop3A_362 : i32
        %parallel_loop3A_364 = arith.index_cast %parallel_loop3A_363 : i32 to index
        %parallel_loop3A_365 = arith.constant 112 : index
        %parallel_loop3A_366 = tpu.vector_load %arg21[%parallel_loop3A_364, %parallel_loop3A_365] {strides = array<i32>} : memref<80x144xf32, #tpu.memory_space<vmem>>, vector<16xf32>,
        %parallel_loop3A_367 = arith.mulf %parallel_loop3A_366, %parallel_loop3A_354 : vector<16xf32>
        %parallel_loop3A_368 = arith.constant 1 : i32
        %parallel_loop3A_369 = arith.addi %parallel_loop3A_129, %parallel_loop3A_368 : i32
        %parallel_loop3A_370 = arith.index_cast %parallel_loop3A_369 : i32 to index
        %parallel_loop3A_371 = arith.constant 112 : index
        %parallel_loop3A_372 = tpu.vector_load %arg21[%parallel_loop3A_370, %parallel_loop3A_371] {strides = array<i32>} : memref<80x144xf32, #tpu.memory_space<vmem>>, vector<16xf32>,
        tpu.vector_store %arg21[%parallel_loop3A_370, %parallel_loop3A_371], %parallel_loop3A_367 {strides = array<i32>} : memref<80x144xf32, #tpu.memory_space<vmem>>, vector<16xf32>,
      } {sc.loop_unroll_factor = 2 : i64, sc.parallel_access}
      "tpu.region"() ({
        %run_scoped3A = tpu.sem_alloc : memref<!tpu.dma_semaphore, #tpu.memory_space<semaphore_mem>>
        %dma_start3A_127 = arith.constant 0 : i32
        %dma_start3A_128 = arith.constant 0 : i32
        %dma_start3A_129 = tpu.memref_slice %arg26[%dma_start3A_127, %dma_start3A_128] : memref<10112x144xf32, #tpu.memory_space<vmem_shared>> -> memref<10112x144xf32, #tpu.memory_space<vmem_shared>>
        tpu.enqueue_indirect_dma source(%arg21 : memref<80x144xf32, #tpu.memory_space<vmem>>) target(%dma_start3A_129 : memref<10112x144xf32, #tpu.memory_space<vmem_shared>>) offsets(%arg15 : memref<80xi32, #tpu.memory_space<vmem>>) semaphore(%run_scoped3A : memref<!tpu.dma_semaphore, #tpu.memory_space<semaphore_mem>>) {add = true}
        %dma_wait3A_130 = arith.constant 0 : i32
        %dma_wait3A_131 = arith.constant 0 : i32
        %dma_wait3A_132 = tpu.memref_slice %arg26[%dma_wait3A_130, %dma_wait3A_131] : memref<10112x144xf32, #tpu.memory_space<vmem_shared>> -> memref<10112x144xf32, #tpu.memory_space<vmem_shared>>
        tpu.wait_indirect_dma semaphore(%run_scoped3A : memref<!tpu.dma_semaphore, #tpu.memory_space<semaphore_mem>>) src(%arg21 : memref<80x144xf32, #tpu.memory_space<vmem>>) dst(%dma_wait3A_132 : memref<10112x144xf32, #tpu.memory_space<vmem_shared>>)
        tpu.yield
      }) : () -> ()
      %add3A_120 = arith.constant 2 : i32
      %add3A_121 = arith.addi %add3A_105, %add3A_120 : i32
      %le3A_122 = arith.constant 125 : i32
      %le3A_123 = arith.cmpi sle, %add3A_121, %le3A_122 : i32
      %convert_element_type3A_124 = arith.extui %le3A_123 : i1 to i32
      %cond3A_125 = arith.constant 0 : i32
      %cond3A_126 = arith.cmpi ne, %convert_element_type3A_124, %cond3A_125 : i32
      scf.if %cond3A_126 {
        %add3A_127 = arith.constant 2 : i32
        %add3A_128 = arith.addi %add3A_105, %add3A_127 : i32
        %add3A_129 = arith.addi %mul3A_2, %add3A_128 : i32
        %mul3A_130 = arith.constant 80 : i32
        %mul3A_131 = arith.muli %add3A_129, %mul3A_130 : i32
        %dma_start3A_132 = tpu.memref_slice %arg4[%mul3A_131] : memref<322560xi32, #tpu.memory_space<hbm>> -> memref<80xi32, #tpu.memory_space<hbm>>
        %dma_start3A_133 = tpu.memref_slice %arg4[%mul3A_131] : memref<322560xi32, #tpu.memory_space<hbm>> -> memref<80xi32, #tpu.memory_space<hbm>>
        tpu.enqueue_dma source(%dma_start3A_133 : memref<80xi32, #tpu.memory_space<hbm>>) target(%arg11 : memref<80xi32, #tpu.memory_space<vmem>>) target_semaphore(%arg28 : memref<!tpu.dma_semaphore, #tpu.memory_space<semaphore_mem>>)
        %dma_start3A_134 = tpu.memref_slice %arg5[%mul3A_131] : memref<322560xi32, #tpu.memory_space<hbm>> -> memref<80xi32, #tpu.memory_space<hbm>>
        %dma_start3A_135 = tpu.memref_slice %arg5[%mul3A_131] : memref<322560xi32, #tpu.memory_space<hbm>> -> memref<80xi32, #tpu.memory_space<hbm>>
        tpu.enqueue_dma source(%dma_start3A_135 : memref<80xi32, #tpu.memory_space<hbm>>) target(%arg14 : memref<80xi32, #tpu.memory_space<vmem>>) target_semaphore(%arg28 : memref<!tpu.dma_semaphore, #tpu.memory_space<semaphore_mem>>)
        %dma_start3A_136 = tpu.memref_slice %arg6[%mul3A_131] : memref<322560xf32, #tpu.memory_space<hbm>> -> memref<80xf32, #tpu.memory_space<hbm>>
        %dma_start3A_137 = tpu.memref_slice %arg6[%mul3A_131] : memref<322560xf32, #tpu.memory_space<hbm>> -> memref<80xf32, #tpu.memory_space<hbm>>
        tpu.enqueue_dma source(%dma_start3A_137 : memref<80xf32, #tpu.memory_space<hbm>>) target(%arg17 : memref<80xf32, #tpu.memory_space<vmem>>) target_semaphore(%arg28 : memref<!tpu.dma_semaphore, #tpu.memory_space<semaphore_mem>>)
      } else {
      }
    }
    %scan3A_50 = arith.constant 42 : i32
    %barrier3A_51 = arith.constant 0 : index
    tpu.barrier barrier_id(%barrier3A_51)
    %mul3A_52 = arith.constant 632 : i32
    %mul3A_53 = arith.muli %arg1, %mul3A_52 : i32
    %mul3A_54 = arith.constant 632 : i32
    %mul3A_55 = arith.muli %arg1, %mul3A_54 : i32
    "tpu.region"() ({
      %run_scoped3A = tpu.sem_alloc : memref<!tpu.dma_semaphore, #tpu.memory_space<semaphore_mem>>
      %dma_start3A_56 = arith.constant 0 : i32
      %dma_start3A_57 = tpu.memref_slice %arg9[%arg0, %mul3A_55, %dma_start3A_56] : memref<2x10112x144xf32, #tpu.memory_space<hbm>> -> memref<1x632x144xf32, #tpu.memory_space<hbm>>
      %dma_start3A_58 = tpu.memref_squeeze %dma_start3A_57 : memref<1x632x144xf32, #tpu.memory_space<hbm>> -> memref<632x144xf32, #tpu.memory_space<hbm>>
      %dma_start3A_59 = arith.constant 0 : i32
      %dma_start3A_60 = tpu.memref_slice %arg26[%mul3A_53, %dma_start3A_59] : memref<10112x144xf32, #tpu.memory_space<vmem_shared>> -> memref<632x144xf32, #tpu.memory_space<vmem_shared>>
      tpu.enqueue_dma source(%dma_start3A_60 : memref<632x144xf32, #tpu.memory_space<vmem_shared>>) target(%dma_start3A_58 : memref<632x144xf32, #tpu.memory_space<hbm>>) target_semaphore(%run_scoped3A : memref<!tpu.dma_semaphore, #tpu.memory_space<semaphore_mem>>)
      %dma_wait3A_61 = arith.constant 0 : i32
      %dma_wait3A_62 = tpu.memref_slice %arg9[%arg0, %mul3A_55, %dma_wait3A_61] : memref<2x10112x144xf32, #tpu.memory_space<hbm>> -> memref<1x632x144xf32, #tpu.memory_space<hbm>>
      %dma_wait3A_63 = tpu.memref_squeeze %dma_wait3A_62 : memref<1x632x144xf32, #tpu.memory_space<hbm>> -> memref<632x144xf32, #tpu.memory_space<hbm>>
      %dma_wait3A_64 = arith.constant 0 : i32
      %dma_wait3A_65 = tpu.memref_slice %arg26[%mul3A_53, %dma_wait3A_64] : memref<10112x144xf32, #tpu.memory_space<vmem_shared>> -> memref<632x144xf32, #tpu.memory_space<vmem_shared>>
      tpu.wait_dma2 semaphore(%run_scoped3A : memref<!tpu.dma_semaphore, #tpu.memory_space<semaphore_mem>>) src(%dma_wait3A_65 : memref<632x144xf32, #tpu.memory_space<vmem_shared>>) dst(%dma_wait3A_63 : memref<632x144xf32, #tpu.memory_space<hbm>>)
      tpu.yield
    }) : () -> ()
    return
  }
}

module attributes {stable_mosaic.version = 14 : i64} {
  func.func @_prep_body(%arg0: i32, %arg1: memref<1000x128xf32, #tpu.memory_space<vmem>>, %arg2: memref<128x144xf32, #tpu.memory_space<vmem>>, %arg3: memref<128x16xf32, #tpu.memory_space<vmem>>, %arg4: memref<1x1x32000xf32, #tpu.memory_space<vmem>>, %arg5: memref<1000x144xf32, #tpu.memory_space<vmem>>, %arg6: memref<1000x16xf32, #tpu.memory_space<vmem>>, %arg7: memref<1x1xf32, #tpu.memory_space<vmem>>) attributes {dimension_semantics = [#tpu.dimension_semantics<arbitrary>], iteration_bounds = array<i64: 10>, scalar_prefetch = 0 : i64, scratch_operands = 0 : i64, tpu.core_type = #tpu.core_type<tc>, window_params = [{transform_indices = @transform_0, window_bounds = array<i64: 1000, 128>}, {pipeline_mode = #tpu.pipeline_mode<synchronous>, transform_indices = @transform_1, window_bounds = array<i64: 128, 144>}, {pipeline_mode = #tpu.pipeline_mode<synchronous>, transform_indices = @transform_2, window_bounds = array<i64: 128, 16>}, {transform_indices = @transform_3, window_bounds = array<i64: 1, 1, 32000>}, {transform_indices = @transform_4, window_bounds = array<i64: 1000, 144>}, {transform_indices = @transform_5, window_bounds = array<i64: 1000, 16>}, {pipeline_mode = #tpu.pipeline_mode<synchronous>, transform_indices = @transform_6, window_bounds = array<i64: 1, 1>}]} {
    %get3A = arith.constant 0 : index
    %get3A_0 = arith.constant 0 : index
    %get3A_1 = vector.load %arg1[%get3A, %get3A_0] : memref<1000x128xf32, #tpu.memory_space<vmem>>, vector<1000x128xf32>
    %get3A_2 = arith.constant 0 : index
    %get3A_3 = arith.constant 0 : index
    %get3A_4 = vector.load %arg2[%get3A_2, %get3A_3] : memref<128x144xf32, #tpu.memory_space<vmem>>, vector<128x144xf32>
    %dot_general3A = arith.constant dense<0.000000e+00> : vector<1000x144xf32>
    %dot_general3A_5 = tpu.matmul %get3A_1, %get3A_4, %dot_general3A {dimension_numbers = #tpu.dot_dimension_numbers<[1], [0], [0], [1], [0, 0, 1, 1], [], []>, transpose_lhs_hint = false} : vector<1000x128xf32>, vector<128x144xf32>, vector<1000x144xf32> -> vector<1000x144xf32>
    %swap3A = arith.constant 0 : index
    %swap3A_6 = arith.constant 0 : index
    %swap3A_7 = vector.load %arg5[%swap3A, %swap3A_6] : memref<1000x144xf32, #tpu.memory_space<vmem>>, vector<1000x144xf32>
    tpu.vector_store %arg5[%swap3A, %swap3A_6], %dot_general3A_5 {strides = array<i32>} : memref<1000x144xf32, #tpu.memory_space<vmem>>, vector<1000x144xf32>,
    %get3A_8 = arith.constant 0 : index
    %get3A_9 = arith.constant 0 : index
    %get3A_10 = vector.load %arg3[%get3A_8, %get3A_9] : memref<128x16xf32, #tpu.memory_space<vmem>>, vector<128x16xf32>
    %dot_general3A_11 = arith.constant dense<0.000000e+00> : vector<1000x16xf32>
    %dot_general3A_12 = tpu.matmul %get3A_1, %get3A_10, %dot_general3A_11 {dimension_numbers = #tpu.dot_dimension_numbers<[1], [0], [0], [1], [0, 0, 1, 1], [], []>, transpose_lhs_hint = false} : vector<1000x128xf32>, vector<128x16xf32>, vector<1000x16xf32> -> vector<1000x16xf32>
    %swap3A_13 = arith.constant 0 : index
    %swap3A_14 = arith.constant 0 : index
    %swap3A_15 = vector.load %arg6[%swap3A_13, %swap3A_14] : memref<1000x16xf32, #tpu.memory_space<vmem>>, vector<1000x16xf32>
    tpu.vector_store %arg6[%swap3A_13, %swap3A_14], %dot_general3A_12 {strides = array<i32>} : memref<1000x16xf32, #tpu.memory_space<vmem>>, vector<1000x16xf32>,
    %eq3A = arith.constant 0 : i32
    %eq3A_16 = arith.cmpi eq, %arg0, %eq3A : i32
    %convert_element_type3A = arith.extui %eq3A_16 : i1 to i32
    %cond3A = arith.constant 0 : i32
    %cond3A_17 = arith.cmpi ne, %convert_element_type3A, %cond3A : i32
    scf.if %cond3A_17 {
      %broadcast_in_dim3A_32 = arith.constant 0.000000e+00 : f32
      %broadcast_in_dim3A_33 = vector.broadcast %broadcast_in_dim3A_32 : f32 to vector<1x1xf32>
      %swap3A_34 = arith.constant 0 : index
      %swap3A_35 = arith.constant 0 : index
      %swap3A_36 = vector.load %arg7[%swap3A_34, %swap3A_35] : memref<1x1xf32, #tpu.memory_space<vmem>>, vector<1x1xf32>
      tpu.vector_store %arg7[%swap3A_34, %swap3A_35], %broadcast_in_dim3A_33 {strides = array<i32>} : memref<1x1xf32, #tpu.memory_space<vmem>>, vector<1x1xf32>,
    } else {
    }
    %get3A_18 = arith.constant 0 : index
    %get3A_19 = arith.constant 0 : index
    %get3A_20 = vector.load %arg7[%get3A_18, %get3A_19] : memref<1x1xf32, #tpu.memory_space<vmem>>, vector<1x1xf32>
    %get3A_21 = arith.constant 0 : index
    %get3A_22 = arith.constant 0 : index
    %get3A_23 = arith.constant 0 : index
    %get3A_24 = vector.load %arg4[%get3A_21, %get3A_22, %get3A_23] : memref<1x1x32000xf32, #tpu.memory_space<vmem>>, vector<1x1x32000xf32>
    %reduce_sum3A = vector.shape_cast %get3A_24 : vector<1x1x32000xf32> to vector<1x1x1x32000xf32>
    %reduce_sum3A_25 = arith.constant dense<0.000000e+00> : vector<1xf32>
    %reduce_sum3A_26 = vector.multi_reduction <add>, %reduce_sum3A, %reduce_sum3A_25 [1, 2, 3] : vector<1x1x1x32000xf32> to vector<1xf32>
    %reduce_sum3A_27 = vector.shape_cast %reduce_sum3A_26 : vector<1xf32> to vector<1x1x1x1xf32>
    %reduce_sum3A_28 = vector.extract %reduce_sum3A_27[0, 0, 0, 0] : f32 from vector<1x1x1x1xf32>
    %broadcast_in_dim3A = vector.broadcast %reduce_sum3A_28 : f32 to vector<1x1xf32>
    %add3A = arith.addf %get3A_20, %broadcast_in_dim3A : vector<1x1xf32>
    %swap3A_29 = arith.constant 0 : index
    %swap3A_30 = arith.constant 0 : index
    %swap3A_31 = vector.load %arg7[%swap3A_29, %swap3A_30] : memref<1x1xf32, #tpu.memory_space<vmem>>, vector<1x1xf32>
    tpu.vector_store %arg7[%swap3A_29, %swap3A_30], %add3A {strides = array<i32>} : memref<1x1xf32, #tpu.memory_space<vmem>>, vector<1x1xf32>,
    return
  }
  func.func @transform_0(%arg0: i32) -> (i32, i32) {
    %c0_i32 = arith.constant 0 : i32
    %c0_i32_0 = arith.constant 0 : i32
    return %arg0, %c0_i32 : i32, i32
  }
  func.func @transform_1(%arg0: i32) -> (i32, i32) {
    %c0_i32 = arith.constant 0 : i32
    %c0_i32_0 = arith.constant 0 : i32
    %c0_i32_1 = arith.constant 0 : i32
    return %c0_i32, %c0_i32_0 : i32, i32
  }
  func.func @transform_2(%arg0: i32) -> (i32, i32) {
    %c0_i32 = arith.constant 0 : i32
    %c0_i32_0 = arith.constant 0 : i32
    %c0_i32_1 = arith.constant 0 : i32
    return %c0_i32, %c0_i32_0 : i32, i32
  }
  func.func @transform_3(%arg0: i32) -> (i32, i32, i32) {
    %c0_i32 = arith.constant 0 : i32
    %c0_i32_0 = arith.constant 0 : i32
    %c0_i32_1 = arith.constant 0 : i32
    return %arg0, %c0_i32, %c0_i32_0 : i32, i32, i32
  }
  func.func @transform_4(%arg0: i32) -> (i32, i32) {
    %c0_i32 = arith.constant 0 : i32
    %c0_i32_0 = arith.constant 0 : i32
    return %arg0, %c0_i32 : i32, i32
  }
  func.func @transform_5(%arg0: i32) -> (i32, i32) {
    %c0_i32 = arith.constant 0 : i32
    %c0_i32_0 = arith.constant 0 : i32
    return %arg0, %c0_i32 : i32, i32
  }
  func.func @transform_6(%arg0: i32) -> (i32, i32) {
    %c0_i32 = arith.constant 0 : i32
    %c0_i32_0 = arith.constant 0 : i32
    %c0_i32_1 = arith.constant 0 : i32
    return %c0_i32, %c0_i32_0 : i32, i32
  }
}

module attributes {stable_mosaic.version = 14 : i64} {
  func.func @_epi_body(%arg0: i32, %arg1: memref<2x1000x144xf32, #tpu.memory_space<vmem>>, %arg2: memref<1000x128xf32, #tpu.memory_space<vmem>>, %arg3: memref<1000x144xf32, #tpu.memory_space<vmem>>, %arg4: memref<1x1xf32, #tpu.memory_space<vmem>>, %arg5: memref<1x8xf32, #tpu.memory_space<vmem>>, %arg6: memref<144x8xf32, #tpu.memory_space<vmem>>, %arg7: memref<144x8xf32, #tpu.memory_space<vmem>>, %arg8: memref<8x128xf32, #tpu.memory_space<vmem>>, %arg9: memref<1x128xf32, #tpu.memory_space<vmem>>, %arg10: memref<1x128xf32, #tpu.memory_space<vmem>>, %arg11: memref<1x128xf32, #tpu.memory_space<vmem>>, %arg12: memref<1000x128xf32, #tpu.memory_space<vmem>>) attributes {dimension_semantics = [#tpu.dimension_semantics<arbitrary>], iteration_bounds = array<i64: 10>, scalar_prefetch = 0 : i64, scratch_operands = 0 : i64, tpu.core_type = #tpu.core_type<tc>, window_params = [{transform_indices = @transform_0, window_bounds = array<i64: 2, 1000, 144>}, {transform_indices = @transform_1, window_bounds = array<i64: 1000, 128>}, {transform_indices = @transform_2, window_bounds = array<i64: 1000, 144>}, {pipeline_mode = #tpu.pipeline_mode<synchronous>, transform_indices = @transform_3, window_bounds = array<i64: 1, 1>}, {pipeline_mode = #tpu.pipeline_mode<synchronous>, transform_indices = @transform_4, window_bounds = array<i64: 1, 8>}, {pipeline_mode = #tpu.pipeline_mode<synchronous>, transform_indices = @transform_5, window_bounds = array<i64: 144, 8>}, {pipeline_mode = #tpu.pipeline_mode<synchronous>, transform_indices = @transform_6, window_bounds = array<i64: 144, 8>}, {pipeline_mode = #tpu.pipeline_mode<synchronous>, transform_indices = @transform_7, window_bounds = array<i64: 8, 128>}, {pipeline_mode = #tpu.pipeline_mode<synchronous>, transform_indices = @transform_8, window_bounds = array<i64: 1, 128>}, {pipeline_mode = #tpu.pipeline_mode<synchronous>, transform_indices = @transform_9, window_bounds = array<i64: 1, 128>}, {pipeline_mode = #tpu.pipeline_mode<synchronous>, transform_indices = @transform_10, window_bounds = array<i64: 1, 128>}, {transform_indices = @transform_11, window_bounds = array<i64: 1000, 128>}]} {
    %get3A = arith.constant 0 : index
    %get3A_0 = arith.constant 0 : index
    %get3A_1 = arith.constant 0 : index
    %get3A_2 = vector.load %arg1[%get3A, %get3A_0, %get3A_1] : memref<2x1000x144xf32, #tpu.memory_space<vmem>>, vector<1x1000x144xf32>
    %get3A_3 = vector.shape_cast %get3A_2 : vector<1x1000x144xf32> to vector<1000x144xf32>
    %get3A_4 = arith.constant 1 : index
    %get3A_5 = arith.constant 0 : index
    %get3A_6 = arith.constant 0 : index
    %get3A_7 = vector.load %arg1[%get3A_4, %get3A_5, %get3A_6] : memref<2x1000x144xf32, #tpu.memory_space<vmem>>, vector<1x1000x144xf32>
    %get3A_8 = vector.shape_cast %get3A_7 : vector<1x1000x144xf32> to vector<1000x144xf32>
    %add3A = arith.addf %get3A_3, %get3A_8 : vector<1000x144xf32>
    %get3A_9 = arith.constant 0 : index
    %get3A_10 = arith.constant 0 : index
    %get3A_11 = vector.load %arg3[%get3A_9, %get3A_10] : memref<1000x144xf32, #tpu.memory_space<vmem>>, vector<1000x144xf32>
    %slice3A = vector.extract_strided_slice %get3A_11 {offsets = [0, 0], sizes = [1000, 128], strides = [1, 1]} : vector<1000x144xf32> to vector<1000x128xf32>
    %get3A_12 = arith.constant 0 : index
    %get3A_13 = arith.constant 0 : index
    %get3A_14 = vector.load %arg4[%get3A_12, %get3A_13] : memref<1x1xf32, #tpu.memory_space<vmem>>, vector<1x1xf32>
    %mul3A = arith.constant 3.125000e-06 : f32
    %mul3A_15 = vector.broadcast %mul3A : f32 to vector<1x1xf32>
    %mul3A_16 = arith.mulf %get3A_14, %mul3A_15 : vector<1x1xf32>
    %get3A_17 = arith.constant 0 : index
    %get3A_18 = arith.constant 0 : index
    %get3A_19 = vector.load %arg7[%get3A_17, %get3A_18] : memref<144x8xf32, #tpu.memory_space<vmem>>, vector<144x8xf32>
    %dot_general3A = arith.constant dense<0.000000e+00> : vector<1000x8xf32>
    %dot_general3A_20 = tpu.matmul %get3A_11, %get3A_19, %dot_general3A {dimension_numbers = #tpu.dot_dimension_numbers<[1], [0], [0], [1], [0, 0, 1, 1], [], []>, transpose_lhs_hint = false} : vector<1000x144xf32>, vector<144x8xf32>, vector<1000x8xf32> -> vector<1000x8xf32>
    %get3A_21 = arith.constant 0 : index
    %get3A_22 = arith.constant 0 : index
    %get3A_23 = vector.load %arg5[%get3A_21, %get3A_22] : memref<1x8xf32, #tpu.memory_space<vmem>>, vector<1x8xf32>
    %mul3A_24 = vector.broadcast %mul3A_16 : vector<1x1xf32> to vector<1x8xf32>
    %mul3A_25 = arith.mulf %mul3A_24, %get3A_23 : vector<1x8xf32>
    %add3A_26 = vector.broadcast %mul3A_25 : vector<1x8xf32> to vector<1000x8xf32>
    %add3A_27 = arith.addf %dot_general3A_20, %add3A_26 : vector<1000x8xf32>
    %mul3A_28 = arith.constant 2.000000e-01 : f32
    %mul3A_29 = vector.broadcast %mul3A_28 : f32 to vector<1000x8xf32>
    %mul3A_30 = arith.mulf %mul3A_29, %add3A_27 : vector<1000x8xf32>
    %max3A = arith.maximumf %add3A_27, %mul3A_30 : vector<1000x8xf32>
    %exp3A = math.exp %max3A : vector<1000x8xf32>
    %get3A_31 = arith.constant 0 : index
    %get3A_32 = arith.constant 0 : index
    %get3A_33 = vector.load %arg6[%get3A_31, %get3A_32] : memref<144x8xf32, #tpu.memory_space<vmem>>, vector<144x8xf32>
    %dot_general3A_34 = arith.constant dense<0.000000e+00> : vector<1000x8xf32>
    %dot_general3A_35 = tpu.matmul %add3A, %get3A_33, %dot_general3A_34 {dimension_numbers = #tpu.dot_dimension_numbers<[1], [0], [0], [1], [0, 0, 1, 1], [], []>, transpose_lhs_hint = false} : vector<1000x144xf32>, vector<144x8xf32>, vector<1000x8xf32> -> vector<1000x8xf32>
    %add3A_36 = arith.addf %dot_general3A_35, %exp3A : vector<1000x8xf32>
    %get3A_37 = arith.constant 0 : index
    %get3A_38 = arith.constant 0 : index
    %get3A_39 = vector.load %arg8[%get3A_37, %get3A_38] : memref<8x128xf32, #tpu.memory_space<vmem>>, vector<8x128xf32>
    %slice3A_40 = vector.extract_strided_slice %add3A {offsets = [0, 0], sizes = [1000, 128], strides = [1, 1]} : vector<1000x144xf32> to vector<1000x128xf32>
    %dot_general3A_41 = arith.constant dense<0.000000e+00> : vector<1000x128xf32>
    %dot_general3A_42 = tpu.matmul %exp3A, %get3A_39, %dot_general3A_41 {dimension_numbers = #tpu.dot_dimension_numbers<[1], [0], [0], [1], [0, 0, 1, 1], [], []>, transpose_lhs_hint = false} : vector<1000x8xf32>, vector<8x128xf32>, vector<1000x128xf32> -> vector<1000x128xf32>
    %mul3A_43 = arith.mulf %slice3A, %dot_general3A_42 : vector<1000x128xf32>
    %add3A_44 = arith.addf %slice3A_40, %mul3A_43 : vector<1000x128xf32>
    %dot_general3A_45 = arith.constant dense<0.000000e+00> : vector<1000x128xf32>
    %dot_general3A_46 = tpu.matmul %add3A_36, %get3A_39, %dot_general3A_45 {dimension_numbers = #tpu.dot_dimension_numbers<[1], [0], [0], [1], [0, 0, 1, 1], [], []>, transpose_lhs_hint = false} : vector<1000x8xf32>, vector<8x128xf32>, vector<1000x128xf32> -> vector<1000x128xf32>
    %add3A_47 = arith.constant 1.000000e-16 : f32
    %add3A_48 = vector.broadcast %add3A_47 : f32 to vector<1000x128xf32>
    %add3A_49 = arith.addf %dot_general3A_46, %add3A_48 : vector<1000x128xf32>
    %div3A = arith.divf %add3A_44, %add3A_49 : vector<1000x128xf32>
    %get3A_50 = arith.constant 0 : index
    %get3A_51 = arith.constant 0 : index
    %get3A_52 = vector.load %arg9[%get3A_50, %get3A_51] : memref<1x128xf32, #tpu.memory_space<vmem>>, vector<1x128xf32>
    %add3A_53 = vector.broadcast %get3A_52 : vector<1x128xf32> to vector<1000x128xf32>
    %add3A_54 = arith.addf %div3A, %add3A_53 : vector<1000x128xf32>
    %get3A_55 = arith.constant 0 : index
    %get3A_56 = arith.constant 0 : index
    %get3A_57 = vector.load %arg2[%get3A_55, %get3A_56] : memref<1000x128xf32, #tpu.memory_space<vmem>>, vector<1000x128xf32>
    %add3A_58 = arith.addf %add3A_54, %get3A_57 : vector<1000x128xf32>
    %reduce_sum3A = arith.constant dense<0.000000e+00> : vector<1000xf32>
    %reduce_sum3A_59 = vector.multi_reduction <add>, %add3A_58, %reduce_sum3A [1] : vector<1000x128xf32> to vector<1000xf32>
    %broadcast_in_dim3A = vector.shape_cast %reduce_sum3A_59 : vector<1000xf32> to vector<1000x1xf32>
    %div3A_60 = arith.constant 1.280000e+02 : f32
    %div3A_61 = vector.broadcast %div3A_60 : f32 to vector<1000x1xf32>
    %div3A_62 = arith.divf %broadcast_in_dim3A, %div3A_61 : vector<1000x1xf32>
    %sub3A = vector.broadcast %div3A_62 : vector<1000x1xf32> to vector<1000x128xf32>
    %sub3A_63 = arith.subf %add3A_58, %sub3A : vector<1000x128xf32>
    %mul3A_64 = arith.mulf %sub3A_63, %sub3A_63 : vector<1000x128xf32>
    %reduce_sum3A_65 = arith.constant dense<0.000000e+00> : vector<1000xf32>
    %reduce_sum3A_66 = vector.multi_reduction <add>, %mul3A_64, %reduce_sum3A_65 [1] : vector<1000x128xf32> to vector<1000xf32>
    %broadcast_in_dim3A_67 = vector.shape_cast %reduce_sum3A_66 : vector<1000xf32> to vector<1000x1xf32>
    %div3A_68 = arith.constant 1.280000e+02 : f32
    %div3A_69 = vector.broadcast %div3A_68 : f32 to vector<1000x1xf32>
    %div3A_70 = arith.divf %broadcast_in_dim3A_67, %div3A_69 : vector<1000x1xf32>
    %add3A_71 = arith.constant 9.99999974E-6 : f32
    %add3A_72 = vector.broadcast %add3A_71 : f32 to vector<1000x1xf32>
    %add3A_73 = arith.addf %div3A_70, %add3A_72 : vector<1000x1xf32>
    %sqrt3A = math.sqrt %add3A_73 : vector<1000x1xf32>
    %div3A_74 = vector.broadcast %sqrt3A : vector<1000x1xf32> to vector<1000x128xf32>
    %div3A_75 = arith.divf %sub3A_63, %div3A_74 : vector<1000x128xf32>
    %get3A_76 = arith.constant 0 : index
    %get3A_77 = arith.constant 0 : index
    %get3A_78 = vector.load %arg10[%get3A_76, %get3A_77] : memref<1x128xf32, #tpu.memory_space<vmem>>, vector<1x128xf32>
    %mul3A_79 = vector.broadcast %get3A_78 : vector<1x128xf32> to vector<1000x128xf32>
    %mul3A_80 = arith.mulf %div3A_75, %mul3A_79 : vector<1000x128xf32>
    %get3A_81 = arith.constant 0 : index
    %get3A_82 = arith.constant 0 : index
    %get3A_83 = vector.load %arg11[%get3A_81, %get3A_82] : memref<1x128xf32, #tpu.memory_space<vmem>>, vector<1x128xf32>
    %add3A_84 = vector.broadcast %get3A_83 : vector<1x128xf32> to vector<1000x128xf32>
    %add3A_85 = arith.addf %mul3A_80, %add3A_84 : vector<1000x128xf32>
    %max3A_86 = arith.constant 0.000000e+00 : f32
    %max3A_87 = vector.broadcast %max3A_86 : f32 to vector<1000x128xf32>
    %max3A_88 = arith.maximumf %add3A_85, %max3A_87 : vector<1000x128xf32>
    %swap3A = arith.constant 0 : index
    %swap3A_89 = arith.constant 0 : index
    %swap3A_90 = vector.load %arg12[%swap3A, %swap3A_89] : memref<1000x128xf32, #tpu.memory_space<vmem>>, vector<1000x128xf32>
    tpu.vector_store %arg12[%swap3A, %swap3A_89], %max3A_88 {strides = array<i32>} : memref<1000x128xf32, #tpu.memory_space<vmem>>, vector<1000x128xf32>,
    return
  }
  func.func @transform_0(%arg0: i32) -> (i32, i32, i32) {
    %c0_i32 = arith.constant 0 : i32
    %c0_i32_0 = arith.constant 0 : i32
    %c0_i32_1 = arith.constant 0 : i32
    return %c0_i32, %arg0, %c0_i32_0 : i32, i32, i32
  }
  func.func @transform_1(%arg0: i32) -> (i32, i32) {
    %c0_i32 = arith.constant 0 : i32
    %c0_i32_0 = arith.constant 0 : i32
    return %arg0, %c0_i32 : i32, i32
  }
  func.func @transform_2(%arg0: i32) -> (i32, i32) {
    %c0_i32 = arith.constant 0 : i32
    %c0_i32_0 = arith.constant 0 : i32
    return %arg0, %c0_i32 : i32, i32
  }
  func.func @transform_3(%arg0: i32) -> (i32, i32) {
    %c0_i32 = arith.constant 0 : i32
    %c0_i32_0 = arith.constant 0 : i32
    %c0_i32_1 = arith.constant 0 : i32
    return %c0_i32, %c0_i32_0 : i32, i32
  }
  func.func @transform_4(%arg0: i32) -> (i32, i32) {
    %c0_i32 = arith.constant 0 : i32
    %c0_i32_0 = arith.constant 0 : i32
    %c0_i32_1 = arith.constant 0 : i32
    return %c0_i32, %c0_i32_0 : i32, i32
  }
  func.func @transform_5(%arg0: i32) -> (i32, i32) {
    %c0_i32 = arith.constant 0 : i32
    %c0_i32_0 = arith.constant 0 : i32
    %c0_i32_1 = arith.constant 0 : i32
    return %c0_i32, %c0_i32_0 : i32, i32
  }
  func.func @transform_6(%arg0: i32) -> (i32, i32) {
    %c0_i32 = arith.constant 0 : i32
    %c0_i32_0 = arith.constant 0 : i32
    %c0_i32_1 = arith.constant 0 : i32
    return %c0_i32, %c0_i32_0 : i32, i32
  }
  func.func @transform_7(%arg0: i32) -> (i32, i32) {
    %c0_i32 = arith.constant 0 : i32
    %c0_i32_0 = arith.constant 0 : i32
    %c0_i32_1 = arith.constant 0 : i32
    return %c0_i32, %c0_i32_0 : i32, i32
  }
  func.func @transform_8(%arg0: i32) -> (i32, i32) {
    %c0_i32 = arith.constant 0 : i32
    %c0_i32_0 = arith.constant 0 : i32
    %c0_i32_1 = arith.constant 0 : i32
    return %c0_i32, %c0_i32_0 : i32, i32
  }
  func.func @transform_9(%arg0: i32) -> (i32, i32) {
    %c0_i32 = arith.constant 0 : i32
    %c0_i32_0 = arith.constant 0 : i32
    %c0_i32_1 = arith.constant 0 : i32
    return %c0_i32, %c0_i32_0 : i32, i32
  }
  func.func @transform_10(%arg0: i32) -> (i32, i32) {
    %c0_i32 = arith.constant 0 : i32
    %c0_i32_0 = arith.constant 0 : i32
    %c0_i32_1 = arith.constant 0 : i32
    return %c0_i32, %c0_i32_0 : i32, i32
  }
  func.func @transform_11(%arg0: i32) -> (i32, i32) {
    %c0_i32 = arith.constant 0 : i32
    %c0_i32_0 = arith.constant 0 : i32
    return %arg0, %c0_i32 : i32, i32
  }
}

</mosaic_0001>

<sc_bundles>
// kernel: kernel.5.cloned.1.call-start
scs
__scs_entry_jumppad:
0x0: {  	(pc) =	sbr.rel $0x88, $3  }
0x1: {  	(tag) =	ssettag $0x0;
	lr =	simm.s32 $0x1  }
0x2: {  	[smem:$0x3F96] =	sst lr;
	_ =	strace $0xD0000000  }
0x3: {  	_ = 	snop  }
0x4: {  	_ = 	snop  }
0x5: {  	_ = 	snop  }
0x6: {  	_ = 	snop  }
0x7: {  	_ = 	snop  }
__scs_overlays_trampoline_lowered:
0x8: {  	[smem:$0x3FA5] =	sst s0  }
0x9: {  	[smem:$0x3FA6] =	sst s1  }
0xa: {  	[smem:$0x3FA7] =	sst s2  }
0xb: {  	[smem:$0x3FA8] =	sst s3  }
0xc: {  	[smem:$0x3FA9] =	sst s4  }
0xd: {  	[smem:$0x3FAA] =	sst s5  }
0xe: {  	[smem:$0x3FAB] =	sst s6  }
0xf: {  	[smem:$0x3FAC] =	sst s7  }
0x10: {  	[smem:$0x3FAD] =	sst s8  }
0x11: {  	[smem:$0x3FAE] =	sst s9;
	s0 =	simm.s32 @!p0 $0x0  }
0x12: {  	s1 =	sld [smem:$0x3F94];
	s0 =	simm.s32 @p0 $0x1  }
0x13: {  	[smem:$0x3FAF] =	sst s0;
	s0 =	simm.s32 @!p1 $0x0  }
0x14: {  	s2 =	sld [smem:$0x3F93];
	s0 =	simm.s32 @p1 $0x1  }
0x15: {  	[smem:$0x3FB0] =	sst s0;
	s0 =	simm.s32 @!p2 $0x0  }
0x16: {  	s3 =	sld [smem:$0x3FDB];
	s0 =	simm.s32 @p2 $0x1  }
0x17: {  	s4 =	simm.s32 $0x1BF5;
	[smem:$0x3FB2] =	sst s0  }
0x18: {  	s0 =	sld [smem:$0x3F95];
	_ =	swait.ge [sflag:s4], $0x0  }
0x19: {  	s7 =	sld [smem:$0x3F96]  }
0x1a: {  	s8 =	sadd.s32 $0xFFFFE003, lr  }
0x1b: {  	s9 =	sadd.s32 $0xFFFFFEF7, lr;
	s5 =	simm.s32 $0xFFFFFFFF;
	p2 =	slt.u32 s8, $0xFFFFF086  }
0x1c: {  	p1 =	slt.u32 s9, $0xF7A;
	s5 =	simm.s32 @!p2 $0x0  }
0x1d: {  	s5 =	simm.s32 @p1 $0x1;
	p0 =	seq.s32 s7, s2  }
0x1e: {  	s7 =	smul.u32 @!p0 $0xF7A, s2;
	p2 =	seq.s32 @!p0 s5, $0x0  }
0x1f: {  	s9 =	smul.u32 $0xF7A, s1;
	s8 =	simm.s32 @!p0 $0x1BF5;
	p2 =	por !p2, p0  }
0x20: {  	[sflag:s8] =	ssyncset.s32 @!p0 $0xFFFFF086;
	s6 =	sadd.s32 @!p0 s3, s7;
	s7 =	simm.s32 @!p0 $0x108  }
0x21: {  	s3 =	sadd.s32 s3, s9;
	s6 =	sadd.s32 @!p0 $0x88, s6;
	s7 =	simm.s32 @p2 $0x1082  }
0x22: {  	[simem:s7], [sflag:s8] =	dma.local @!p0 [hbm:s6], $0xF7A  }
0x23: {  	s9 =	sor.u32 $0xD0000000, s2;
	s6 =	simm.s32 $0x108;
	_ =	swait.ge @!p0 [sflag:s8], $0x0  }
0x24: {  	s3 =	sadd.s32 $0x88, s3;
	s6 =	simm.s32 @!p1 $0x1082;
	[sflag:s4] =	ssyncset.s32 $0xFFFFF086  }
0x25: {  	[simem:s6], [sflag:s4] =	dma.local [hbm:s3], $0xF7A  }
0x26: {  	[smem:$0x3F96] =	sst s1;
	(tag) =	ssettag s2;
	_ =	strace s9  }
0x27: {  	s1 =	sld [smem:$0x3FA6]  }
0x28: {  	s2 =	sld [smem:$0x3FA7]  }
0x29: {  	s4 =	sld [smem:$0x3FA9]  }
0x2a: {  	p0 =	seq.s32 s5, $0x0;
	s5 =	sld [smem:$0x3FAA]  }
0x2b: {  	s6 =	sld [smem:$0x3FAB]  }
0x2c: {  	s7 =	sld [smem:$0x3FAC]  }
0x2d: {  	s3 =	simm.s32 $0x108;
	s8 =	sld [smem:$0x3FAD]  }
0x2e: {  	s3 =	simm.s32 @!p0 $0x1082;
	s9 =	sld [smem:$0x3FAE]  }
0x2f: {  	lr =	sadd.s32 s0, s3;
	s0 =	sld [smem:$0x3FA5]  }
0x30: {  	s3 =	sld [smem:$0x3FA8]  }
0x31: {  	[smem:$0x3FB1] =	sst s10  }
0x32: {  	s10 =	sld [smem:$0x3FAF];
	_ =	sdelay $0x3  }
0x33: {  	p0 =	seq.s32 s10, $0x1;
	s10 =	sld [smem:$0x3FB1];
	_ =	sdelay $0x3  }
0x34: {  	[smem:$0x3FB1] =	sst s10  }
0x35: {  	s10 =	sld [smem:$0x3FB0];
	_ =	sdelay $0x3  }
0x36: {  	p1 =	seq.s32 s10, $0x1;
	s10 =	sld [smem:$0x3FB1];
	_ =	sdelay $0x3  }
0x37: {  	[smem:$0x3FB1] =	sst s10  }
0x38: {  	s10 =	sld [smem:$0x3FB2]  }
0x39: {  	_ = 	snop;
	(pc) =	sbr.ind lr, $3  }
0x3a: {  	_ = 	snop  }
0x3b: {  	_ = 	snop  }
0x3c: {  	p2 =	seq.s32 s10, $0x1;
	s10 =	sld [smem:$0x3FB1]  }
0x3d: {  	_ =	shalt  }
0x3e: {  	_ =	shalt  }
0x3f: {  	_ =	shalt  }
0x40: {  	_ =	shalt  }
0x41: {  	_ =	shalt  }
0x42: {  	_ =	shalt  }
0x43: {  	_ =	shalt  }
0x44: {  	_ =	shalt  }
0x45: {  	_ =	shalt  }
0x46: {  	_ =	shalt  }
0x47: {  	_ =	shalt  }
0x48: {  	_ =	shalt  }
0x49: {  	_ =	shalt  }
0x4a: {  	_ =	shalt  }
0x4b: {  	_ =	shalt  }
0x4c: {  	_ =	shalt  }
0x4d: {  	_ =	shalt  }
0x4e: {  	_ =	shalt  }
0x4f: {  	_ =	shalt  }
0x50: {  	_ =	shalt  }
0x51: {  	_ =	shalt  }
0x52: {  	_ =	shalt  }
0x53: {  	_ =	shalt  }
0x54: {  	_ =	shalt  }
0x55: {  	_ =	shalt  }
0x56: {  	_ =	shalt  }
0x57: {  	_ =	shalt  }
0x58: {  	_ =	shalt  }
0x59: {  	_ =	shalt  }
0x5a: {  	_ =	shalt  }
0x5b: {  	_ =	shalt  }
0x5c: {  	_ =	shalt  }
0x5d: {  	_ =	shalt  }
0x5e: {  	_ =	shalt  }
0x5f: {  	_ =	shalt  }
0x60: {  	_ =	shalt  }
0x61: {  	_ =	shalt  }
0x62: {  	_ =	shalt  }
0x63: {  	_ =	shalt  }
0x64: {  	_ =	shalt  }
0x65: {  	_ =	shalt  }
0x66: {  	_ =	shalt  }
0x67: {  	_ =	shalt  }
0x68: {  	_ =	shalt  }
0x69: {  	_ =	shalt  }
0x6a: {  	_ =	shalt  }
0x6b: {  	_ =	shalt  }
0x6c: {  	_ =	shalt  }
0x6d: {  	_ =	shalt  }
0x6e: {  	_ =	shalt  }
0x6f: {  	_ =	shalt  }
0x70: {  	_ =	shalt  }
0x71: {  	_ =	shalt  }
0x72: {  	_ =	shalt  }
0x73: {  	_ =	shalt  }
0x74: {  	_ =	shalt  }
0x75: {  	_ =	shalt  }
0x76: {  	_ =	shalt  }
0x77: {  	_ =	shalt  }
0x78: {  	_ =	shalt  }
0x79: {  	_ =	shalt  }
0x7a: {  	_ =	shalt  }
0x7b: {  	_ =	shalt  }
0x7c: {  	_ =	shalt  }
0x7d: {  	_ =	shalt  }
0x7e: {  	_ =	shalt  }
0x7f: {  	_ =	shalt  }
0x80: {  	_ =	shalt  }
0x81: {  	_ =	shalt  }
0x82: {  	_ =	shalt  }
0x83: {  	_ =	shalt  }
0x84: {  	_ =	shalt  }
0x85: {  	_ =	shalt  }
0x86: {  	_ =	shalt  }
0x87: {  	_ =	shalt  }
.Lfunc_end0:
.L_simem_size_0:
called_computation_lowered:
.L_overlay_start_0:
0x88: {  	s2 =	sld [smem:$0x3FD9]  }
0x89: {  	s3 =	sld [smem:$0x3FFE];
	_ =	sdelay $0x1  }
0x8a: {  	s1 =	srdreg.scid  }
0x8b: {  	s0 =	sand.u32 $0x1, s1  }
0x8c: {  	s17 =	sshll.u32 s0, $0xA;
	s2 =	sadd.s32 s3, s2  }
0x8d: {  	s2 =	sadd.s32 s2, s17  }
0x8e: {  	[smem:$0x3FBD] =	sst s2  }
0x8f: {  	_ = 	snop  }
0x90: {  	s2 =	sld [smem:$0x3FD0];
	(tm) =	ssettm $0x1  }
0x91: {  	s18 =	sld [smem:$0x3FFB];
	_ =	sdelay $0x3  }
0x92: {  	_ =	strace s18  }
0x93: {  	s3 =	sld [smem:$0x3FFC];
	_ =	sdelay $0x3  }
0x94: {  	_ =	strace s3  }
0x95: {  	s3 =	sld [smem:$0x3FFD];
	_ =	sdelay $0x3  }
0x96: {  	_ =	strace s3  }
0x97: {  	_ =	strace $0x8FFFFFFF  }
0x98: {  	s19 =	sld [smem:$0x3FDB];
	_ =	sdelay $0x1  }
0x99: {  	s4 =	simm.s32 $_scs_section_size  }
0x9a: {  	s5 =	simm.s32 $_size__tile_overlayer_lowered;
	s6 =	simm.s32 $_tile_overlayer_lowered  }
0x9b: {  	s22 =	simm.s32 $0x1BFF;
	s21 =	sshll.u32 s6, $0x1;
	s3 =	sadd.s32 s4, s19  }
0x9c: {  	s7 =	simm.s32 $0x0;
	s20 =	sshll.u32 s5, $0x1;
	s5 =	sadd.s32 s21, s3  }
0x9d: {  	[timem:s7], [sflag:s22] =	dma.local [hbm:s5], s20  }
0x9e: {  	_ =	swait.ge [sflag:s22], s20  }
0x9f: {  	s4 =	ssub.s32 $0x0, s20;
	[sflag:s22] =	ssyncset.done $0x0  }
0xa0: {  	[sflag:s22] =	ssyncadd.s32 s4;
	_ =	sdelay $0x1  }
0xa1: {  	s23 =	simm.s32 $0x1B8B  }
0xa2: {  	_ =	swait.ge [sflag:s23], $0x1  }
0xa3: {  	[sflag:s23] =	ssyncset.done $0x0  }
0xa4: {  	s25 =	simm.s32 $0x1B8E;
	s24 =	sld [smem:$0x3FFE];
	[sflag:s23] =	ssyncadd.s32 $0xFFFFFFFF  }
0xa5: {  	s26 =	simm.s32 $execute0_lowered;
	[smem:$0x3FD2] =	sst s25  }
0xa6: {  	s5 =	sshll.u32 s26, $0x1;
	_ =	strace $0x80000046;
	[dreg:$0x1] =	wrdreg $0xFFFFFFFF  }
0xa7: {  	s28 =	simm.s32 $_size_execute0_lowered;
	s3 =	sadd.s32 s3, s5;
	[dreg:$0x0] =	wrdreg $0x0  }
0xa8: {  	s5 =	sshll.u32 s28, $0x1;
	[dreg:$0x2] =	wrdreg s3  }
0xa9: {  	[dreg:$0x3] =	wrdreg s5  }
0xaa: {  	[dreg:$0x4] =	wrdreg $0xC0  }
0xab: {  	_ =	task [dreg:s7], $0x5FFFF  }
0xac: {  	[dreg:$0x1] =	wrdreg $0xFFFFFFFF  }
0xad: {  	[dreg:$0x0] =	wrdreg $0x60  }
0xae: {  	[dreg:$0x2] =	wrdreg s24  }
0xaf: {  	[dreg:$0x3] =	wrdreg s2  }
0xb0: {  	[dreg:$0x4] =	wrdreg $0x98E00  }
0xb1: {  	[dreg:$0x5] =	wrdreg $0x9  }
0xb2: {  	_ =	task.clear_ibuf [dreg:s7], $0x6FFFF;
	_ =	strace $0x90000046  }
0xb3: {  	s29 =	simm.s32 $0x9;
	_ =	strace $0x80000048  }
0xb4: {  	_ =	swait.ge [sflag:s29], $0x1  }
0xb5: {  	[sflag:s29] =	ssyncadd.s32 $0xFFFFFFFF  }
0xb6: {  	_ =	strace $0x90000048  }
0xb7: {  	_ =	sfence  }
0xb8: {  	s30 =	sld [smem:$0x0];
	_ =	sdelay $0x2  }
0xb9: {  	s31 =	sshll.u32 s1, $0xD;
	s1 =	sshrl.u32 s1, $0x2  }
0xba: {  	s3 =	sand.u32 $0x4000, s31;
	s1 =	sadd.s32 s1, s30  }
0xbb: {  	s0 =	sor.u32 s3, s0;
	s1 =	sshll.u32 s1, $0x11  }
0xbc: {  	s0 =	sor.u32 s1, s0  }
0xbd: {  	s0 =	sadd.s32 $0x8F2B, s0  }
0xbe: {  	[sflag:s0] =	ssyncadd.remote.s32 $0x1  }
0xbf: {  	_ =	sfence.sel $0xFFFF  }
0xc0: {  	[dreg:$0x0] =	wrdreg $0xFFFFFFFF;
	(pc) =	sbr.abs _section_cstart, $3  }
0xc1: {  	[dreg:$0x1] =	wrdreg $0xFFFFFFFF  }
0xc2: {  	_ =	task.clear_ibuf [dreg:s7], $0x2FFFF;
	_ =	strace $0x9FFFFFFF  }
0xc3: {  	(tm) =	ssettm $0x7FFFFFFF  }
tec
execute0_lowered:
.L_overlay_start_1:
0x0: {  	(tag) =	ssettag $0x1  }
0x1: {  	s13 =	rddreg [dreg:$0x0]  }
0x2: {  	s2 =	rddreg [dreg:$0x1]  }
0x3: {  	s3 =	rddreg [dreg:$0x2];
	s5 =	simm.s32 $0x0  }
0x4: {  	s0 =	srdreg.scid;
	s14 =	stileid.u32;
	s28 =	simm.s32 $0x1E0  }
0x5: {  	s30 =	simm.s32 $0x50;
	s31 =	simm.s32 $0x2D0;
	[smem:$0x7FF] =	sst s5  }
0x6: {  	s6 =	sadd.s32 $0xA000, s13;
	s0 =	sand.u32 $0x1, s0;
	s4 =	smul.u32 $0x16380, s14  }
0x7: {  	s7 =	sadd.s32 $0x36000, s13;
	s8 =	sadd.s32 $0x3B200, s13;
	s1 =	sadd.s32 $0x3B000, s13  }
0x8: {  	s15 =	sadd.s32 $0x45000, s13;
	_ =	strace $0x80000047;
	[dreg:$0x4] =	wrdreg s1  }
0x9: {  	s17 =	sshll.u32 s14, $0x6;
	s9 =	smul.u32 $0x163800, s0;
	[dreg:$0x5] =	wrdreg s15  }
0xa: {  	s10 =	sshll.u32 s0, $0x4;
	s0 =	ssub.s32 $0x2, s0;
	s1 =	smov.u32 s3  }
0xb: {  	s15 =	simm.s32 $0x190;
	s10 =	sor.u32 s14, s10;
	s11 =	sshrl.u32 s0, $0x1  }
0xc: {  	s3 =	sadd.s32 s4, s3;
	s14 =	sor.u32 $0x1C07, s17;
	s12 =	smul.u32 $0x4EC, s10  }
0xd: {  	s17 =	simm.s32 $0x5;
	s9 =	sadd.s32 s4, s9;
	s16 =	smul.u32 $0x2760, s10  }
0xe: {  	s0 =	ssub.s32 s0, s11;
	s10 =	smul.u32 $0x7E, s10;
	[dreg:$0x6] =	wrdreg s3  }
0xf: {  	s3 =	smov.u32 s13;
	s11 =	simm.s32 $0x2FD0;
	s9 =	sshrl.u32 s9, $0x3  }
0x10: {  	[dreg:$0x7] =	wrdreg s14;
	s0 =	smax.u32 s0, $0x1;
	s9 =	sadd.s32 s9, s13  }
0x11: {  	s18 =	sadd.s32 s2, s12;
	s19 =	sshrl.u32 s16, $0x3;
	[dreg:$0x12] =	wrdreg s0  }
0x12: {  	s20 =	sadd.s32 s8, s12;
	s21 =	sadd.s32 s13, s12;
	[dreg:$0x8] =	wrdreg s18  }
0x13: {  	s24 =	sadd.s32 $0x2, s10;
	s25 =	sadd.s32 $0x3, s10;
	[dreg:$0x9] =	wrdreg s20  }
0x14: {  	s26 =	sadd.s32 $0x4, s10;
	s0 =	simm.s32 $0x89D0;
	[dreg:$0xa] =	wrdreg s21  }
0x15: {  	s10 =	simm.s32 $0x2;
	s16 =	simm.s32 $0x280;
	[dreg:$0xe] =	wrdreg s24  }
0x16: {  	v1 =	vlaneseq.u32;
	v3 =	vimm.s32 $0x4;
	s12 =	simm.s32 $0x0;
	s4 =	sadd.s32 $0xA, s19;
	[dreg:$0xf] =	wrdreg s25  }
0x17: {  	v4 =	vimm.s32 $0x0;
	v5 =	vimm.s32 $0x8;
	v6 =	vimm.s32 $0x1;
	[dreg:$0x10] =	wrdreg s26;
	s29 =	sadd.s32 $0x47E00, s9;
	s24 =	simm.s32 $0x7  }
.Ltmp0:
0x18: {  	v7 =	vimm.s32 $0x9;
	v8 =	vimm.s32 $0x2;
	v9 =	vimm.s32 $0xA;
	s25 =	simm.s32 $0x230;
	s9 =	simm.s32 $0x4;
	(pc) =	sbr.rel .LBB2_1-.Ltmp0, $4  }
0x19: {  	v10 =	vimm.s32 $0x3;
	v11 =	vimm.s32 $0xB;
	v0 =	vand.u32 $0x7, v1;
	s18 =	simm.s32 $0x3;
	s2 =	sadd.s32 s2, s4;
	[dreg:$0x11] =	wrdreg s29  }
0x1a: {  	v56 =	vimm.s32 $0xC;
	v58 =	vimm.s32 $0x5;
	v63 =	vshrl.u32 v1, $0x3;
	[tilespmem:$0x1FFD0] =	vst v0;
	s22 =	sadd.s32 s8, s4;
	s23 =	sadd.s32 s13, s4;
	[dreg:$0xb] =	wrdreg s2  }
0x1b: {  	v59 =	vimm.s32 $0xD;
	v60 =	vimm.s32 $0x6;
	v13 =	vor.u32 $0x80, v0;
	[tilespmem:$0x1FFE0] =	vst v63;
	s4 =	simm.s32 $0x140;
	s13 =	simm.s32 $0x8ED0;
	[dreg:$0xc] =	wrdreg s22  }
0x1c: {  	v61 =	vimm.s32 $0xE;
	v57 =	vimm.s32 $0x7;
	v12 =	vimm.s32 $0xF;
	[tilespmem:$0x1FFF0] =	vst v13;
	[dreg:$0xd] =	wrdreg s23;
	s22 =	simm.s32 $0x5CD0;
	s23 =	simm.s32 $0x93D0  }
.LBB2_10:
0x1d: {  	[bflag:$0x0] =	sbarrier.arrive $0xFFFF  }
0x1e: {  	s14 =	rddreg [dreg:$0x7]  }
0x1f: {  	s2 =	rddreg [dreg:$0x11]  }
0x20: {  	s12 =	rddreg [dreg:$0x14]  }
0x21: {  	[hbm:s2], [sflag:s14] =	dma.local [spmem:s12], $0x2C70  }
0x22: {  	_ =	swait.ge [sflag:s24], $0x2C70  }
0x23: {  	s26 =	rddreg [dreg:$0x13]  }
0x24: {  	s29 =	rddreg [dreg:$0x12];
	s12 =	sadd.s32 $0x1, s26  }
0x25: {  	p0 =	sne.s32 s12, s29  }
.Ltmp1:
0x26: {  	_ = 	snop;
	(pc) =	sbr.rel @!p0 .LBB2_11-.Ltmp1, $3  }
0x27: {  	_ =	sdelay $0x1  }
0x28: {  	[sflag:s24] =	ssyncset.done $0x0  }
0x29: {  	v13 =	vld [tilespmem:$0x1FFF0];
	[sflag:s24] =	ssyncadd.s32 $0xFFFFD390  }
.LBB2_1:
0x2a: {  	[dreg:$0x13] =	wrdreg s12  }
0x2b: {  	s2 =	rddreg [dreg:$0x6]  }
0x2c: {  	s26 =	rddreg [dreg:$0x5];
	s21 =	sshrl.u32 s2, $0x3  }
0x2d: {  	[dreg:$0x14] =	wrdreg s21  }
0x2e: {  	[spmem:s21], [sflag:s14] =	dma.local [hbm:s26], $0x2C70  }
0x2f: {  	_ =	swait.ge [sflag:s24], $0x2C70  }
0x30: {  	[sflag:s24] =	ssyncset.done $0x0  }
0x31: {  	s19 =	simm.s32 $0x98D0;
	s14 =	rddreg [dreg:$0x4];
	[sflag:s24] =	ssyncadd.s32 $0xFFFFD390  }
0x32: {  	[tilespmem:s19], [sflag:$0x7] =	stream.linear.gather [hbm4b:s14+s5], $0x10, $0x38;
	[tilespmem:$0x1FC60] =	vst v63  }
0x33: {  	_ =	swait.ge [sflag:s24], $0x10  }
0x34: {  	[sflag:s24] =	ssyncset.done $0x0  }
0x35: {  	[sflag:s24] =	ssyncadd.s32 $0xFFFFFFF0  }
0x36: {  	[bflag:$0x0] =	sbarrier.arrive $0xFFFF  }
0x37: {  	v1 =	vld [tilespmem:$0x98D0]  }
0x38: {  	s20 =	rddreg [dreg:$0x8]  }
0x39: {  	[tilespmem:s5], [sflag:$0x1] =	stream.linear.gather [hbm4b:s20+s5], $0x50, $0x38;
	[tilespmem:$0x1FC60] =	vst v63  }
0x3a: {  	s26 =	simm.s32 $0xF0;
	s21 =	rddreg [dreg:$0x9]  }
0x3b: {  	[tilespmem:s26], [sflag:$0x1] =	stream.linear.gather [hbm4b:s21+s5], $0x50, $0x38;
	[tilespmem:$0x1FC60] =	vst v63  }
0x3c: {  	s19 =	simm.s32 $0x1;
	s14 =	rddreg [dreg:$0xa];
	[tilespmem:$0x1FFC0] =	vst v1  }
0x3d: {  	[tilespmem:s28], [sflag:$0x1] =	stream.linear.gather [hbm4b:s14+s5], $0x50, $0x38;
	[tilespmem:$0x1FC60] =	vst v63  }
0x3e: {  	_ =	swait.ge [sflag:s19], $0x50  }
0x3f: {  	[sflag:s19] =	ssyncset.done $0x0  }
0x40: {  	[sflag:s19] =	ssyncadd.s32 $0xFFFFFFB0  }
0x41: {  	_ =	swait.ge [sflag:s19], $0x50  }
0x42: {  	[sflag:s19] =	ssyncset.done $0x0  }
0x43: {  	[sflag:s19] =	ssyncadd.s32 $0xFFFFFFB0  }
0x44: {  	_ =	swait.ge [sflag:s19], $0x50  }
0x45: {  	[sflag:s19] =	ssyncset.done $0x0  }
0x46: {  	[sflag:s19] =	ssyncadd.s32 $0xFFFFFFB0  }
0x47: {  	[tilespmem:s31], [sflag:$0x4] =	stream.indirect.gather [hbm4b:s6+s30], $0x90, s5, s30, $0xb8;
	[tilespmem:$0x1FC60] =	vst v63  }
0x48: {  	_ = 	snop  }
0x49: {  	[tilespmem:s0], [sflag:$0x4] =	stream.indirect.gather [hbm4b:s7+s30], $0x10, s26, s30, $0xb8;
	[tilespmem:$0x1FC60] =	vst v63  }
0x4a: {  	s20 =	rddreg [dreg:$0xb]  }
0x4b: {  	[tilespmem:s30], [sflag:$0x2] =	stream.linear.gather [hbm4b:s20+s5], $0x50, $0x38;
	[tilespmem:$0x1FC60] =	vst v63  }
0x4c: {  	s21 =	rddreg [dreg:$0xc]  }
0x4d: {  	[tilespmem:s4], [sflag:$0x2] =	stream.linear.gather [hbm4b:s21+s5], $0x50, $0x38;
	[tilespmem:$0x1FC60] =	vst v63  }
0x4e: {  	s29 =	simm.s32 $0x0;
	s26 =	rddreg [dreg:$0xd]  }
0x4f: {  	[tilespmem:s25], [sflag:$0x2] =	stream.linear.gather [hbm4b:s26+s5], $0x50, $0x38;
	[tilespmem:$0x1FC60] =	vst v63  }
.LBB2_2:
0x50: {  	_ =	swait.ge [sflag:s9], $0x2D00  }
0x51: {  	[sflag:s9] =	ssyncset.done $0x0  }
0x52: {  	[sflag:s9] =	ssyncadd.s32 $0xFFFFD300  }
0x53: {  	_ =	swait.ge [sflag:s9], $0x500  }
0x54: {  	[sflag:s9] =	ssyncset.done $0x0  }
0x55: {  	[sflag:s9] =	ssyncadd.s32 $0xFFFFFB00  }
0x56: {  	_ =	swait.ge [sflag:s10], $0x50  }
0x57: {  	[sflag:s10] =	ssyncset.done $0x0  }
0x58: {  	[sflag:s10] =	ssyncadd.s32 $0xFFFFFFB0  }
0x59: {  	_ =	swait.ge [sflag:s10], $0x50  }
0x5a: {  	[sflag:s10] =	ssyncset.done $0x0  }
0x5b: {  	s12 =	simm.s32 $0x2;
	[sflag:s10] =	ssyncadd.s32 $0xFFFFFFB0  }
0x5c: {  	v20 =	vor.u32 s12, v63;
	_ =	swait.ge [sflag:s10], $0x50  }
0x5d: {  	v21 =	vmul.u32 $0x90, v20;
	v22 =	vshll.u32 v20, $0x4;
	[sflag:s10] =	ssyncset.done $0x0  }
0x5e: {  	v22 =	vor.u32 v0, v22;
	[sflag:s10] =	ssyncadd.s32 $0xFFFFFFB0  }
0x5f: {  	v21 =	vadd.s32 v13, v21;
	[tilespmem:s11], [sflag:$0x5] =	stream.indirect.gather [hbm4b:s6+s30], $0x90, s30, s30, $0xb8;
	[tilespmem:$0x1FC60] =	vst v63  }
0x60: {  	_ = 	snop  }
0x61: {  	v14 =	vld [tilespmem:$0x1FFC0];
	[tilespmem:s13], [sflag:$0x5] =	stream.indirect.gather [hbm4b:s7+s30], $0x10, s4, s30, $0xb8  }
0x62: {  	v20 =	vld.idx.msk [tilespmem:v20+s28+$0x0], $0xffff  }
0x63: {  	v22 =	vld.idx.msk [tilespmem:v22+s0+$0x0], $0xffff  }
0x64: {  	v23 =	vld.idx.msk [tilespmem:v21+s31+$0x0], $0xffff;
	_ =	sdelay $0x4  }
0x65: {  	v22 =	vadd.f32 v22, v23;
	v20 =	vmul.f32 v20, v14;
	_ =	sdelay $0x1  }
0x66: {  	v20 =	vadd.f32 v20, v22;
	_ =	sdelay $0x1  }
0x67: {  	v22 =	vmul.f32 $2.000000030e-01, v20;
	_ =	sdelay $0x1  }
0x68: {  	v20 =	vmax.f32 v20, v22  }
0x69: {  	s14 =	simm.s32 $0x0;
	v20 =	vmul.f32 $1.442695020e+00, v20  }
0x6a: {  	v23 =	vor.u32 s14, v63  }
0x6b: {  	v24 =	vmul.u32 $0x90, v23;
	(erf) = vpow2.f32 v20;
	_ =	sdelay $0x1  }
0x6c: {  	v24 =	vadd.s32 v13, v24;
	v22 =	vshll.u32 v23, $0x4  }
0x6d: {  	v22 =	vor.u32 v0, v22;
	_ =	sdelay $0x2  }
0x6e: {  	v20 =	vld.idx.msk [tilespmem:v23+s28+$0x0], $0xffff  }
0x6f: {  	v23 =	vld.idx.msk [tilespmem:v24+s31+$0x0], $0xffff  }
0x70: {  	v22 =	vld.idx.msk [tilespmem:v22+s0+$0x0], $0xffff  }
0x71: {  	v25 =	vpop (erf)  }
0x72: {  	s12 =	simm.s32 $0x3F0;
	[tilespmem:v21+s31+$0x0] =	vst.idx.msk $0xffff, v25  }
0x73: {  	v1 =	vld [tilespmem:s12+$0x10];
	_ =	sdelay $0x1  }
0x74: {  	v20 =	vmul.f32 v20, v14;
	v22 =	vadd.f32 v22, v23  }
0x75: {  	v21 =	vld [tilespmem:s12+$0x100]  }
0x76: {  	v20 =	vadd.f32 v20, v22;
	v22 =	vld [tilespmem:s12+$0x0]  }
0x77: {  	v23 =	vld [tilespmem:s12+$0x90];
	[tilespmem:$0x1FEE0] =	vst v1  }
0x78: {  	v1 =	vld [tilespmem:s12+$0x20];
	_ =	sdelay $0x4  }
0x79: {  	v27 =	vld [tilespmem:s12+$0xA0];
	[tilespmem:$0x1FEF0] =	vst v1  }
0x7a: {  	v1 =	vld [tilespmem:s12+$0xB0];
	_ =	sdelay $0x4  }
0x7b: {  	[tilespmem:$0x1FF00] =	vst v1  }
0x7c: {  	v1 =	vld [tilespmem:s12+$0x30];
	_ =	sdelay $0x4  }
0x7d: {  	[tilespmem:$0x1FF10] =	vst v1  }
0x7e: {  	v28 =	vperm.xlane v25, v12;
	v1 =	vld [tilespmem:s12+$0xC0];
	_ =	sdelay $0x1  }
0x7f: {  	v21 =	vmul.f32 v21, v28;
	_ =	sdelay $0x1  }
0x80: {  	v26 =	vmul.f32 $2.000000030e-01, v20;
	[tilespmem:s12+$0x100] =	vst v21  }
0x81: {  	s14 =	simm.s32 $0x4;
	[tilespmem:$0x1FF20] =	vst v1  }
0x82: {  	v20 =	vmax.f32 v20, v26;
	v26 =	vor.u32 s14, v63;
	v1 =	vld [tilespmem:s12+$0x40];
	_ =	sdelay $0x1  }
0x83: {  	s19 =	simm.s32 $0x6  }
0x84: {  	v31 =	vor.u32 s19, v63;
	v20 =	vmul.f32 $1.442695020e+00, v20  }
0x85: {  	v32 =	vmul.u32 $0x90, v31;
	v33 =	vshll.u32 v31, $0x4  }
0x86: {  	(erf) = vpow2.f32 v20;
	v20 =	vor.u32 v0, v33;
	v33 =	vld.idx.msk [tilespmem:v26+s28+$0x0], $0xffff;
	[tilespmem:$0x1FF30] =	vst v1  }
0x87: {  	v32 =	vadd.s32 v13, v32;
	v2 =	vld [tilespmem:s12+$0xD0];
	_ =	sdelay $0x2  }
0x88: {  	v31 =	vld.idx.msk [tilespmem:v31+s28+$0x0], $0xffff  }
0x89: {  	v39 =	vld.idx.msk [tilespmem:v20+s0+$0x0], $0xffff  }
0x8a: {  	v35 =	vld.idx.msk [tilespmem:v32+s31+$0x0], $0xffff;
	[tilespmem:$0x1FF40] =	vst v2  }
0x8b: {  	v2 =	vld [tilespmem:s12+$0x50];
	_ =	sdelay $0x4  }
0x8c: {  	[tilespmem:$0x1FF50] =	vst v2  }
0x8d: {  	v2 =	vld [tilespmem:s12+$0xE0];
	_ =	sdelay $0x4  }
0x8e: {  	v36 =	vmul.u32 $0x90, v26;
	[tilespmem:$0x1FF60] =	vst v2  }
0x8f: {  	v2 =	vld [tilespmem:s12+$0x60]  }
0x90: {  	v1 =	vadd.s32 v13, v36  }
0x91: {  	v26 =	vshll.u32 v26, $0x4  }
0x92: {  	v48 =	vpop (erf);
	v26 =	vor.u32 v0, v26  }
0x93: {  	v37 =	vperm.xlane v25, v4;
	[tilespmem:v24+s31+$0x0] =	vst.idx.msk $0xffff, v48  }
0x94: {  	v38 =	vperm.xlane v25, v5;
	[tilespmem:$0x1FF70] =	vst v2  }
0x95: {  	v22 =	vmul.f32 v22, v37;
	v53 =	vld.idx.msk [tilespmem:v1+s31+$0x0], $0xffff  }
0x96: {  	v23 =	vmul.f32 v23, v38;
	v36 =	vadd.f32 v39, v35;
	v31 =	vmul.f32 v31, v14;
	v38 =	vld [tilespmem:s12+$0xF0]  }
0x97: {  	v26 =	vld.idx.msk [tilespmem:v26+s0+$0x0], $0xffff  }
0x98: {  	v31 =	vadd.f32 v31, v36;
	[tilespmem:s12+$0x0] =	vst v22;
	v36 =	vld [tilespmem:s12+$0x70]  }
0x99: {  	v47 =	vperm.xlane v25, v57;
	[tilespmem:s12+$0x90] =	vst v23;
	v57 =	vld [tilespmem:s12+$0xFFFFFEE0]  }
0x9a: {  	v49 =	vperm.xlane v25, v3;
	v52 =	vperm.xlane v25, v59;
	v3 =	vld [tilespmem:$0x1FEE0]  }
0x9b: {  	v51 =	vperm.xlane v25, v60;
	v59 =	vmul.f32 $2.000000030e-01, v31;
	v60 =	vld [tilespmem:s12+$0xFFFFFF70]  }
0x9c: {  	v46 =	vperm.xlane v25, v11;
	v11 =	vmov v63;
	v63 =	vld [tilespmem:s12+$0xFFFFFEF0]  }
0x9d: {  	v40 =	vperm.xlane v25, v6;
	v31 =	vmax.f32 v31, v59;
	v30 =	vld [tilespmem:s12+$0xFFFFFF80]  }
0x9e: {  	v17 =	vimm.s32 $0xD;
	v31 =	vmul.f32 $1.442695020e+00, v31;
	v29 =	vld [tilespmem:s12+$0xFFFFFF00]  }
0x9f: {  	v28 =	vld [tilespmem:s12+$0xFFFFFF90];
	v40 =	vmul.f32 v3, v40;
	v3 =	vperm.xlane v48, v17  }
0xa0: {  	(erf) = vpow2.f32 v31;
	v31 =	vld [tilespmem:s12+$0xFFFFFF10]  }
0xa1: {  	[tilespmem:$0x1FF80] =	vst v3;
	v3 =	vld [tilespmem:$0x1FEF0];
	_ =	sdelay $0x2  }
0xa2: {  	v42 =	vperm.xlane v25, v8;
	_ =	sdelay $0x1  }
0xa3: {  	v26 =	vadd.f32 v26, v53;
	v53 =	vmul.f32 v3, v42;
	v3 =	vld [tilespmem:$0x1FF00];
	_ =	sdelay $0x2  }
0xa4: {  	v41 =	vperm.xlane v25, v7;
	v43 =	vperm.xlane v25, v9  }
0xa5: {  	v16 =	vimm.s32 $0x6;
	v45 =	vperm.xlane v25, v10;
	v50 =	vperm.xlane v25, v58  }
0xa6: {  	v43 =	vmul.f32 v3, v43;
	v3 =	vperm.xlane v48, v16  }
0xa7: {  	v15 =	vimm.s32 $0xE;
	v37 =	vperm.xlane v25, v56;
	v39 =	vperm.xlane v25, v61;
	v25 =	vld [tilespmem:s12+$0xFFFFFFA0]  }
0xa8: {  	v20 =	vperm.xlane v48, v15;
	v24 =	vld [tilespmem:s12+$0xFFFFFF20];
	[tilespmem:$0x1FFA0] =	vst v3  }
0xa9: {  	v21 =	vmul.f32 v27, v41;
	v27 =	vld [tilespmem:s12+$0xFFFFFFB0]  }
0xaa: {  	[tilespmem:$0x1FFB0] =	vst v20;
	v20 =	vld [tilespmem:$0x1FF20];
	_ =	sdelay $0x4  }
0xab: {  	v46 =	vmul.f32 v20, v46;
	v20 =	vld [tilespmem:$0x1FF30];
	_ =	sdelay $0x4  }
0xac: {  	v49 =	vmul.f32 v20, v49;
	v20 =	vld [tilespmem:s12+$0xFFFFFFC0];
	_ =	sdelay $0x1  }
0xad: {  	v23 =	vperm.xlane v48, v4  }
0xae: {  	v33 =	vmul.f32 v33, v14  }
0xaf: {  	v23 =	vmul.f32 v57, v23  }
0xb0: {  	v54 =	vperm.xlane v48, v5;
	v55 =	vperm.xlane v48, v6;
	v26 =	vadd.f32 v33, v26;
	v22 =	vld [tilespmem:s12+$0xFFFFFF30];
	[tilespmem:$0x1FF90] =	vst v20  }
0xb1: {  	v56 =	vperm.xlane v48, v7;
	v58 =	vperm.xlane v48, v8;
	v3 =	vld [tilespmem:$0x1FF10];
	[tilespmem:s12+$0xFFFFFEE0] =	vst v23  }
0xb2: {  	v19 =	vimm.s32 $0xC;
	v42 =	vmul.f32 $2.000000030e-01, v26;
	v20 =	vmul.f32 v60, v54;
	v23 =	vld [tilespmem:$0x1FF40]  }
0xb3: {  	v18 =	vimm.s32 $0x5;
	v62 =	vperm.xlane v48, v10;
	v61 =	vperm.xlane v48, v9;
	v41 =	vld [tilespmem:$0x1FF50]  }
0xb4: {  	v35 =	vperm.xlane v48, v18;
	v2 =	vimm.s32 $0x4;
	v26 =	vmax.f32 v26, v42;
	v42 =	vld [tilespmem:$0x1FF60];
	[tilespmem:s12+$0xFFFFFF70] =	vst v20  }
0xb5: {  	v59 =	vperm.xlane v48, v19;
	v4 =	vimm.s32 $0xB;
	v44 =	vperm.xlane v48, v2;
	v57 =	vld [tilespmem:$0x1FF70];
	[tilespmem:s12+$0x10] =	vst v40  }
0xb6: {  	v34 =	vperm.xlane v48, v4;
	v39 =	vmul.f32 v38, v39;
	[tilespmem:s12+$0xA0] =	vst v21  }
0xb7: {  	v63 =	vmul.f32 v63, v55;
	v30 =	vmul.f32 v30, v56;
	[tilespmem:s12+$0x20] =	vst v53  }
0xb8: {  	v12 =	vimm.s32 $0x7;
	v26 =	vmul.f32 $1.442695020e+00, v26;
	v45 =	vmul.f32 v3, v45;
	[tilespmem:s12+$0xB0] =	vst v43;
	v20 =	vpop (erf)  }
0xb9: {  	s26 =	simm.s32 $0x630;
	v10 =	vimm.s32 $0x0;
	v28 =	vmul.f32 v28, v61;
	v31 =	vmul.f32 v31, v62;
	v54 =	vld [tilespmem:s12+$0xFFFFFF40];
	[tilespmem:v32+s31+$0x0] =	vst.idx.msk $0xffff, v20  }
0xba: {  	v8 =	vimm.s32 $0x1;
	v25 =	vmul.f32 v25, v34;
	[tilespmem:s12+$0x30] =	vst v45;
	(erf) = vpow2.f32 v26;
	v26 =	vld [tilespmem:s26+$0x100]  }
0xbb: {  	v6 =	vimm.s32 $0x2;
	v24 =	vmul.f32 v24, v44;
	[tilespmem:s12+$0xC0] =	vst v46;
	v32 =	vmul.f32 v36, v47;
	v47 =	vld [tilespmem:s26+$0x0]  }
0xbc: {  	v3 =	vimm.s32 $0xF;
	v27 =	vmul.f32 v27, v59;
	v60 =	vperm.xlane v48, v12;
	[tilespmem:s12+$0xFFFFFEF0] =	vst v63;
	v34 =	vld [tilespmem:s26+$0x10]  }
0xbd: {  	s21 =	simm.s32 $0xA;
	v9 =	vimm.s32 $0x8;
	v48 =	vperm.xlane v48, v3;
	[tilespmem:s12+$0x40] =	vst v49;
	v61 =	vperm.xlane v20, v3;
	v43 =	vld [tilespmem:s26+$0xA0]  }
0xbe: {  	v46 =	vor.u32 s21, v11;
	[tilespmem:s12+$0xF0] =	vst v39;
	v45 =	vperm.xlane v20, v10;
	v36 =	vperm.xlane v20, v9;
	v44 =	vld [tilespmem:s26+$0x20]  }
0xbf: {  	[tilespmem:s12+$0xFFFFFF80] =	vst v30;
	v62 =	vmul.u32 $0x90, v46;
	v56 =	vperm.xlane v20, v8;
	v49 =	vperm.xlane v20, v6;
	v53 =	vld [tilespmem:s26+$0xB0]  }
0xc0: {  	[tilespmem:s12+$0xFFFFFF90] =	vst v28;
	v63 =	vshll.u32 v46, $0x4;
	v21 =	vperm.xlane v20, v19;
	v39 =	vperm.xlane v20, v16;
	v55 =	vld [tilespmem:s26+$0x30]  }
0xc1: {  	[tilespmem:s12+$0xFFFFFF10] =	vst v31;
	v59 =	vor.u32 v0, v63;
	v30 =	vperm.xlane v20, v15;
	v63 =	vld [tilespmem:s26+$0x40];
	v23 =	vmul.f32 v23, v37  }
0xc2: {  	v5 =	vimm.s32 $0xA;
	[tilespmem:s12+$0xFFFFFFB0] =	vst v27;
	v27 =	vld [tilespmem:s26+$0x70];
	v33 =	vmul.f32 v41, v50;
	v52 =	vmul.f32 v42, v52  }
0xc3: {  	s20 =	simm.s32 $0x8;
	[tilespmem:s12+$0xFFFFFFA0] =	vst v25;
	v40 =	vadd.s32 v13, v62;
	v50 =	vld [tilespmem:s12+$0xFFFFFFD0];
	v41 =	vmul.f32 v29, v58;
	v42 =	vmul.f32 v22, v35  }
0xc4: {  	[tilespmem:s12+$0xFFFFFF20] =	vst v24;
	v29 =	vld [tilespmem:s26+$0x90];
	v35 =	vor.u32 s20, v11;
	v58 =	vperm.xlane v20, v4;
	v22 =	vperm.xlane v20, v17  }
0xc5: {  	[tilespmem:s12+$0x70] =	vst v32;
	v51 =	vmul.f32 v57, v51;
	v57 =	vld [tilespmem:s12+$0xFFFFFF50];
	v11 =	vmul.u32 $0x90, v35;
	v62 =	vshll.u32 v35, $0x4  }
0xc6: {  	v46 =	vld.idx.msk [tilespmem:v46+s28+$0x0], $0xffff;
	[tilespmem:s12+$0xD0] =	vst v23;
	v23 =	vperm.xlane v20, v5;
	v62 =	vor.u32 v0, v62  }
0xc7: {  	[tilespmem:s12+$0xE0] =	vst v52;
	v52 =	vperm.xlane v20, v2;
	v38 =	vadd.s32 v13, v11;
	v59 =	vld.idx.msk [tilespmem:v59+s0+$0x0], $0xffff  }
0xc8: {  	v11 =	vimm.s32 $0x3;
	[tilespmem:s12+$0x60] =	vst v51;
	v51 =	vperm.xlane v20, v18;
	v13 =	vld [tilespmem:s26+$0x50];
	v26 =	vmul.f32 v26, v61  }
0xc9: {  	[tilespmem:s12+$0x50] =	vst v33;
	v61 =	vld [tilespmem:s26+$0xC0];
	v33 =	vperm.xlane v20, v11;
	v45 =	vmul.f32 v47, v45  }
0xca: {  	[tilespmem:s12+$0xFFFFFF00] =	vst v41;
	v47 =	vld.idx.msk [tilespmem:v40+s31+$0x0], $0xffff;
	v34 =	vmul.f32 v34, v56;
	v44 =	vmul.f32 v44, v49  }
0xcb: {  	v7 =	vimm.s32 $0x9;
	[tilespmem:s12+$0xFFFFFF30] =	vst v42;
	v23 =	vmul.f32 v53, v23;
	v35 =	vld.idx.msk [tilespmem:v35+s28+$0x0], $0xffff;
	v29 =	vmul.f32 v29, v36  }
0xcc: {  	[tilespmem:s26+$0x100] =	vst v26;
	v26 =	vperm.xlane v20, v7;
	v20 =	vperm.xlane v20, v12;
	v56 =	vld.idx.msk [tilespmem:v62+s0+$0x0], $0xffff  }
0xcd: {  	v36 =	vpop (erf);
	v46 =	vmul.f32 v46, v14;
	v33 =	vmul.f32 v55, v33;
	[tilespmem:s26+$0x0] =	vst v45;
	v32 =	vld.idx.msk [tilespmem:v38+s31+$0x0], $0xffff  }
0xce: {  	[tilespmem:v1+s31+$0x0] =	vst.idx.msk $0xffff, v36;
	v62 =	vperm.xlane v36, v10;
	v26 =	vmul.f32 v43, v26;
	v43 =	vld [tilespmem:s26+$0xD0]  }
0xcf: {  	[tilespmem:s26+$0xB0] =	vst v23;
	v41 =	vperm.xlane v36, v9;
	v31 =	vperm.xlane v36, v8;
	v23 =	vld [tilespmem:s26+$0xFFFFFF90]  }
0xd0: {  	[tilespmem:s26+$0x90] =	vst v29;
	v29 =	vperm.xlane v36, v6;
	v49 =	vmul.f32 v27, v20;
	v27 =	vld [tilespmem:s26+$0xFFFFFF10]  }
0xd1: {  	[tilespmem:s26+$0x20] =	vst v44;
	v53 =	vperm.xlane v36, v5;
	v44 =	vperm.xlane v36, v4;
	v28 =	vadd.f32 v59, v47;
	v47 =	vld [tilespmem:s26+$0xE0]  }
0xd2: {  	[tilespmem:s26+$0x10] =	vst v34;
	v45 =	vmul.f32 v61, v58;
	v58 =	vmul.f32 v63, v52;
	v63 =	vld [tilespmem:s26+$0xF0]  }
0xd3: {  	[tilespmem:s26+$0x30] =	vst v33;
	v33 =	vperm.xlane v36, v2;
	v20 =	vperm.xlane v36, v17;
	v59 =	vld [tilespmem:s26+$0x60];
	v28 =	vadd.f32 v46, v28  }
0xd4: {  	[tilespmem:s26+$0xA0] =	vst v26;
	v26 =	vperm.xlane v36, v11;
	v25 =	vadd.f32 v56, v32;
	v32 =	vmul.f32 v13, v51;
	v13 =	vld [tilespmem:s26+$0xFFFFFEE0]  }
0xd5: {  	v61 =	vld [tilespmem:s26+$0xFFFFFF00];
	[tilespmem:s26+$0xC0] =	vst v45;
	v21 =	vmul.f32 v43, v21;
	v24 =	vmul.f32 $2.000000030e-01, v28  }
0xd6: {  	v46 =	vperm.xlane v36, v7;
	[tilespmem:s26+$0x40] =	vst v58;
	v56 =	vmul.f32 v35, v14;
	v14 =	vld [tilespmem:s26+$0xFFFFFF70]  }
0xd7: {  	v22 =	vmul.f32 v47, v22;
	v30 =	vmul.f32 v63, v30;
	v63 =	vld [tilespmem:s26+$0xFFFFFF20];
	v24 =	vmax.f32 v28, v24;
	[tilespmem:s26+$0xD0] =	vst v21  }
0xd8: {  	v28 =	vmul.f32 v59, v39;
	v59 =	vld [tilespmem:s26+$0xFFFFFEF0];
	[tilespmem:s26+$0x50] =	vst v32;
	v24 =	vmul.f32 $1.442695020e+00, v24  }
0xd9: {  	v45 =	vperm.xlane v36, v19;
	v25 =	vadd.f32 v56, v25;
	[tilespmem:s26+$0xE0] =	vst v22;
	v42 =	vmul.f32 v13, v62;
	v62 =	vld [tilespmem:s26+$0xFFFFFFA0]  }
0xda: {  	v35 =	vperm.xlane v36, v18;
	[tilespmem:s26+$0x60] =	vst v28;
	(erf) = vpow2.f32 v24;
	v24 =	vld [tilespmem:s26+$0xFFFFFF80]  }
0xdb: {  	v17 =	vmul.f32 v23, v53;
	v51 =	vmul.f32 $2.000000030e-01, v25;
	v55 =	vld [tilespmem:$0x1FF80]  }
0xdc: {  	v21 =	vperm.xlane v36, v16;
	v16 =	vmul.f32 v61, v29;
	v61 =	vld [tilespmem:$0x1FF90];
	[tilespmem:s26+$0xF0] =	vst v30  }
0xdd: {  	v23 =	vperm.xlane v36, v12;
	v29 =	vld [tilespmem:s26+$0xFFFFFF30];
	v22 =	vperm.xlane v36, v15;
	v25 =	vmax.f32 v25, v51;
	[tilespmem:s26+$0xFFFFFEE0] =	vst v42  }
0xde: {  	v25 =	vmul.f32 $1.442695020e+00, v25;
	v53 =	vmul.f32 v62, v44;
	v62 =	vld [tilespmem:$0x1FFA0]  }
0xdf: {  	v41 =	vmul.f32 v14, v41;
	v56 =	vmul.f32 v24, v46;
	v46 =	vld [tilespmem:s26+$0xFFFFFFB0]  }
0xe0: {  	v37 =	vld [tilespmem:s12+$0xFFFFFFE0];
	v51 =	vmul.f32 v27, v26;
	(erf) = vpow2.f32 v25  }
0xe1: {  	v28 =	vld [tilespmem:s26+$0xFFFFFF50];
	v31 =	vmul.f32 v59, v31;
	v24 =	vperm.xlane v36, v3  }
0xe2: {  	v26 =	vld [tilespmem:s26+$0xFFFFFF40];
	v36 =	vmul.f32 v61, v55;
	v44 =	vmul.f32 v57, v60  }
0xe3: {  	v39 =	vmul.f32 v54, v62;
	v54 =	vmul.f32 v63, v33;
	v63 =	vld [tilespmem:$0x1FFB0];
	[tilespmem:s26+$0xFFFFFF70] =	vst v41  }
0xe4: {  	v27 =	vld [tilespmem:s26+$0xFFFFFFD0];
	v55 =	vmul.f32 v29, v35;
	v32 =	vpop (erf);
	[tilespmem:s26+$0x70] =	vst v49;
	v52 =	vmul.f32 v46, v45  }
0xe5: {  	v25 =	vld [tilespmem:s26+$0xFFFFFFC0];
	[tilespmem:s26+$0xFFFFFEF0] =	vst v31;
	v45 =	vmul.f32 v37, v48;
	v47 =	vperm.xlane v32, v10  }
0xe6: {  	s21 =	simm.s32 $0x870;
	v29 =	vld [tilespmem:s26+$0xFFFFFFE0];
	[tilespmem:v40+s31+$0x0] =	vst.idx.msk $0xffff, v32;
	v46 =	vperm.xlane v32, v9;
	v40 =	vperm.xlane v32, v8  }
0xe7: {  	v37 =	vperm.xlane v32, v7;
	[tilespmem:s26+$0xFFFFFF80] =	vst v56;
	v43 =	vperm.xlane v32, v6;
	v41 =	vld [tilespmem:s21+$0x100]  }
0xe8: {  	v35 =	vperm.xlane v32, v5;
	v33 =	vperm.xlane v32, v4;
	[tilespmem:s26+$0xFFFFFF00] =	vst v16;
	v49 =	vld [tilespmem:s21+$0x90]  }
0xe9: {  	v1 =	vimm.s32 $0x3;
	v34 =	vperm.xlane v32, v2;
	[tilespmem:s26+$0xFFFFFF90] =	vst v17;
	v31 =	vperm.xlane v32, v3;
	v48 =	vld [tilespmem:s21+$0x10];
	v30 =	vpop (erf)  }
0xea: {  	s19 =	simm.s32 $0x4;
	s20 =	simm.s32 $0xC;
	[tilespmem:v38+s31+$0x0] =	vst.idx.msk $0xffff, v30;
	v38 =	vperm.xlane v32, v1;
	v42 =	vmul.f32 v50, v63;
	v50 =	vld [tilespmem:s21+$0x0]  }
.LBB2_3:
0xeb: {  	v1 =	vld [tilespmem:$0x1FFE0];
	_ =	sdelay $0x3  }
0xec: {  	s14 =	sadd.s32 $0x2, s20  }
0xed: {  	[tilespmem:s26+$0xFFFFFF10] =	vst v51;
	v56 =	vor.u32 s20, v1;
	v60 =	vor.u32 s14, v1;
	v1 =	vld [tilespmem:$0x1FFF0]  }
0xee: {  	v12 =	vimm.s32 $0xC;
	v13 =	vimm.s32 $0x5;
	v14 =	vimm.s32 $0x6;
	[tilespmem:s26+$0xFFFFFFA0] =	vst v53  }
0xef: {  	v57 =	vld [tilespmem:s21+$0xA0];
	v19 =	vimm.s32 $0x9;
	v58 =	vperm.xlane v32, v12;
	[tilespmem:s26+$0xFFFFFF20] =	vst v54;
	v41 =	vmul.f32 v41, v31  }
0xf0: {  	v61 =	vld [tilespmem:s21+$0x20];
	[tilespmem:s26+$0xFFFFFFB0] =	vst v52;
	v10 =	vshll.u32 v56, $0x4;
	v62 =	vmul.u32 $0x90, v60;
	v63 =	vshll.u32 v60, $0x4  }
0xf1: {  	v3 =	vld [tilespmem:s21+$0xB0];
	[tilespmem:s21+$0x100] =	vst v41;
	v51 =	vor.u32 v0, v10;
	v11 =	vor.u32 v0, v63;
	v0 =	vimm.s32 $0x0  }
0xf2: {  	v41 =	vadd.s32 v1, v62;
	v52 =	vld.idx.msk [tilespmem:v56+s28+$0x0], $0xffff;
	[tilespmem:s26+$0xFFFFFF30] =	vst v55;
	v55 =	vperm.xlane v30, v0;
	v0 =	vimm.s32 $0x8  }
0xf3: {  	v6 =	vld [tilespmem:s21+$0x40];
	v59 =	vperm.xlane v32, v13;
	v5 =	vperm.xlane v30, v0;
	v0 =	vimm.s32 $0x2  }
0xf4: {  	v54 =	vld [tilespmem:s21+$0x30];
	v9 =	vmul.u32 $0x90, v56;
	v53 =	vperm.xlane v30, v0;
	v0 =	vimm.s32 $0xA  }
0xf5: {  	v4 =	vperm.xlane v32, v14;
	[tilespmem:s12+$0xFFFFFFC0] =	vst v36;
	v36 =	vld.idx.msk [tilespmem:v60+s28+$0x0], $0xffff;
	v8 =	vperm.xlane v30, v0;
	v0 =	vimm.s32 $0x3  }
0xf6: {  	v31 =	vadd.s32 v1, v9;
	[tilespmem:s12+$0xFFFFFF40] =	vst v39;
	v39 =	vld.idx.msk [tilespmem:v11+s0+$0x0], $0xffff;
	v9 =	vperm.xlane v30, v0;
	v0 =	vimm.s32 $0xB  }
0xf7: {  	v7 =	vperm.xlane v30, v19;
	[tilespmem:s12+$0xFFFFFFD0] =	vst v42;
	v42 =	vld.idx.msk [tilespmem:v41+s31+$0x0], $0xffff;
	v10 =	vperm.xlane v30, v0;
	v0 =	vimm.s32 $0x4  }
0xf8: {  	v12 =	vperm.xlane v30, v12;
	v11 =	vperm.xlane v30, v0;
	v0 =	vld [tilespmem:$0x1FFC0]  }
0xf9: {  	v13 =	vperm.xlane v30, v13;
	v47 =	vmul.f32 v50, v47;
	v50 =	vld [tilespmem:s21+$0xE0]  }
0xfa: {  	v14 =	vperm.xlane v30, v14;
	v49 =	vmul.f32 v49, v46;
	v46 =	vld [tilespmem:s21+$0x60];
	[tilespmem:s12+$0xFFFFFF50] =	vst v44  }
0xfb: {  	v40 =	vmul.f32 v48, v40;
	v37 =	vmul.f32 v57, v37;
	v44 =	vld.idx.msk [tilespmem:v31+s31+$0x0], $0xffff;
	[tilespmem:s12+$0xFFFFFFE0] =	vst v45  }
0xfc: {  	v15 =	vimm.s32 $0xD;
	v61 =	vmul.f32 v61, v43;
	v3 =	vmul.f32 v3, v35;
	v45 =	vld.idx.msk [tilespmem:v51+s0+$0x0], $0xffff  }
0xfd: {  	v18 =	vld [tilespmem:s21+$0x50];
	v63 =	vperm.xlane v32, v15;
	v39 =	vadd.f32 v39, v42;
	v36 =	vmul.f32 v36, v0  }
0xfe: {  	v16 =	vimm.s32 $0xE;
	v6 =	vmul.f32 v6, v34;
	v54 =	vmul.f32 v54, v38;
	v62 =	vld [tilespmem:s21+$0xC0]  }
0xff: {  	v43 =	vld [tilespmem:s21+$0xFFFFFEE0];
	v63 =	vmul.f32 v50, v63;
	v4 =	vmul.f32 v46, v4;
	[tilespmem:s21+$0x0] =	vst v47;
	v36 =	vadd.f32 v36, v39  }
0x100: {  	v2 =	vimm.s32 $0x1;
	[tilespmem:s21+$0x90] =	vst v49;
	v51 =	vmul.f32 v52, v0;
	v52 =	vperm.xlane v30, v15;
	v15 =	vld [tilespmem:s21+$0xD0]  }
0x101: {  	v56 =	vperm.xlane v32, v16;
	v47 =	vld [tilespmem:s21+$0xF0];
	[tilespmem:s21+$0x10] =	vst v40;
	v44 =	vadd.f32 v45, v44;
	v48 =	vmul.f32 $2.000000030e-01, v36  }
0x102: {  	v60 =	vperm.xlane v30, v2;
	v16 =	vperm.xlane v30, v16;
	v49 =	vld [tilespmem:s21+$0xFFFFFF70];
	[tilespmem:s21+$0xA0] =	vst v37  }
0x103: {  	v33 =	vmul.f32 v62, v33;
	[tilespmem:s21+$0x20] =	vst v61;
	v61 =	vld [tilespmem:s21+$0xFFFFFF80];
	v57 =	vadd.f32 v51, v44;
	v36 =	vmax.f32 v36, v48  }
0x104: {  	[tilespmem:s21+$0xB0] =	vst v3;
	v3 =	vmul.f32 v18, v59;
	v62 =	vld [tilespmem:s21+$0xFFFFFF00];
	v18 =	vmul.f32 $1.442695020e+00, v36  }
0x105: {  	v1 =	vimm.s32 $0x7;
	[tilespmem:s21+$0x30] =	vst v54;
	v59 =	vld [tilespmem:s21+$0xFFFFFF20];
	v15 =	vmul.f32 v15, v58;
	v58 =	vmul.f32 $2.000000030e-01, v57  }
0x106: {  	v32 =	vperm.xlane v32, v1;
	[tilespmem:s21+$0xE0] =	vst v63;
	v63 =	vld [tilespmem:s21+$0xFFFFFF30];
	(erf) = vpow2.f32 v18  }
0x107: {  	v17 =	vperm.xlane v30, v1;
	[tilespmem:s21+$0x40] =	vst v6;
	v42 =	vld [tilespmem:s21+$0x70];
	v54 =	vmul.f32 v47, v56;
	v34 =	vmax.f32 v57, v58  }
0x108: {  	[tilespmem:s21+$0x60] =	vst v4;
	v56 =	vmul.f32 v43, v55;
	v45 =	vld [tilespmem:s21+$0xFFFFFF90];
	v34 =	vmul.f32 $1.442695020e+00, v34  }
0x109: {  	[tilespmem:s21+$0xC0] =	vst v33;
	v5 =	vmul.f32 v49, v5;
	v7 =	vmul.f32 v61, v7;
	v51 =	vld [tilespmem:s21+$0xFFFFFEF0]  }
0x10a: {  	[tilespmem:s21+$0x50] =	vst v3;
	v61 =	vld [tilespmem:s21+$0xFFFFFFB0];
	v62 =	vmul.f32 v62, v53;
	(erf) = vpow2.f32 v34  }
0x10b: {  	v1 =	vimm.s32 $0xF;
	v55 =	vmul.f32 v63, v13;
	[tilespmem:s21+$0xF0] =	vst v54;
	v39 =	vmul.f32 v26, v21;
	v26 =	vld [tilespmem:s21+$0xFFFFFF40]  }
0x10c: {  	v30 =	vperm.xlane v30, v1;
	[tilespmem:s21+$0xFFFFFEE0] =	vst v56;
	v44 =	vmul.f32 v28, v23;
	v28 =	vld [tilespmem:s21+$0xFFFFFF50]  }
0x10d: {  	v54 =	vmul.f32 v59, v11;
	[tilespmem:s21+$0xFFFFFF70] =	vst v5;
	v57 =	vld [tilespmem:s21+$0xFFFFFFA0];
	v58 =	vmul.f32 v42, v32  }
0x10e: {  	v8 =	vmul.f32 v45, v8;
	[tilespmem:s21+$0xD0] =	vst v15;
	v3 =	vmul.f32 v51, v60;
	v18 =	vld [tilespmem:s21+$0xFFFFFF10]  }
0x10f: {  	s19 =	sadd.s32 $0x2, s19;
	v0 =	vimm.s32 $0x0;
	v45 =	vmul.f32 v29, v24;
	v29 =	vld [tilespmem:s21+$0xFFFFFFE0];
	v36 =	vmul.f32 v25, v20;
	[tilespmem:s21+$0x70] =	vst v58;
	v32 =	vpop (erf)  }
0x110: {  	p0 =	slt.u32 s19, $0x26;
	v25 =	vld [tilespmem:s21+$0xFFFFFFC0];
	v42 =	vmul.f32 v27, v22;
	[tilespmem:s21+$0xFFFFFEF0] =	vst v3;
	v47 =	vperm.xlane v32, v0;
	v0 =	vimm.s32 $0x8  }
0x111: {  	s12 =	smov.u32 s26;
	s26 =	smov.u32 s21;
	v20 =	vmovc v52;
	v27 =	vld [tilespmem:s21+$0xFFFFFFD0];
	v52 =	vmul.f32 v61, v12;
	s21 =	sadd.s32 $0x240, s21;
	[tilespmem:v41+s31+$0x0] =	vst.idx.msk $0xffff, v32;
	v46 =	vperm.xlane v32, v0;
	v0 =	vimm.s32 $0x2  }
.Ltmp2:
0x112: {  	v24 =	vmovc v30;
	v53 =	vmul.f32 v57, v10;
	v41 =	vld [tilespmem:s21+$0x100];
	v43 =	vperm.xlane v32, v0;
	v0 =	vimm.s32 $0xA;
	(pc) =	sbr.rel @p0 .LBB2_3-.Ltmp2, $4  }
0x113: {  	[tilespmem:s26+$0xFFFFFF80] =	vst v7;
	v51 =	vmul.f32 v18, v9;
	v30 =	vpop (erf);
	v50 =	vld [tilespmem:s21+$0x0];
	v35 =	vperm.xlane v32, v0;
	v0 =	vimm.s32 $0x3  }
0x114: {  	v40 =	vperm.xlane v32, v2;
	[tilespmem:v31+s31+$0x0] =	vst.idx.msk $0xffff, v30;
	v49 =	vld [tilespmem:s21+$0x90];
	v38 =	vperm.xlane v32, v0;
	v0 =	vimm.s32 $0xB  }
0x115: {  	v21 =	vmovc v14;
	v37 =	vperm.xlane v32, v19;
	v48 =	vld [tilespmem:s21+$0x10];
	[tilespmem:s26+$0xFFFFFF00] =	vst v62;
	v33 =	vperm.xlane v32, v0;
	v0 =	vimm.s32 $0x4  }
0x116: {  	s20 =	sadd.s32 $0x4, s20;
	v23 =	vmovc v17;
	v22 =	vmov v16;
	v31 =	vperm.xlane v32, v1;
	[tilespmem:s26+$0xFFFFFF90] =	vst v8;
	v34 =	vperm.xlane v32, v0;
	v0 =	vld [tilespmem:$0x1FFD0]  }
0x117: {  	[tilespmem:s26+$0xFFFFFF10] =	vst v51  }
0x118: {  	[tilespmem:s26+$0xFFFFFFA0] =	vst v53  }
0x119: {  	[tilespmem:s26+$0xFFFFFF20] =	vst v54  }
0x11a: {  	[tilespmem:s26+$0xFFFFFFB0] =	vst v52  }
0x11b: {  	[tilespmem:s26+$0xFFFFFF30] =	vst v55  }
0x11c: {  	[tilespmem:s12+$0xFFFFFFC0] =	vst v36  }
0x11d: {  	[tilespmem:s12+$0xFFFFFF40] =	vst v39  }
0x11e: {  	v3 =	vld [tilespmem:s21+$0xA0];
	[tilespmem:s12+$0xFFFFFFD0] =	vst v42  }
0x11f: {  	v4 =	vld [tilespmem:s21+$0x20];
	[tilespmem:s12+$0xFFFFFF50] =	vst v44;
	v5 =	vmul.f32 v41, v31  }
0x120: {  	v6 =	vld [tilespmem:s21+$0xB0];
	[tilespmem:s12+$0xFFFFFFE0] =	vst v45;
	v11 =	vmul.f32 v50, v47  }
0x121: {  	v7 =	vld [tilespmem:s21+$0x30];
	v14 =	vmul.f32 v49, v46;
	[tilespmem:s21+$0x100] =	vst v5  }
0x122: {  	v59 =	vld [tilespmem:s21+$0xC0];
	[tilespmem:s21+$0x0] =	vst v11;
	v16 =	vmul.f32 v48, v40  }
0x123: {  	v8 =	vld [tilespmem:s21+$0x40];
	[tilespmem:s21+$0x90] =	vst v14;
	v3 =	vmul.f32 v3, v37  }
0x124: {  	v9 =	vld [tilespmem:s21+$0xD0];
	v4 =	vmul.f32 v4, v43;
	[tilespmem:s21+$0x10] =	vst v16  }
0x125: {  	v6 =	vmul.f32 v6, v35;
	[tilespmem:s21+$0xA0] =	vst v3  }
0x126: {  	v1 =	vimm.s32 $0xC;
	v7 =	vmul.f32 v7, v38;
	[tilespmem:s21+$0x20] =	vst v4  }
0x127: {  	v10 =	vld [tilespmem:s21+$0x50];
	v31 =	vperm.xlane v32, v1;
	v5 =	vmul.f32 v59, v33;
	[tilespmem:s21+$0xB0] =	vst v6  }
0x128: {  	v12 =	vld [tilespmem:s21+$0xE0];
	v8 =	vmul.f32 v8, v34;
	[tilespmem:s21+$0x30] =	vst v7  }
0x129: {  	v15 =	vld [tilespmem:s21+$0xFFFFFEE0];
	v1 =	vimm.s32 $0x5;
	v9 =	vmul.f32 v9, v31;
	[tilespmem:s21+$0xC0] =	vst v5  }
0x12a: {  	v13 =	vld [tilespmem:s21+$0x60];
	v43 =	vperm.xlane v32, v1;
	v1 =	vimm.s32 $0xD;
	v33 =	vmul.f32 v27, v22;
	[tilespmem:s21+$0x40] =	vst v8  }
0x12b: {  	v59 =	vld [tilespmem:s21+$0xFFFFFF50];
	v38 =	vmul.f32 v29, v24;
	v44 =	vperm.xlane v32, v1;
	v1 =	vimm.s32 $0x0;
	[tilespmem:s21+$0xD0] =	vst v9  }
0x12c: {  	v17 =	vld [tilespmem:s21+$0xFFFFFF70];
	v31 =	vperm.xlane v30, v1;
	v10 =	vmul.f32 v10, v43;
	v1 =	vimm.s32 $0x6;
	[tilespmem:s26+$0xFFFFFFD0] =	vst v33  }
0x12d: {  	v60 =	vld [tilespmem:s21+$0xF0];
	v56 =	vimm.s32 $0x7;
	[tilespmem:s26+$0xFFFFFFE0] =	vst v38;
	v47 =	vperm.xlane v32, v1;
	v12 =	vmul.f32 v12, v44  }
0x12e: {  	v18 =	vld [tilespmem:s21+$0xFFFFFEF0];
	v40 =	vperm.xlane v30, v56;
	v1 =	vimm.s32 $0x8;
	v15 =	vmul.f32 v15, v31;
	[tilespmem:s21+$0x50] =	vst v10  }
0x12f: {  	v50 =	vperm.xlane v30, v1;
	v1 =	vimm.s32 $0xE;
	v13 =	vmul.f32 v13, v47;
	[tilespmem:s21+$0xE0] =	vst v12  }
0x130: {  	v61 =	vld [tilespmem:s21+$0x70];
	v31 =	vperm.xlane v32, v1;
	v1 =	vimm.s32 $0x1;
	v44 =	vmul.f32 v59, v40;
	[tilespmem:s21+$0xFFFFFEE0] =	vst v15  }
0x131: {  	v62 =	vld [tilespmem:s21+$0xFFFFFF80];
	v54 =	vperm.xlane v30, v1;
	v17 =	vmul.f32 v17, v50;
	[tilespmem:s21+$0x60] =	vst v13  }
0x132: {  	v3 =	vld [tilespmem:s21+$0xFFFFFF00];
	v1 =	vimm.s32 $0x7;
	v11 =	vmul.f32 v60, v31;
	[tilespmem:s21+$0xFFFFFF50] =	vst v44  }
0x133: {  	v63 =	vld [tilespmem:s21+$0xFFFFFF90];
	v55 =	vperm.xlane v32, v1;
	v1 =	vimm.s32 $0x9;
	v18 =	vmul.f32 v18, v54;
	[tilespmem:s21+$0xFFFFFF70] =	vst v17  }
0x134: {  	v31 =	vperm.xlane v30, v1;
	v1 =	vimm.s32 $0x2;
	v17 =	vmul.f32 v25, v20;
	[tilespmem:s21+$0xF0] =	vst v11  }
0x135: {  	v6 =	vld [tilespmem:s21+$0xFFFFFF10];
	v58 =	vperm.xlane v30, v1;
	v14 =	vmul.f32 v61, v55;
	v1 =	vimm.s32 $0xA;
	[tilespmem:s21+$0xFFFFFEF0] =	vst v18  }
0x136: {  	v46 =	vld [tilespmem:s21+$0xFFFFFFB0];
	v60 =	vperm.xlane v30, v1;
	v16 =	vmul.f32 v62, v31;
	v1 =	vimm.s32 $0x3;
	[tilespmem:s26+$0xFFFFFFC0] =	vst v17  }
0x137: {  	v35 =	vimm.s32 $0x5;
	v7 =	vld [tilespmem:s21+$0xFFFFFFA0];
	v18 =	vperm.xlane v30, v1;
	v3 =	vmul.f32 v3, v58;
	[tilespmem:s21+$0x70] =	vst v14  }
0x138: {  	v2 =	vimm.s32 $0xC;
	v4 =	vmul.f32 v63, v60;
	[tilespmem:s21+$0xFFFFFF80] =	vst v16;
	v16 =	vperm.xlane v30, v35  }
0x139: {  	v49 =	vld [tilespmem:s21+$0xFFFFFF30];
	v1 =	vimm.s32 $0xB;
	v35 =	vmul.f32 v28, v23;
	[tilespmem:s21+$0xFFFFFF00] =	vst v3;
	v3 =	vperm.xlane v30, v2  }
0x13a: {  	v45 =	vld [tilespmem:s21+$0xFFFFFF20];
	v62 =	vperm.xlane v30, v1;
	v6 =	vmul.f32 v6, v18;
	[tilespmem:s21+$0xFFFFFF90] =	vst v4  }
0x13b: {  	v57 =	vld [tilespmem:s21+$0xFFFFFFD0];
	[tilespmem:s26+$0xFFFFFF50] =	vst v35;
	v3 =	vmul.f32 v46, v3  }
0x13c: {  	v53 =	vld [tilespmem:s21+$0xFFFFFF40];
	v1 =	vimm.s32 $0x4;
	v7 =	vmul.f32 v7, v62;
	[tilespmem:s21+$0xFFFFFF10] =	vst v6  }
0x13d: {  	v51 =	vld [tilespmem:s21+$0xFFFFFFC0];
	v52 =	vimm.s32 $0xE;
	v63 =	vperm.xlane v30, v1;
	[tilespmem:s21+$0xFFFFFFB0] =	vst v3;
	v3 =	vmul.f32 v26, v21  }
0x13e: {  	v39 =	vperm.xlane v30, v52;
	v48 =	vimm.s32 $0x6;
	v61 =	vld [tilespmem:s21+$0xFFFFFFE0];
	v4 =	vmul.f32 v49, v16;
	[tilespmem:s21+$0xFFFFFFA0] =	vst v7  }
0x13f: {  	v19 =	vimm.s32 $0xD;
	v5 =	vmul.f32 v45, v63;
	[tilespmem:s26+$0xFFFFFF40] =	vst v3;
	v3 =	vperm.xlane v30, v48  }
0x140: {  	v34 =	vperm.xlane v30, v19;
	v1 =	vimm.s32 $0xF;
	[tilespmem:s21+$0xFFFFFF30] =	vst v4;
	v4 =	vmul.f32 v57, v39  }
0x141: {  	v43 =	vperm.xlane v30, v1;
	[tilespmem:s21+$0xFFFFFF20] =	vst v5;
	v3 =	vmul.f32 v53, v3  }
0x142: {  	v5 =	vmul.f32 v51, v34;
	[tilespmem:s21+$0xFFFFFFD0] =	vst v4  }
0x143: {  	[tilespmem:s21+$0xFFFFFF40] =	vst v3;
	v3 =	vmul.f32 v61, v43  }
0x144: {  	[tilespmem:s21+$0xFFFFFFC0] =	vst v5  }
0x145: {  	s12 =	smul.u32 $0x3, s29;
	s2 =	simm.s32 $0xF0;
	[tilespmem:s21+$0xFFFFFFE0] =	vst v3  }
0x146: {  	[spmem:s1] =	stream.indirect.scatter.add.f32 [tilespmem:s31], [sflag:$0x7], $0x90, s2, s30, $0xb8;
	[tilespmem:$0x1FC60] =	vst v63  }
0x147: {  	s19 =	rddreg [dreg:$0xe];
	_ =	swait.ge [sflag:s24], $0x2D00  }
0x148: {  	s14 =	sadd.s32 s12, s19;
	[sflag:s24] =	ssyncset.done $0x0  }
0x149: {  	s14 =	smul.u32 $0xA, s14;
	[sflag:s24] =	ssyncadd.s32 $0xFFFFD300  }
0x14a: {  	s20 =	rddreg [dreg:$0x1]  }
0x14b: {  	s21 =	simm.s32 $0xA0;
	s19 =	sadd.s32 s20, s14;
	s20 =	simm.s32 $0x0  }
0x14c: {  	[tilespmem:s21], [sflag:$0x3] =	stream.linear.gather [hbm4b:s19+s20], $0x50, $0x38;
	[tilespmem:$0x1FC60] =	vst v63  }
0x14d: {  	s26 =	sadd.s32 s8, s14  }
0x14e: {  	[tilespmem:s15], [sflag:$0x3] =	stream.linear.gather [hbm4b:s26+s20], $0x50, $0x38;
	[tilespmem:$0x1FC60] =	vst v63  }
0x14f: {  	s14 =	sadd.s32 s3, s14  }
0x150: {  	[tilespmem:s16], [sflag:$0x3] =	stream.linear.gather [hbm4b:s14+s20], $0x50, $0x38;
	[tilespmem:$0x1FC60] =	vst v63  }
0x151: {  	_ =	swait.ge [sflag:s17], $0x2D00  }
0x152: {  	[sflag:s17] =	ssyncset.done $0x0  }
0x153: {  	[sflag:s17] =	ssyncadd.s32 $0xFFFFD300  }
0x154: {  	_ =	swait.ge [sflag:s17], $0x500  }
0x155: {  	[sflag:s17] =	ssyncset.done $0x0  }
0x156: {  	[sflag:s17] =	ssyncadd.s32 $0xFFFFFB00  }
0x157: {  	_ =	swait.ge [sflag:s18], $0x50  }
0x158: {  	[sflag:s18] =	ssyncset.done $0x0  }
0x159: {  	[sflag:s18] =	ssyncadd.s32 $0xFFFFFFB0  }
0x15a: {  	_ =	swait.ge [sflag:s18], $0x50  }
0x15b: {  	[sflag:s18] =	ssyncset.done $0x0  }
0x15c: {  	[sflag:s18] =	ssyncadd.s32 $0xFFFFFFB0  }
0x15d: {  	_ =	swait.ge [sflag:s18], $0x50  }
0x15e: {  	v63 =	vld [tilespmem:$0x1FFE0];
	_ =	sdelay $0x2  }
0x15f: {  	v1 =	vld [tilespmem:$0x1FFF0]  }
0x160: {  	s19 =	simm.s32 $0x2  }
0x161: {  	v3 =	vor.u32 s19, v63  }
0x162: {  	[sflag:s18] =	ssyncset.done $0x0;
	v45 =	vmul.u32 $0x90, v3;
	v46 =	vshll.u32 v3, $0x4  }
0x163: {  	[sflag:s18] =	ssyncadd.s32 $0xFFFFFFB0;
	v5 =	vor.u32 v0, v46  }
0x164: {  	[tilespmem:s22], [sflag:$0x6] =	stream.indirect.gather [hbm4b:s6+s30], $0x90, s21, s30, $0xb8;
	v4 =	vadd.s32 v1, v45;
	[tilespmem:$0x1FC60] =	vst v63  }
0x165: {  	_ = 	snop  }
0x166: {  	v62 =	vld [tilespmem:$0x1FFC0];
	[tilespmem:s23], [sflag:$0x6] =	stream.indirect.gather [hbm4b:s7+s30], $0x10, s15, s30, $0xb8  }
0x167: {  	v3 =	vld.idx.msk [tilespmem:v3+s25+$0x0], $0xffff  }
0x168: {  	v5 =	vld.idx.msk [tilespmem:v5+s13+$0x0], $0xffff  }
0x169: {  	v47 =	vld.idx.msk [tilespmem:v4+s11+$0x0], $0xffff;
	_ =	sdelay $0x4  }
0x16a: {  	v3 =	vmul.f32 v3, v62;
	v5 =	vadd.f32 v5, v47;
	_ =	sdelay $0x1  }
0x16b: {  	v48 =	vor.u32 s20, v63;
	v3 =	vadd.f32 v3, v5  }
0x16c: {  	v49 =	vmul.u32 $0x90, v48  }
0x16d: {  	v5 =	vmul.f32 $2.000000030e-01, v3  }
0x16e: {  	v7 =	vadd.s32 v1, v49  }
0x16f: {  	v50 =	vshll.u32 v48, $0x4;
	v3 =	vmax.f32 v3, v5  }
0x170: {  	v5 =	vor.u32 v0, v50;
	v3 =	vmul.f32 $1.442695020e+00, v3;
	_ =	sdelay $0x1  }
0x171: {  	(erf) = vpow2.f32 v3  }
0x172: {  	v51 =	vld.idx.msk [tilespmem:v7+s11+$0x0], $0xffff  }
0x173: {  	s2 =	simm.s32 $0x6;
	v3 =	vld.idx.msk [tilespmem:v48+s25+$0x0], $0xffff  }
0x174: {  	v57 =	vor.u32 s2, v63;
	v5 =	vld.idx.msk [tilespmem:v5+s13+$0x0], $0xffff  }
0x175: {  	s21 =	simm.s32 $0x4  }
0x176: {  	v55 =	vor.u32 s21, v63  }
0x177: {  	v20 =	vmul.u32 $0x90, v55;
	v9 =	vshll.u32 v55, $0x4  }
0x178: {  	v58 =	vmul.u32 $0x90, v57;
	v59 =	vshll.u32 v57, $0x4;
	v9 =	vor.u32 v0, v9  }
0x179: {  	v14 =	vld.idx.msk [tilespmem:v57+s25+$0x0], $0xffff;
	v57 =	vadd.s32 v1, v20;
	v3 =	vmul.f32 v3, v62;
	v5 =	vadd.f32 v5, v51  }
0x17a: {  	v8 =	vpop (erf)  }
0x17b: {  	s26 =	simm.s32 $0x30F0;
	v16 =	vld.idx.msk [tilespmem:v55+s25+$0x0], $0xffff;
	v3 =	vadd.f32 v3, v5;
	[tilespmem:v4+s11+$0x0] =	vst.idx.msk $0xffff, v8  }
0x17c: {  	v4 =	vld [tilespmem:s26+$0x100]  }
0x17d: {  	v9 =	vld.idx.msk [tilespmem:v9+s13+$0x0], $0xffff;
	v53 =	vmul.f32 $2.000000030e-01, v3  }
0x17e: {  	v2 =	vimm.s32 $0xF;
	v32 =	vld.idx.msk [tilespmem:v57+s11+$0x0], $0xffff  }
0x17f: {  	v54 =	vperm.xlane v8, v2;
	v52 =	vld [tilespmem:s26+$0x0];
	v3 =	vmax.f32 v3, v53  }
0x180: {  	v6 =	vld [tilespmem:s26+$0x90];
	v3 =	vmul.f32 $1.442695020e+00, v3  }
0x181: {  	v10 =	vld [tilespmem:s26+$0x10];
	v4 =	vmul.f32 v4, v54  }
0x182: {  	v12 =	vld [tilespmem:s26+$0xA0];
	(erf) = vpow2.f32 v3;
	v3 =	vor.u32 v0, v59  }
0x183: {  	v13 =	vld [tilespmem:s26+$0x20];
	[tilespmem:s26+$0x100] =	vst v4;
	v4 =	vadd.s32 v1, v58  }
0x184: {  	v11 =	vld [tilespmem:s26+$0xB0]  }
0x185: {  	v17 =	vld [tilespmem:s26+$0x30]  }
0x186: {  	v15 =	vld [tilespmem:s26+$0xC0]  }
0x187: {  	v3 =	vld.idx.msk [tilespmem:v3+s13+$0x0], $0xffff  }
0x188: {  	v25 =	vld.idx.msk [tilespmem:v4+s11+$0x0], $0xffff  }
0x189: {  	v18 =	vld [tilespmem:s26+$0x40]  }
0x18a: {  	v27 =	vimm.s32 $0x0;
	v60 =	vimm.s32 $0x8;
	v34 =	vld [tilespmem:s26+$0xD0]  }
0x18b: {  	v16 =	vmul.f32 v16, v62;
	v9 =	vadd.f32 v9, v32;
	v21 =	vperm.xlane v8, v27;
	v35 =	vld [tilespmem:s26+$0x50]  }
0x18c: {  	v14 =	vmul.f32 v14, v62;
	v22 =	vperm.xlane v8, v60;
	v38 =	vld [tilespmem:s26+$0x60]  }
0x18d: {  	v9 =	vadd.f32 v16, v9;
	v5 =	vmul.f32 v52, v21;
	v21 =	vld [tilespmem:s26+$0xE0];
	v36 =	vpop (erf);
	v3 =	vadd.f32 v3, v25  }
0x18e: {  	v42 =	vimm.s32 $0x9;
	v61 =	vimm.s32 $0x2;
	v6 =	vmul.f32 v6, v22;
	v22 =	vld [tilespmem:s26+$0xF0];
	[tilespmem:v7+s11+$0x0] =	vst.idx.msk $0xffff, v36  }
0x18f: {  	v33 =	vmul.f32 $2.000000030e-01, v9;
	v40 =	vperm.xlane v36, v60;
	v60 =	vld [tilespmem:s26+$0xFFFFFEE0];
	v3 =	vadd.f32 v14, v3  }
0x190: {  	v41 =	vimm.s32 $0x1;
	v26 =	vperm.xlane v8, v61;
	v43 =	vperm.xlane v36, v61;
	v61 =	vld [tilespmem:s26+$0xFFFFFF70]  }
0x191: {  	v9 =	vmax.f32 v9, v33;
	v58 =	vperm.xlane v36, v27;
	v47 =	vld [tilespmem:s26+$0xFFFFFEF0];
	v27 =	vmul.f32 $2.000000030e-01, v3  }
0x192: {  	v55 =	vimm.s32 $0xD;
	v9 =	vmul.f32 $1.442695020e+00, v9;
	v2 =	vimm.s32 $0xB;
	v50 =	vld [tilespmem:s26+$0xFFFFFF80]  }
0x193: {  	v30 =	vperm.xlane v8, v2;
	v48 =	vperm.xlane v36, v2;
	v52 =	vld [tilespmem:s26+$0xFFFFFF00];
	v3 =	vmax.f32 v3, v27  }
0x194: {  	v56 =	vimm.s32 $0x6;
	[tilespmem:s26+$0x0] =	vst v5;
	v2 =	vperm.xlane v36, v55;
	v54 =	vld [tilespmem:s26+$0xFFFFFF90];
	v3 =	vmul.f32 $1.442695020e+00, v3  }
0x195: {  	v46 =	vimm.s32 $0x3;
	v23 =	vperm.xlane v8, v41;
	v24 =	vperm.xlane v8, v42;
	[tilespmem:s26+$0x90] =	vst v6;
	v14 =	vld [tilespmem:s26+$0x70]  }
0x196: {  	v45 =	vimm.s32 $0xA;
	(erf) = vpow2.f32 v3;
	v3 =	vld [tilespmem:s26+$0xFFFFFF10];
	[tilespmem:$0x1FEA0] =	vst v2;
	v2 =	vperm.xlane v36, v56  }
0x197: {  	v28 =	vperm.xlane v8, v45;
	v59 =	vimm.s32 $0xE;
	v10 =	vmul.f32 v10, v23;
	v23 =	vld [tilespmem:s26+$0xFFFFFFA0]  }
0x198: {  	v49 =	vimm.s32 $0x4;
	v12 =	vmul.f32 v12, v24;
	v24 =	vld [tilespmem:s26+$0xFFFFFF20];
	[tilespmem:$0x1FEB0] =	vst v2;
	v2 =	vperm.xlane v36, v59  }
0x199: {  	v29 =	vperm.xlane v8, v46;
	v31 =	vperm.xlane v8, v49  }
0x19a: {  	v13 =	vmul.f32 v13, v26;
	v6 =	vmul.f32 v60, v58;
	v26 =	vld [tilespmem:s26+$0xFFFFFFB0];
	[tilespmem:$0x1FEC0] =	vst v2;
	v2 =	vimm.s32 $0xF  }
0x19b: {  	v39 =	vperm.xlane v8, v55;
	v16 =	vld [tilespmem:s26+$0xFFFFFF30];
	v32 =	vperm.xlane v36, v2  }
0x19c: {  	v53 =	vimm.s32 $0x5;
	v5 =	vperm.xlane v8, v56;
	v40 =	vmul.f32 v61, v40;
	v56 =	vld [tilespmem:s26+$0xFFFFFFC0];
	[tilespmem:s26+$0xFFFFFEE0] =	vst v6  }
0x19d: {  	v37 =	vperm.xlane v8, v53;
	v11 =	vmul.f32 v11, v28;
	v58 =	vld [tilespmem:s26+$0xFFFFFF40];
	[tilespmem:$0x1FED0] =	vst v32  }
0x19e: {  	v17 =	vmul.f32 v17, v29;
	v15 =	vmul.f32 v15, v30;
	[tilespmem:s26+$0xFFFFFF70] =	vst v40  }
0x19f: {  	v19 =	vimm.s32 $0xC;
	v18 =	vmul.f32 v18, v31;
	v5 =	vmul.f32 v38, v5;
	[tilespmem:s26+$0x10] =	vst v10  }
0x1a0: {  	v21 =	vmul.f32 v21, v39;
	v7 =	vperm.xlane v8, v19;
	[tilespmem:s26+$0xA0] =	vst v12  }
0x1a1: {  	v41 =	vperm.xlane v36, v41;
	v42 =	vperm.xlane v36, v42;
	[tilespmem:s26+$0x20] =	vst v13  }
0x1a2: {  	v20 =	vimm.s32 $0x7;
	v45 =	vperm.xlane v36, v45;
	v46 =	vperm.xlane v36, v46;
	[tilespmem:s26+$0xB0] =	vst v11  }
0x1a3: {  	v31 =	vimm.s32 $0x0;
	v49 =	vperm.xlane v36, v49;
	v47 =	vmul.f32 v47, v41;
	[tilespmem:s26+$0x30] =	vst v17  }
0x1a4: {  	v28 =	vimm.s32 $0xB;
	v51 =	vperm.xlane v36, v19;
	v53 =	vperm.xlane v36, v53;
	[tilespmem:s26+$0xC0] =	vst v15  }
0x1a5: {  	v29 =	vimm.s32 $0xC;
	v25 =	vperm.xlane v8, v59;
	v8 =	vperm.xlane v8, v20;
	[tilespmem:s26+$0xFFFFFEF0] =	vst v47  }
0x1a6: {  	v30 =	vimm.s32 $0x5;
	v61 =	vperm.xlane v36, v20;
	v6 =	vmul.f32 v34, v7;
	v34 =	vld [tilespmem:s26+$0xFFFFFFD0];
	[tilespmem:s26+$0x40] =	vst v18;
	v36 =	vpop (erf)  }
0x1a7: {  	s21 =	simm.s32 $0x3330;
	v19 =	vimm.s32 $0x3;
	v22 =	vmul.f32 v22, v25;
	v7 =	vmul.f32 v35, v37;
	v35 =	vld [tilespmem:s26+$0xFFFFFF50];
	[tilespmem:v4+s11+$0x0] =	vst.idx.msk $0xffff, v36  }
0x1a8: {  	v55 =	vimm.s32 $0x4;
	v25 =	vmul.f32 v54, v45;
	v3 =	vmul.f32 v3, v46;
	[tilespmem:s26+$0xD0] =	vst v6;
	v33 =	vld [tilespmem:s21+$0x100]  }
0x1a9: {  	v27 =	vimm.s32 $0xA;
	v10 =	vmul.f32 v50, v42;
	[tilespmem:s26+$0x50] =	vst v7;
	v4 =	vmul.f32 v14, v8;
	v14 =	vld [tilespmem:s21+$0x0]  }
0x1aa: {  	s20 =	simm.s32 $0xA;
	v59 =	vimm.s32 $0x8;
	v12 =	vmul.f32 v52, v43;
	v13 =	vmul.f32 v23, v48;
	[tilespmem:s26+$0xE0] =	vst v21;
	v39 =	vld [tilespmem:s21+$0x90]  }
0x1ab: {  	s19 =	simm.s32 $0x8;
	v11 =	vmul.f32 v24, v49;
	v17 =	vmul.f32 v26, v51;
	v43 =	vor.u32 s20, v63;
	[tilespmem:s26+$0x60] =	vst v5;
	v23 =	vld [tilespmem:s21+$0x10]  }
0x1ac: {  	v26 =	vor.u32 s19, v63;
	[tilespmem:s26+$0xF0] =	vst v22;
	(erf) = vpow2.f32 v9;
	v60 =	vshll.u32 v43, $0x4;
	v41 =	vld [tilespmem:s21+$0xA0]  }
0x1ad: {  	[tilespmem:s26+$0xFFFFFF90] =	vst v25;
	v24 =	vperm.xlane v36, v2;
	v16 =	vmul.f32 v16, v53;
	v60 =	vor.u32 v0, v60;
	v42 =	vld [tilespmem:s21+$0x20]  }
0x1ae: {  	[tilespmem:s26+$0xFFFFFF10] =	vst v3;
	v50 =	vmul.u32 $0x90, v43;
	v15 =	vperm.xlane v36, v31;
	v9 =	vperm.xlane v36, v59;
	v44 =	vld [tilespmem:s21+$0x30]  }
0x1af: {  	v32 =	vmul.u32 $0x90, v26;
	v6 =	vperm.xlane v36, v27;
	v7 =	vperm.xlane v36, v19;
	[tilespmem:s26+$0xFFFFFF80] =	vst v10;
	v48 =	vld [tilespmem:s21+$0xC0]  }
0x1b0: {  	v46 =	vperm.xlane v36, v28;
	v21 =	vperm.xlane v36, v55;
	[tilespmem:s26+$0xFFFFFF00] =	vst v12;
	v40 =	vadd.s32 v1, v50;
	v50 =	vld [tilespmem:s21+$0x40]  }
0x1b1: {  	v53 =	vimm.s32 $0x1;
	v51 =	vperm.xlane v36, v29;
	[tilespmem:s26+$0xFFFFFFA0] =	vst v13;
	v38 =	vadd.s32 v1, v32;
	v43 =	vld.idx.msk [tilespmem:v43+s25+$0x0], $0xffff  }
0x1b2: {  	v2 =	vimm.s32 $0x2;
	v5 =	vperm.xlane v36, v30;
	[tilespmem:s26+$0xFFFFFF20] =	vst v11;
	v45 =	vperm.xlane v36, v53;
	v47 =	vld.idx.msk [tilespmem:v60+s13+$0x0], $0xffff  }
0x1b3: {  	[tilespmem:s26+$0xFFFFFFB0] =	vst v17;
	v18 =	vperm.xlane v36, v2;
	v32 =	vimm.s32 $0xD;
	v8 =	vmul.f32 v33, v24;
	v24 =	vld [tilespmem:s21+$0xB0]  }
0x1b4: {  	v52 =	vperm.xlane v36, v32;
	[tilespmem:s26+$0x70] =	vst v4;
	v33 =	vshll.u32 v26, $0x4;
	v26 =	vld.idx.msk [tilespmem:v26+s25+$0x0], $0xffff;
	v14 =	vmul.f32 v14, v15  }
0x1b5: {  	v54 =	vimm.s32 $0x9;
	[tilespmem:s26+$0xFFFFFF30] =	vst v16;
	v15 =	vld.idx.msk [tilespmem:v40+s11+$0x0], $0xffff;
	v4 =	vmul.f32 v39, v9;
	v23 =	vmul.f32 v23, v45  }
0x1b6: {  	v9 =	vld.idx.msk [tilespmem:v38+s11+$0x0], $0xffff;
	v45 =	vimm.s32 $0xE;
	v18 =	vmul.f32 v42, v18;
	v7 =	vmul.f32 v44, v7;
	[tilespmem:s21+$0x100] =	vst v8  }
0x1b7: {  	v42 =	vld [tilespmem:s21+$0x50];
	v21 =	vmul.f32 v50, v21;
	v49 =	vor.u32 v0, v33;
	v8 =	vperm.xlane v36, v54;
	[tilespmem:s21+$0x0] =	vst v14  }
0x1b8: {  	v33 =	vimm.s32 $0x6;
	v10 =	vperm.xlane v36, v45;
	v39 =	vpop (erf);
	v25 =	vmul.f32 v43, v62;
	v43 =	vld [tilespmem:s21+$0x60];
	[tilespmem:s21+$0x90] =	vst v4  }
0x1b9: {  	v20 =	vimm.s32 $0x7;
	v22 =	vperm.xlane v36, v33;
	[tilespmem:v57+s11+$0x0] =	vst.idx.msk $0xffff, v39;
	v8 =	vmul.f32 v41, v8;
	v41 =	vld [tilespmem:s21+$0xD0]  }
0x1ba: {  	v36 =	vperm.xlane v36, v20;
	[tilespmem:s21+$0x10] =	vst v23;
	v20 =	vperm.xlane v39, v31;
	v50 =	vld [tilespmem:s21+$0xFFFFFF70]  }
0x1bb: {  	[tilespmem:s21+$0x20] =	vst v18;
	v12 =	vperm.xlane v39, v59;
	v3 =	vperm.xlane v39, v53;
	v18 =	vld [tilespmem:s21+$0xFFFFFF00]  }
0x1bc: {  	[tilespmem:s21+$0x30] =	vst v7;
	v23 =	vperm.xlane v39, v27;
	v6 =	vmul.f32 v24, v6;
	v24 =	vld [tilespmem:s21+$0xE0]  }
0x1bd: {  	[tilespmem:s21+$0x40] =	vst v21;
	v7 =	vperm.xlane v39, v55;
	v15 =	vadd.f32 v47, v15;
	v44 =	vmul.f32 v26, v62;
	v26 =	vld [tilespmem:s21+$0xF0]  }
0x1be: {  	v21 =	vperm.xlane v39, v33;
	v5 =	vmul.f32 v42, v5;
	v45 =	vld.idx.msk [tilespmem:v49+s13+$0x0], $0xffff;
	[tilespmem:s21+$0xA0] =	vst v8  }
0x1bf: {  	v47 =	vld [tilespmem:s21+$0xFFFFFEE0];
	v53 =	vadd.f32 v25, v15;
	v15 =	vmul.f32 v48, v46;
	v25 =	vperm.xlane v39, v54;
	[tilespmem:s21+$0xB0] =	vst v6  }
0x1c0: {  	v6 =	vperm.xlane v39, v28;
	v54 =	vld [tilespmem:s21+$0xFFFFFFA0];
	[tilespmem:s21+$0x50] =	vst v5;
	v11 =	vmul.f32 v41, v51  }
0x1c1: {  	v41 =	vmul.f32 v43, v22;
	[tilespmem:s21+$0xC0] =	vst v15;
	v17 =	vmul.f32 v24, v52;
	v24 =	vld [tilespmem:s21+$0x70]  }
0x1c2: {  	v51 =	vperm.xlane v39, v19;
	v10 =	vmul.f32 v26, v10;
	v26 =	vld [tilespmem:s21+$0xFFFFFEF0];
	[tilespmem:s21+$0xD0] =	vst v11  }
0x1c3: {  	v15 =	vperm.xlane v39, v29;
	v52 =	vld [tilespmem:s21+$0xFFFFFF80];
	v9 =	vadd.f32 v45, v9;
	v45 =	vmul.f32 $2.000000030e-01, v53;
	[tilespmem:s21+$0x60] =	vst v41  }
0x1c4: {  	v12 =	vmul.f32 v50, v12;
	v13 =	vmul.f32 v47, v20;
	v47 =	vld [tilespmem:s21+$0xFFFFFFB0];
	[tilespmem:s21+$0xE0] =	vst v17  }
0x1c5: {  	v20 =	vperm.xlane v39, v32;
	v46 =	vadd.f32 v44, v9;
	v14 =	vmax.f32 v53, v45;
	v55 =	vld [tilespmem:$0x1FEA0]  }
0x1c6: {  	v60 =	vimm.s32 $0xE;
	v9 =	vperm.xlane v39, v2;
	v53 =	vld [tilespmem:s21+$0xFFFFFF10];
	v14 =	vmul.f32 $1.442695020e+00, v14  }
0x1c7: {  	v57 =	vimm.s32 $0x0;
	[tilespmem:s21+$0xFFFFFEE0] =	vst v13;
	v22 =	vmul.f32 $2.000000030e-01, v46;
	v43 =	vmul.f32 v24, v36;
	v24 =	vld [tilespmem:s21+$0xFFFFFF90]  }
0x1c8: {  	v59 =	vimm.s32 $0x1;
	[tilespmem:s21+$0xF0] =	vst v10;
	v5 =	vmul.f32 v18, v9;
	v9 =	vld [tilespmem:s21+$0xFFFFFF30];
	(erf) = vpow2.f32 v14  }
0x1c9: {  	v45 =	vperm.xlane v39, v30;
	v4 =	vmax.f32 v46, v22;
	v22 =	vperm.xlane v39, v60;
	v60 =	vld [tilespmem:$0x1FEC0]  }
0x1ca: {  	v31 =	vimm.s32 $0xA;
	v3 =	vmul.f32 v26, v3;
	v36 =	vmul.f32 v56, v55;
	v56 =	vld [tilespmem:$0x1FEB0];
	[tilespmem:s21+$0xFFFFFF70] =	vst v12  }
0x1cb: {  	v62 =	vimm.s32 $0x4;
	v44 =	vmul.f32 v35, v61;
	v46 =	vld [tilespmem:s21+$0xFFFFFF20];
	v4 =	vmul.f32 $1.442695020e+00, v4;
	[tilespmem:s21+$0x70] =	vst v43  }
0x1cc: {  	v37 =	vld [tilespmem:s26+$0xFFFFFFE0];
	v49 =	vimm.s32 $0x9;
	v11 =	vmul.f32 v52, v25;
	v52 =	vmul.f32 v47, v15;
	[tilespmem:s21+$0xFFFFFEF0] =	vst v3  }
0x1cd: {  	v48 =	vimm.s32 $0x2;
	v51 =	vmul.f32 v53, v51;
	v3 =	vld [tilespmem:$0x1FED0];
	(erf) = vpow2.f32 v4  }
0x1ce: {  	v18 =	vimm.s32 $0x7;
	v53 =	vmul.f32 v54, v6;
	v17 =	vmul.f32 v24, v23  }
0x1cf: {  	v27 =	vld [tilespmem:s21+$0xFFFFFFD0];
	v23 =	vperm.xlane v39, v18;
	v4 =	vimm.s32 $0xF;
	v55 =	vmul.f32 v9, v45  }
0x1d0: {  	v28 =	vld [tilespmem:s21+$0xFFFFFF50];
	v19 =	vimm.s32 $0x3;
	v24 =	vperm.xlane v39, v4;
	v54 =	vmul.f32 v46, v7  }
0x1d1: {  	v29 =	vld [tilespmem:s21+$0xFFFFFFE0];
	v2 =	vimm.s32 $0xB;
	v42 =	vmul.f32 v34, v60;
	v39 =	vmul.f32 v58, v56;
	v32 =	vpop (erf)  }
0x1d2: {  	v25 =	vld [tilespmem:s21+$0xFFFFFFC0];
	v45 =	vmul.f32 v37, v3;
	v3 =	vimm.s32 $0x8;
	v47 =	vperm.xlane v32, v57  }
0x1d3: {  	s19 =	simm.s32 $0x3570;
	v61 =	vimm.s32 $0xE;
	v26 =	vld [tilespmem:s21+$0xFFFFFF40];
	[tilespmem:v40+s11+$0x0] =	vst.idx.msk $0xffff, v32;
	v46 =	vperm.xlane v32, v3;
	v40 =	vperm.xlane v32, v59  }
0x1d4: {  	[tilespmem:s21+$0xFFFFFF80] =	vst v11;
	v60 =	vimm.s32 $0x6;
	v37 =	vperm.xlane v32, v49;
	v43 =	vperm.xlane v32, v48;
	v41 =	vld [tilespmem:s19+$0x100]  }
0x1d5: {  	[tilespmem:s21+$0xFFFFFF00] =	vst v5;
	v56 =	vimm.s32 $0xC;
	v35 =	vperm.xlane v32, v31;
	v33 =	vperm.xlane v32, v2;
	v50 =	vld [tilespmem:s19+$0x0]  }
0x1d6: {  	[tilespmem:s21+$0xFFFFFF90] =	vst v17;
	v58 =	vimm.s32 $0x5;
	v34 =	vperm.xlane v32, v62;
	v31 =	vperm.xlane v32, v4;
	v49 =	vld [tilespmem:s19+$0x90];
	v30 =	vpop (erf)  }
0x1d7: {  	s14 =	simm.s32 $0xC;
	s20 =	simm.s32 $0x4;
	v59 =	vimm.s32 $0xD;
	v57 =	vimm.s32 $0x7;
	v48 =	vld [tilespmem:s19+$0x10];
	[tilespmem:v38+s11+$0x0] =	vst.idx.msk $0xffff, v30;
	v38 =	vperm.xlane v32, v19  }
.LBB2_5:
0x1d8: {  	v5 =	vperm.xlane v32, v56  }
0x1d9: {  	v6 =	vperm.xlane v32, v58;
	v1 =	vld [tilespmem:$0x1FFF0];
	v15 =	vperm.xlane v32, v60  }
0x1da: {  	s2 =	sadd.s32 $0x2, s14;
	v16 =	vperm.xlane v32, v61;
	v17 =	vperm.xlane v32, v57  }
0x1db: {  	v4 =	vld [tilespmem:s19+$0xA0];
	[tilespmem:s21+$0xFFFFFF10] =	vst v51;
	v3 =	vor.u32 s14, v63;
	v8 =	vor.u32 s2, v63;
	v10 =	vmul.f32 v41, v31  }
0x1dc: {  	v9 =	vld [tilespmem:s19+$0x20];
	[tilespmem:s21+$0xFFFFFFA0] =	vst v53;
	v47 =	vmul.f32 v50, v47;
	v7 =	vmul.u32 $0x90, v3;
	v13 =	vshll.u32 v8, $0x4  }
0x1dd: {  	v14 =	vld [tilespmem:s19+$0xB0];
	[tilespmem:s21+$0xFFFFFF20] =	vst v54;
	v11 =	vshll.u32 v3, $0x4;
	v12 =	vmul.u32 $0x90, v8;
	v62 =	vor.u32 v0, v13  }
0x1de: {  	[tilespmem:s21+$0xFFFFFFB0] =	vst v52;
	v51 =	vld [tilespmem:s19+$0x40];
	v31 =	vadd.s32 v1, v7;
	v7 =	vor.u32 v0, v11;
	v0 =	vimm.s32 $0x0  }
0x1df: {  	v50 =	vld [tilespmem:s19+$0xE0];
	[tilespmem:s19+$0x100] =	vst v10;
	v41 =	vadd.s32 v1, v12;
	v18 =	vperm.xlane v30, v0;
	v0 =	vimm.s32 $0x8  }
0x1e0: {  	v12 =	vperm.xlane v32, v59;
	v3 =	vld.idx.msk [tilespmem:v3+s25+$0x0], $0xffff;
	[tilespmem:s21+$0xFFFFFF30] =	vst v55;
	v32 =	vperm.xlane v30, v0;
	v0 =	vimm.s32 $0x2  }
0x1e1: {  	v49 =	vmul.f32 v49, v46;
	v46 =	vld [tilespmem:s19+$0x60];
	[tilespmem:s26+$0xFFFFFF40] =	vst v39;
	v39 =	vperm.xlane v30, v0;
	v0 =	vimm.s32 $0xA  }
0x1e2: {  	v8 =	vld.idx.msk [tilespmem:v8+s25+$0x0], $0xffff;
	v53 =	vperm.xlane v30, v0;
	v0 =	vimm.s32 $0x3  }
0x1e3: {  	v11 =	vld.idx.msk [tilespmem:v62+s13+$0x0], $0xffff;
	v54 =	vperm.xlane v30, v0;
	v0 =	vimm.s32 $0xB  }
0x1e4: {  	[tilespmem:s26+$0xFFFFFFD0] =	vst v42;
	v42 =	vld.idx.msk [tilespmem:v41+s11+$0x0], $0xffff;
	v55 =	vperm.xlane v30, v0;
	v0 =	vimm.s32 $0x4  }
0x1e5: {  	v63 =	vimm.s32 $0xC;
	v56 =	vperm.xlane v30, v0;
	v0 =	vld [tilespmem:$0x1FFC0]  }
0x1e6: {  	v19 =	vimm.s32 $0x9;
	v57 =	vperm.xlane v30, v63;
	v63 =	vld [tilespmem:s19+$0x50];
	[tilespmem:s26+$0xFFFFFFC0] =	vst v36  }
0x1e7: {  	v61 =	vimm.s32 $0xE;
	v52 =	vperm.xlane v30, v19;
	v4 =	vmul.f32 v4, v37;
	v37 =	vld [tilespmem:s19+$0xF0];
	[tilespmem:s26+$0xFFFFFF50] =	vst v44  }
0x1e8: {  	v61 =	vperm.xlane v30, v61;
	v40 =	vmul.f32 v48, v40;
	v44 =	vld.idx.msk [tilespmem:v31+s11+$0x0], $0xffff;
	[tilespmem:s26+$0xFFFFFFE0] =	vst v45  }
0x1e9: {  	v2 =	vimm.s32 $0x1;
	v9 =	vmul.f32 v9, v43;
	v14 =	vmul.f32 v14, v35;
	v7 =	vld.idx.msk [tilespmem:v7+s13+$0x0], $0xffff  }
0x1ea: {  	v13 =	vld [tilespmem:s19+$0x30];
	v36 =	vperm.xlane v30, v2;
	v11 =	vadd.f32 v11, v42;
	v8 =	vmul.f32 v8, v0  }
0x1eb: {  	v10 =	vld [tilespmem:s19+$0xC0];
	v12 =	vmul.f32 v50, v12;
	v6 =	vmul.f32 v63, v6  }
0x1ec: {  	v35 =	vld [tilespmem:s19+$0xFFFFFF70];
	v45 =	vperm.xlane v30, v58;
	v58 =	vperm.xlane v30, v59;
	[tilespmem:s19+$0x0] =	vst v47;
	v8 =	vadd.f32 v8, v11  }
0x1ed: {  	v59 =	vperm.xlane v30, v60;
	v60 =	vld [tilespmem:s19+$0xD0];
	[tilespmem:s19+$0x90] =	vst v49;
	v47 =	vmul.f32 v51, v34  }
0x1ee: {  	[tilespmem:s19+$0x10] =	vst v40;
	v51 =	vld [tilespmem:s19+$0xFFFFFF00];
	v7 =	vadd.f32 v7, v44;
	v3 =	vmul.f32 v3, v0;
	v43 =	vmul.f32 $2.000000030e-01, v8  }
0x1ef: {  	v62 =	vimm.s32 $0x7;
	v13 =	vmul.f32 v13, v38;
	v38 =	vmul.f32 v37, v16;
	[tilespmem:s19+$0xA0] =	vst v4;
	v40 =	vld [tilespmem:s19+$0xFFFFFF10]  }
0x1f0: {  	[tilespmem:s19+$0x20] =	vst v9;
	v34 =	vmul.f32 v46, v15;
	v46 =	vld [tilespmem:s19+$0xFFFFFF20];
	v3 =	vadd.f32 v3, v7;
	v7 =	vmax.f32 v8, v43  }
0x1f1: {  	v62 =	vperm.xlane v30, v62;
	[tilespmem:s19+$0xB0] =	vst v14;
	v42 =	vld [tilespmem:s19+$0xFFFFFEE0];
	v7 =	vmul.f32 $1.442695020e+00, v7  }
0x1f2: {  	v1 =	vimm.s32 $0xF;
	[tilespmem:s19+$0x50] =	vst v6;
	v44 =	vmul.f32 v10, v33;
	v10 =	vld [tilespmem:s19+$0xFFFFFEF0];
	v48 =	vmul.f32 $2.000000030e-01, v3  }
0x1f3: {  	[tilespmem:s19+$0xE0] =	vst v12;
	v30 =	vperm.xlane v30, v1;
	v11 =	vld [tilespmem:s19+$0x70];
	(erf) = vpow2.f32 v7  }
0x1f4: {  	[tilespmem:s19+$0x30] =	vst v13;
	v5 =	vmul.f32 v60, v5;
	v12 =	vmul.f32 v51, v39;
	v33 =	vld [tilespmem:s19+$0xFFFFFF90];
	v3 =	vmax.f32 v3, v48  }
0x1f5: {  	v49 =	vld [tilespmem:s19+$0xFFFFFF80];
	[tilespmem:s19+$0xF0] =	vst v38;
	v51 =	vmul.f32 v40, v54;
	v3 =	vmul.f32 $1.442695020e+00, v3  }
0x1f6: {  	[tilespmem:s19+$0x40] =	vst v47;
	v47 =	vld [tilespmem:s19+$0xFFFFFFB0];
	v39 =	vmul.f32 v26, v21;
	v54 =	vmul.f32 v46, v56  }
0x1f7: {  	[tilespmem:s19+$0x60] =	vst v34;
	v42 =	vmul.f32 v42, v18;
	v43 =	vld [tilespmem:s19+$0xFFFFFFA0];
	(erf) = vpow2.f32 v3  }
0x1f8: {  	v60 =	vimm.s32 $0x6;
	[tilespmem:s19+$0xC0] =	vst v44;
	v6 =	vmul.f32 v10, v36;
	v44 =	vmul.f32 v11, v17;
	v17 =	vld [tilespmem:s19+$0xFFFFFF30]  }
0x1f9: {  	v63 =	vld [tilespmem:$0x1FFE0];
	v21 =	vmovc v59;
	v59 =	vimm.s32 $0xD;
	[tilespmem:s19+$0xD0] =	vst v5;
	v13 =	vmul.f32 v33, v53;
	v36 =	vmul.f32 v25, v20  }
0x1fa: {  	v26 =	vld [tilespmem:s19+$0xFFFFFF40];
	v56 =	vimm.s32 $0xC;
	[tilespmem:s19+$0xFFFFFEE0] =	vst v42;
	v42 =	vmul.f32 v27, v22;
	v8 =	vmul.f32 v49, v52  }
0x1fb: {  	v0 =	vimm.s32 $0x0;
	v25 =	vld [tilespmem:s19+$0xFFFFFFC0];
	v20 =	vmovc v58;
	v52 =	vmul.f32 v47, v57;
	[tilespmem:s19+$0xFFFFFEF0] =	vst v6;
	v3 =	vmul.f32 v35, v32  }
0x1fc: {  	s20 =	sadd.s32 $0x2, s20;
	v58 =	vimm.s32 $0x5;
	v27 =	vld [tilespmem:s19+$0xFFFFFFD0];
	[tilespmem:s19+$0x70] =	vst v44;
	v44 =	vmul.f32 v28, v23;
	v53 =	vmul.f32 v43, v55;
	v32 =	vpop (erf)  }
0x1fd: {  	p0 =	slt.u32 s20, $0x26;
	v28 =	vld [tilespmem:s19+$0xFFFFFF50];
	[tilespmem:s19+$0xFFFFFF70] =	vst v3;
	v55 =	vmul.f32 v17, v45;
	v47 =	vperm.xlane v32, v0;
	v0 =	vimm.s32 $0x8  }
0x1fe: {  	s26 =	smov.u32 s21;
	s21 =	smov.u32 s19;
	v45 =	vmul.f32 v29, v24;
	v29 =	vld [tilespmem:s19+$0xFFFFFFE0];
	s19 =	sadd.s32 $0x240, s19;
	[tilespmem:v41+s11+$0x0] =	vst.idx.msk $0xffff, v32;
	v46 =	vperm.xlane v32, v0;
	v0 =	vimm.s32 $0x2  }
.Ltmp3:
0x1ff: {  	v22 =	vmovc v61;
	v61 =	vimm.s32 $0xE;
	v41 =	vld [tilespmem:s19+$0x100];
	v43 =	vperm.xlane v32, v0;
	v0 =	vimm.s32 $0xA;
	(pc) =	sbr.rel @p0 .LBB2_5-.Ltmp3, $4  }
0x200: {  	v24 =	vmov v30;
	[tilespmem:s21+$0xFFFFFF80] =	vst v8;
	v30 =	vpop (erf);
	v50 =	vld [tilespmem:s19+$0x0];
	v35 =	vperm.xlane v32, v0;
	v0 =	vimm.s32 $0x3  }
0x201: {  	v40 =	vperm.xlane v32, v2;
	[tilespmem:v31+s11+$0x0] =	vst.idx.msk $0xffff, v30;
	v49 =	vld [tilespmem:s19+$0x90];
	v38 =	vperm.xlane v32, v0;
	v0 =	vimm.s32 $0xB  }
0x202: {  	v37 =	vperm.xlane v32, v19;
	v48 =	vld [tilespmem:s19+$0x10];
	[tilespmem:s21+$0xFFFFFF00] =	vst v12;
	v33 =	vperm.xlane v32, v0;
	v0 =	vimm.s32 $0x4  }
0x203: {  	s14 =	sadd.s32 $0x4, s14;
	v57 =	vimm.s32 $0x7;
	v23 =	vmovc v62;
	v31 =	vperm.xlane v32, v1;
	[tilespmem:s21+$0xFFFFFF90] =	vst v13;
	v34 =	vperm.xlane v32, v0;
	v0 =	vld [tilespmem:$0x1FFD0]  }
0x204: {  	[tilespmem:s21+$0xFFFFFF10] =	vst v51  }
0x205: {  	[tilespmem:s21+$0xFFFFFFA0] =	vst v53  }
0x206: {  	[tilespmem:s21+$0xFFFFFF20] =	vst v54  }
0x207: {  	[tilespmem:s21+$0xFFFFFFB0] =	vst v52  }
0x208: {  	[tilespmem:s21+$0xFFFFFF30] =	vst v55  }
0x209: {  	[tilespmem:s26+$0xFFFFFFC0] =	vst v36  }
0x20a: {  	[tilespmem:s26+$0xFFFFFF40] =	vst v39  }
0x20b: {  	v3 =	vld [tilespmem:s19+$0xA0];
	[tilespmem:s26+$0xFFFFFFD0] =	vst v42  }
0x20c: {  	v4 =	vld [tilespmem:s19+$0x20];
	[tilespmem:s26+$0xFFFFFF50] =	vst v44;
	v5 =	vmul.f32 v41, v31  }
0x20d: {  	v6 =	vld [tilespmem:s19+$0xB0];
	[tilespmem:s26+$0xFFFFFFE0] =	vst v45;
	v11 =	vmul.f32 v50, v47  }
0x20e: {  	v7 =	vld [tilespmem:s19+$0x30];
	v14 =	vmul.f32 v49, v46;
	[tilespmem:s19+$0x100] =	vst v5  }
0x20f: {  	v8 =	vld [tilespmem:s19+$0x40];
	[tilespmem:s19+$0x0] =	vst v11;
	v16 =	vmul.f32 v48, v40  }
0x210: {  	v9 =	vld [tilespmem:s19+$0xD0];
	[tilespmem:s19+$0x90] =	vst v14;
	v3 =	vmul.f32 v3, v37  }
0x211: {  	v10 =	vld [tilespmem:s19+$0x50];
	v4 =	vmul.f32 v4, v43;
	[tilespmem:s19+$0x10] =	vst v16  }
0x212: {  	v12 =	vld [tilespmem:s19+$0xE0];
	v6 =	vmul.f32 v6, v35;
	[tilespmem:s19+$0xA0] =	vst v3  }
0x213: {  	v53 =	vld [tilespmem:s19+$0x70];
	v31 =	vperm.xlane v32, v56;
	v7 =	vmul.f32 v7, v38;
	[tilespmem:s19+$0x20] =	vst v4  }
0x214: {  	v55 =	vperm.xlane v32, v58;
	v8 =	vmul.f32 v8, v34;
	[tilespmem:s19+$0xB0] =	vst v6  }
0x215: {  	v62 =	vperm.xlane v32, v59;
	v41 =	vld [tilespmem:s19+$0xC0];
	v9 =	vmul.f32 v9, v31;
	[tilespmem:s19+$0x30] =	vst v7  }
0x216: {  	v48 =	vperm.xlane v32, v57;
	v10 =	vmul.f32 v10, v55;
	[tilespmem:s19+$0x40] =	vst v8  }
0x217: {  	v15 =	vld [tilespmem:s19+$0xFFFFFEE0];
	v12 =	vmul.f32 v12, v62;
	[tilespmem:s19+$0xD0] =	vst v9  }
0x218: {  	v13 =	vld [tilespmem:s19+$0x60];
	v14 =	vmul.f32 v53, v48;
	[tilespmem:s19+$0x50] =	vst v10  }
0x219: {  	v17 =	vld [tilespmem:s19+$0xFFFFFF70];
	v1 =	vimm.s32 $0x0;
	v34 =	vmul.f32 v29, v24;
	[tilespmem:s19+$0xE0] =	vst v12  }
0x21a: {  	v52 =	vld [tilespmem:s19+$0xF0];
	v31 =	vperm.xlane v30, v1;
	v5 =	vmul.f32 v41, v33;
	[tilespmem:s19+$0x70] =	vst v14  }
0x21b: {  	v18 =	vld [tilespmem:s19+$0xFFFFFEF0];
	v37 =	vperm.xlane v32, v60;
	v1 =	vimm.s32 $0x8;
	v33 =	vmul.f32 v28, v23;
	[tilespmem:s21+$0xFFFFFFE0] =	vst v34  }
0x21c: {  	v44 =	vperm.xlane v30, v1;
	v15 =	vmul.f32 v15, v31;
	[tilespmem:s19+$0xC0] =	vst v5  }
0x21d: {  	v54 =	vld [tilespmem:s19+$0xFFFFFF80];
	v1 =	vimm.s32 $0x1;
	v31 =	vperm.xlane v32, v61;
	v13 =	vmul.f32 v13, v37;
	[tilespmem:s21+$0xFFFFFF50] =	vst v33  }
0x21e: {  	v3 =	vld [tilespmem:s19+$0xFFFFFF00];
	v47 =	vperm.xlane v30, v1;
	v17 =	vmul.f32 v17, v44;
	[tilespmem:s19+$0xFFFFFEE0] =	vst v15  }
0x21f: {  	v4 =	vld [tilespmem:s19+$0xFFFFFF90];
	v1 =	vimm.s32 $0x9;
	v11 =	vmul.f32 v52, v31;
	[tilespmem:s19+$0x60] =	vst v13  }
0x220: {  	v31 =	vperm.xlane v30, v1;
	v18 =	vmul.f32 v18, v47;
	v1 =	vimm.s32 $0x2;
	[tilespmem:s19+$0xFFFFFF70] =	vst v17  }
0x221: {  	v6 =	vld [tilespmem:s19+$0xFFFFFF10];
	v50 =	vperm.xlane v30, v1;
	v1 =	vimm.s32 $0xA;
	v17 =	vmul.f32 v27, v22;
	[tilespmem:s19+$0xF0] =	vst v11  }
0x222: {  	v7 =	vld [tilespmem:s19+$0xFFFFFFA0];
	v52 =	vperm.xlane v30, v1;
	v16 =	vmul.f32 v54, v31;
	[tilespmem:s19+$0xFFFFFEF0] =	vst v18  }
0x223: {  	v36 =	vld [tilespmem:s19+$0xFFFFFFB0];
	v1 =	vimm.s32 $0x3;
	v3 =	vmul.f32 v3, v50;
	[tilespmem:s21+$0xFFFFFFD0] =	vst v17  }
0x224: {  	v38 =	vld [tilespmem:s19+$0xFFFFFF30];
	v18 =	vperm.xlane v30, v1;
	v1 =	vimm.s32 $0xB;
	v4 =	vmul.f32 v4, v52;
	[tilespmem:s19+$0xFFFFFF80] =	vst v16  }
0x225: {  	v54 =	vperm.xlane v30, v1;
	v16 =	vmul.f32 v25, v20;
	[tilespmem:s19+$0xFFFFFF00] =	vst v3  }
0x226: {  	v5 =	vld [tilespmem:s19+$0xFFFFFF20];
	v6 =	vmul.f32 v6, v18;
	v3 =	vperm.xlane v30, v56;
	[tilespmem:s19+$0xFFFFFF90] =	vst v4  }
0x227: {  	v49 =	vld [tilespmem:s19+$0xFFFFFFD0];
	v62 =	vperm.xlane v30, v58;
	v7 =	vmul.f32 v7, v54;
	[tilespmem:s21+$0xFFFFFFC0] =	vst v16  }
0x228: {  	v45 =	vld [tilespmem:s19+$0xFFFFFFC0];
	v1 =	vimm.s32 $0x4;
	[tilespmem:s19+$0xFFFFFF10] =	vst v6;
	v3 =	vmul.f32 v36, v3  }
0x229: {  	v46 =	vld [tilespmem:s19+$0xFFFFFF40];
	v55 =	vperm.xlane v30, v1;
	v4 =	vmul.f32 v38, v62;
	[tilespmem:s19+$0xFFFFFFA0] =	vst v7  }
0x22a: {  	v51 =	vld [tilespmem:s19+$0xFFFFFF50];
	v35 =	vperm.xlane v30, v61;
	[tilespmem:s19+$0xFFFFFFB0] =	vst v3;
	v3 =	vmul.f32 v26, v21  }
0x22b: {  	v53 =	vld [tilespmem:s19+$0xFFFFFFE0];
	v32 =	vperm.xlane v30, v59;
	v5 =	vmul.f32 v5, v55;
	[tilespmem:s19+$0xFFFFFF30] =	vst v4  }
0x22c: {  	v4 =	vmul.f32 v49, v35;
	[tilespmem:s21+$0xFFFFFF40] =	vst v3;
	v3 =	vperm.xlane v30, v60  }
0x22d: {  	v1 =	vimm.s32 $0xF;
	v36 =	vperm.xlane v30, v57;
	[tilespmem:s19+$0xFFFFFF20] =	vst v5;
	v5 =	vmul.f32 v45, v32  }
0x22e: {  	v37 =	vperm.xlane v30, v1;
	[tilespmem:s19+$0xFFFFFFD0] =	vst v4;
	v3 =	vmul.f32 v46, v3  }
0x22f: {  	v39 =	vmul.f32 v51, v36;
	[tilespmem:s19+$0xFFFFFFC0] =	vst v5  }
0x230: {  	[tilespmem:s19+$0xFFFFFF40] =	vst v3;
	v3 =	vmul.f32 v53, v37  }
0x231: {  	[tilespmem:s19+$0xFFFFFF50] =	vst v39  }
0x232: {  	[tilespmem:s19+$0xFFFFFFE0] =	vst v3  }
0x233: {  	[spmem:s1] =	stream.indirect.scatter.add.f32 [tilespmem:s11], [sflag:$0x7], $0x90, s4, s30, $0xb8;
	[tilespmem:$0x1FC60] =	vst v63  }
0x234: {  	_ =	swait.ge [sflag:s24], $0x2D00  }
0x235: {  	p0 =	seq.s32 s29, $0x29;
	[sflag:s24] =	ssyncset.done $0x0  }
0x236: {  	s2 =	simm.s32 @p0 $0x6;
	[sflag:s24] =	ssyncadd.s32 $0xFFFFD300  }
0x237: {  	_ =	swait.ge @p0 [sflag:s2], $0x2D00  }
0x238: {  	[sflag:s2] =	ssyncset.done @p0 $0x0  }
0x239: {  	[sflag:s2] =	ssyncadd.s32 @p0 $0xFFFFD300  }
0x23a: {  	s14 =	rddreg [dreg:$0xf];
	_ =	swait.ge @p0 [sflag:s2], $0x500  }
0x23b: {  	s14 =	sadd.s32 @!p0 s12, s14;
	[sflag:s2] =	ssyncset.done @p0 $0x0  }
0x23c: {  	s14 =	smul.u32 @!p0 $0xA, s14;
	[sflag:s2] =	ssyncadd.s32 @p0 $0xFFFFFB00  }
0x23d: {  	s2 =	rddreg [dreg:$0x1]  }
0x23e: {  	s19 =	simm.s32 @!p0 $0x0;
	s2 =	sadd.s32 @!p0 s2, s14  }
0x23f: {  	[tilespmem:s19], [sflag:$0x1] =	stream.linear.gather @!p0 [hbm4b:s2+s19], $0x50, $0x38;
	[tilespmem:$0x1FC60] =	vst v63  }
0x240: {  	s20 =	simm.s32 @!p0 $0xF0;
	s2 =	sadd.s32 @!p0 s8, s14  }
0x241: {  	[tilespmem:s20], [sflag:$0x1] =	stream.linear.gather @!p0 [hbm4b:s2+s19], $0x50, $0x38;
	[tilespmem:$0x1FC60] =	vst v63  }
0x242: {  	s2 =	sadd.s32 @!p0 s3, s14;
	s14 =	simm.s32 @!p0 $0x1E0  }
0x243: {  	[tilespmem:s14], [sflag:$0x1] =	stream.linear.gather @!p0 [hbm4b:s2+s19], $0x50, $0x38;
	[tilespmem:$0x1FC60] =	vst v63  }
0x244: {  	s2 =	simm.s32 @!p0 $0x6  }
0x245: {  	_ =	swait.ge @!p0 [sflag:s2], $0x2D00  }
0x246: {  	[sflag:s2] =	ssyncset.done @!p0 $0x0  }
0x247: {  	[sflag:s2] =	ssyncadd.s32 @!p0 $0xFFFFD300  }
0x248: {  	_ =	swait.ge @!p0 [sflag:s2], $0x500  }
0x249: {  	[sflag:s2] =	ssyncset.done @!p0 $0x0  }
0x24a: {  	[sflag:s2] =	ssyncadd.s32 @!p0 $0xFFFFFB00;
	s2 =	simm.s32 @!p0 $0x1  }
0x24b: {  	_ =	swait.ge @!p0 [sflag:s2], $0x50  }
0x24c: {  	[sflag:s2] =	ssyncset.done @!p0 $0x0  }
0x24d: {  	[sflag:s2] =	ssyncadd.s32 @!p0 $0xFFFFFFB0  }
0x24e: {  	_ =	swait.ge @!p0 [sflag:s2], $0x50  }
0x24f: {  	[sflag:s2] =	ssyncset.done @!p0 $0x0  }
0x250: {  	[sflag:s2] =	ssyncadd.s32 @!p0 $0xFFFFFFB0  }
0x251: {  	_ =	swait.ge @!p0 [sflag:s2], $0x50  }
0x252: {  	v1 =	vld [tilespmem:$0x1FFF0]  }
0x253: {  	s26 =	simm.s32 $0x2  }
0x254: {  	v3 =	vor.u32 s26, v63  }
0x255: {  	v40 =	vmul.u32 $0x90, v3;
	v43 =	vshll.u32 v3, $0x4;
	[sflag:s2] =	ssyncset.done @!p0 $0x0  }
0x256: {  	v5 =	vor.u32 v0, v43;
	s14 =	simm.s32 @!p0 $0x2D0;
	[sflag:s2] =	ssyncadd.s32 @!p0 $0xFFFFFFB0;
	s2 =	simm.s32 @!p0 $0x50  }
0x257: {  	[tilespmem:s14], [sflag:$0x4] =	stream.indirect.gather @!p0 [hbm4b:s6+s2], $0x90, s19, s2, $0xb8;
	v4 =	vadd.s32 v1, v40;
	[tilespmem:$0x1FC60] =	vst v63  }
0x258: {  	s14 =	simm.s32 @!p0 $0x89D0  }
0x259: {  	v2 =	vld [tilespmem:$0x1FFC0];
	[tilespmem:s14], [sflag:$0x4] =	stream.indirect.gather @!p0 [hbm4b:s7+s2], $0x10, s20, s2, $0xb8  }
0x25a: {  	v3 =	vld.idx.msk [tilespmem:v3+s16+$0x0], $0xffff  }
0x25b: {  	v5 =	vld.idx.msk [tilespmem:v5+s23+$0x0], $0xffff  }
0x25c: {  	v44 =	vld.idx.msk [tilespmem:v4+s22+$0x0], $0xffff;
	_ =	sdelay $0x4  }
0x25d: {  	v3 =	vmul.f32 v3, v2;
	v5 =	vadd.f32 v5, v44  }
0x25e: {  	s20 =	simm.s32 $0x0  }
0x25f: {  	v45 =	vor.u32 s20, v63;
	v3 =	vadd.f32 v3, v5  }
0x260: {  	v46 =	vmul.u32 $0x90, v45  }
0x261: {  	v5 =	vmul.f32 $2.000000030e-01, v3  }
0x262: {  	v7 =	vadd.s32 v1, v46  }
0x263: {  	v47 =	vshll.u32 v45, $0x4;
	v3 =	vmax.f32 v3, v5  }
0x264: {  	v5 =	vor.u32 v0, v47;
	v3 =	vmul.f32 $1.442695020e+00, v3;
	_ =	sdelay $0x1  }
0x265: {  	(erf) = vpow2.f32 v3  }
0x266: {  	v48 =	vld.idx.msk [tilespmem:v7+s22+$0x0], $0xffff  }
0x267: {  	s21 =	simm.s32 $0x4;
	v3 =	vld.idx.msk [tilespmem:v45+s16+$0x0], $0xffff  }
0x268: {  	v51 =	vor.u32 s21, v63;
	v5 =	vld.idx.msk [tilespmem:v5+s23+$0x0], $0xffff  }
0x269: {  	v9 =	vshll.u32 v51, $0x4  }
0x26a: {  	v9 =	vor.u32 v0, v9  }
0x26b: {  	v20 =	vmul.u32 $0x90, v51;
	s14 =	simm.s32 $0x6  }
0x26c: {  	v53 =	vor.u32 s14, v63  }
0x26d: {  	v20 =	vadd.s32 v1, v20;
	v3 =	vmul.f32 v3, v2;
	v5 =	vadd.f32 v5, v48  }
0x26e: {  	v16 =	vld.idx.msk [tilespmem:v51+s16+$0x0], $0xffff;
	v8 =	vpop (erf)  }
0x26f: {  	s26 =	simm.s32 $0x5DF0;
	v9 =	vld.idx.msk [tilespmem:v9+s23+$0x0], $0xffff;
	v3 =	vadd.f32 v3, v5;
	[tilespmem:v4+s22+$0x0] =	vst.idx.msk $0xffff, v8  }
0x270: {  	v4 =	vld [tilespmem:s26+$0x100]  }
0x271: {  	v14 =	vld.idx.msk [tilespmem:v53+s16+$0x0], $0xffff;
	v49 =	vmul.f32 $2.000000030e-01, v3  }
0x272: {  	v38 =	vimm.s32 $0xF;
	v32 =	vld.idx.msk [tilespmem:v20+s22+$0x0], $0xffff  }
0x273: {  	v50 =	vperm.xlane v8, v38;
	v5 =	vld [tilespmem:s26+$0x0];
	v3 =	vmax.f32 v3, v49  }
0x274: {  	v6 =	vld [tilespmem:s26+$0x90];
	v3 =	vmul.f32 $1.442695020e+00, v3  }
0x275: {  	v54 =	vmul.u32 $0x90, v53;
	v55 =	vshll.u32 v53, $0x4;
	v10 =	vld [tilespmem:s26+$0x10];
	v4 =	vmul.f32 v4, v50  }
0x276: {  	v12 =	vld [tilespmem:s26+$0xA0];
	(erf) = vpow2.f32 v3;
	v3 =	vor.u32 v0, v55  }
0x277: {  	v13 =	vld [tilespmem:s26+$0x20];
	[tilespmem:s26+$0x100] =	vst v4;
	v4 =	vadd.s32 v1, v54  }
0x278: {  	v11 =	vld [tilespmem:s26+$0xB0]  }
0x279: {  	v17 =	vld [tilespmem:s26+$0x30]  }
0x27a: {  	v42 =	vimm.s32 $0x9;
	v19 =	vimm.s32 $0xB;
	v15 =	vld [tilespmem:s26+$0xC0]  }
0x27b: {  	v41 =	vimm.s32 $0x1;
	v27 =	vimm.s32 $0x0;
	v16 =	vmul.f32 v16, v2;
	v3 =	vld.idx.msk [tilespmem:v3+s23+$0x0], $0xffff  }
0x27c: {  	v62 =	vimm.s32 $0x8;
	v14 =	vmul.f32 v14, v2;
	v21 =	vperm.xlane v8, v27;
	v25 =	vld.idx.msk [tilespmem:v4+s22+$0x0], $0xffff  }
0x27d: {  	v52 =	vimm.s32 $0x2;
	v22 =	vperm.xlane v8, v62;
	v23 =	vperm.xlane v8, v41;
	v18 =	vld [tilespmem:s26+$0x40]  }
0x27e: {  	v53 =	vimm.s32 $0xA;
	v24 =	vperm.xlane v8, v42;
	v26 =	vperm.xlane v8, v52;
	v34 =	vld [tilespmem:s26+$0xD0]  }
0x27f: {  	v28 =	vperm.xlane v8, v53;
	v30 =	vperm.xlane v8, v19;
	v35 =	vld [tilespmem:s26+$0x50]  }
0x280: {  	v37 =	vperm.xlane v8, v58;
	v39 =	vperm.xlane v8, v59;
	v38 =	vld [tilespmem:s26+$0x60]  }
0x281: {  	v5 =	vmul.f32 v5, v21;
	v21 =	vld [tilespmem:s26+$0xE0];
	v6 =	vmul.f32 v6, v22;
	v36 =	vpop (erf);
	v3 =	vadd.f32 v3, v25  }
0x282: {  	v22 =	vld [tilespmem:s26+$0xF0];
	v10 =	vmul.f32 v10, v23;
	v12 =	vmul.f32 v12, v24;
	[tilespmem:v7+s22+$0x0] =	vst.idx.msk $0xffff, v36  }
0x283: {  	v13 =	vmul.f32 v13, v26;
	v11 =	vmul.f32 v11, v28;
	v33 =	vld [tilespmem:s26+$0xFFFFFEE0];
	v3 =	vadd.f32 v14, v3  }
0x284: {  	v15 =	vmul.f32 v15, v30;
	v40 =	vperm.xlane v36, v62;
	v62 =	vld [tilespmem:s26+$0xFFFFFF70]  }
0x285: {  	v54 =	vimm.s32 $0x3;
	[tilespmem:s26+$0x90] =	vst v6;
	v6 =	vperm.xlane v36, v27;
	v47 =	vld [tilespmem:s26+$0xFFFFFEF0];
	v27 =	vmul.f32 $2.000000030e-01, v3  }
0x286: {  	v29 =	vperm.xlane v8, v54;
	v43 =	vperm.xlane v36, v52;
	v50 =	vld [tilespmem:s26+$0xFFFFFF80]  }
0x287: {  	v46 =	vperm.xlane v36, v54;
	v48 =	vperm.xlane v36, v19;
	v52 =	vld [tilespmem:s26+$0xFFFFFF00];
	v3 =	vmax.f32 v3, v27  }
0x288: {  	v55 =	vimm.s32 $0x4;
	v19 =	vperm.xlane v36, v59;
	v54 =	vld [tilespmem:s26+$0xFFFFFF90];
	v3 =	vmul.f32 $1.442695020e+00, v3  }
0x289: {  	v31 =	vperm.xlane v8, v55;
	[tilespmem:s26+$0x0] =	vst v5;
	v5 =	vperm.xlane v8, v60;
	v14 =	vld [tilespmem:s26+$0x70]  }
0x28a: {  	(erf) = vpow2.f32 v3;
	v3 =	vld [tilespmem:s26+$0xFFFFFF10];
	[tilespmem:$0x1FE70] =	vst v19;
	v19 =	vperm.xlane v36, v60  }
0x28b: {  	v9 =	vadd.f32 v9, v32;
	v18 =	vmul.f32 v18, v31;
	v32 =	vperm.xlane v36, v61;
	v23 =	vld [tilespmem:s26+$0xFFFFFFA0]  }
0x28c: {  	v5 =	vmul.f32 v38, v5;
	v6 =	vmul.f32 v33, v6;
	v24 =	vld [tilespmem:s26+$0xFFFFFF20];
	[tilespmem:$0x1FE80] =	vst v19  }
0x28d: {  	v17 =	vmul.f32 v17, v29;
	v40 =	vmul.f32 v62, v40;
	v26 =	vld [tilespmem:s26+$0xFFFFFFB0];
	[tilespmem:$0x1FE90] =	vst v32  }
0x28e: {  	v21 =	vmul.f32 v21, v39;
	v7 =	vperm.xlane v8, v56;
	[tilespmem:s26+$0xFFFFFEE0] =	vst v6  }
0x28f: {  	v41 =	vperm.xlane v36, v41;
	v42 =	vperm.xlane v36, v42;
	[tilespmem:s26+$0xFFFFFF70] =	vst v40  }
0x290: {  	v9 =	vadd.f32 v16, v9;
	v45 =	vperm.xlane v36, v53;
	v49 =	vperm.xlane v36, v55;
	[tilespmem:s26+$0x10] =	vst v10  }
0x291: {  	v51 =	vperm.xlane v36, v56;
	v53 =	vperm.xlane v36, v58;
	[tilespmem:s26+$0xA0] =	vst v12  }
0x292: {  	s20 =	simm.s32 $0xA;
	v28 =	vimm.s32 $0xA;
	v55 =	vmul.f32 $2.000000030e-01, v9;
	v30 =	vperm.xlane v36, v57;
	[tilespmem:s26+$0x20] =	vst v13  }
0x293: {  	v25 =	vperm.xlane v8, v61;
	v16 =	vld [tilespmem:s26+$0xFFFFFF30];
	v12 =	vmul.f32 v52, v43;
	[tilespmem:s26+$0xB0] =	vst v11;
	v43 =	vor.u32 s20, v63  }
0x294: {  	v8 =	vperm.xlane v8, v57;
	v9 =	vmax.f32 v9, v55;
	v47 =	vmul.f32 v47, v41;
	v33 =	vld [tilespmem:s26+$0xFFFFFFC0];
	[tilespmem:s26+$0x30] =	vst v17  }
0x295: {  	v9 =	vmul.f32 $1.442695020e+00, v9;
	v22 =	vmul.f32 v22, v25;
	v19 =	vimm.s32 $0xF;
	v32 =	vld [tilespmem:s26+$0xFFFFFF40];
	[tilespmem:s26+$0xC0] =	vst v15  }
0x296: {  	v31 =	vimm.s32 $0x0;
	v62 =	vperm.xlane v36, v19;
	v6 =	vmul.f32 v34, v7;
	v34 =	vld [tilespmem:s26+$0xFFFFFFD0];
	[tilespmem:s26+$0xFFFFFEF0] =	vst v47  }
0x297: {  	v29 =	vimm.s32 $0xB;
	v7 =	vmul.f32 v35, v37;
	v35 =	vld [tilespmem:s26+$0xFFFFFF50];
	v10 =	vmul.f32 v50, v42;
	[tilespmem:s26+$0x40] =	vst v18;
	v36 =	vpop (erf)  }
0x298: {  	s21 =	simm.s32 $0x6030;
	v50 =	vshll.u32 v43, $0x4;
	v11 =	vmul.f32 v24, v49;
	v49 =	vmul.u32 $0x90, v43;
	v43 =	vld.idx.msk [tilespmem:v43+s16+$0x0], $0xffff;
	[tilespmem:v4+s22+$0x0] =	vst.idx.msk $0xffff, v36  }
0x299: {  	v25 =	vmul.f32 v54, v45;
	[tilespmem:s26+$0xE0] =	vst v21;
	v13 =	vmul.f32 v3, v46;
	v3 =	vimm.s32 $0x8;
	v55 =	vld [tilespmem:s21+$0x100]  }
0x29a: {  	s19 =	simm.s32 $0x8;
	[tilespmem:s26+$0x60] =	vst v5;
	v27 =	vmul.f32 v23, v48;
	v47 =	vor.u32 v0, v50;
	v4 =	vmul.f32 v14, v8;
	v14 =	vld [tilespmem:s21+$0x0]  }
0x29b: {  	[tilespmem:s26+$0xF0] =	vst v22;
	v17 =	vmul.f32 v26, v51;
	v26 =	vor.u32 s19, v63;
	v40 =	vadd.s32 v1, v49;
	v39 =	vld [tilespmem:s21+$0x90]  }
0x29c: {  	[tilespmem:s26+$0xFFFFFF90] =	vst v25;
	(erf) = vpow2.f32 v9;
	v16 =	vmul.f32 v16, v53;
	v53 =	vimm.s32 $0x1;
	v23 =	vld [tilespmem:s21+$0x10]  }
0x29d: {  	[tilespmem:s26+$0xD0] =	vst v6;
	v46 =	vmul.u32 $0x90, v26;
	v24 =	vperm.xlane v36, v19;
	v15 =	vperm.xlane v36, v31;
	v41 =	vld [tilespmem:s21+$0xA0]  }
0x29e: {  	[tilespmem:s26+$0x50] =	vst v7;
	v52 =	vshll.u32 v26, $0x4;
	v9 =	vperm.xlane v36, v3;
	v45 =	vperm.xlane v36, v53;
	v42 =	vld [tilespmem:s21+$0x20]  }
0x29f: {  	[tilespmem:s26+$0xFFFFFF80] =	vst v10;
	v19 =	vimm.s32 $0x2;
	v6 =	vperm.xlane v36, v28;
	v51 =	vperm.xlane v36, v56;
	v44 =	vld [tilespmem:s21+$0x30]  }
0x2a0: {  	[tilespmem:s26+$0xFFFFFF00] =	vst v12;
	v49 =	vor.u32 v0, v52;
	v5 =	vperm.xlane v36, v58;
	v52 =	vperm.xlane v36, v59;
	v50 =	vld [tilespmem:s21+$0x40]  }
0x2a1: {  	v22 =	vperm.xlane v36, v60;
	v10 =	vperm.xlane v36, v61;
	v38 =	vadd.s32 v1, v46;
	v47 =	vld.idx.msk [tilespmem:v47+s23+$0x0], $0xffff  }
0x2a2: {  	[tilespmem:s26+$0xFFFFFF10] =	vst v13;
	v18 =	vperm.xlane v36, v19;
	v1 =	vimm.s32 $0x3;
	v46 =	vperm.xlane v36, v29;
	v26 =	vld.idx.msk [tilespmem:v26+s16+$0x0], $0xffff  }
0x2a3: {  	[tilespmem:s26+$0xFFFFFFA0] =	vst v27;
	v7 =	vperm.xlane v36, v1;
	v25 =	vmul.f32 v43, v2;
	v43 =	vld [tilespmem:s21+$0x60]  }
0x2a4: {  	[tilespmem:s26+$0xFFFFFF20] =	vst v11;
	v8 =	vmul.f32 v55, v24;
	v24 =	vld [tilespmem:s21+$0xB0];
	v14 =	vmul.f32 v14, v15  }
0x2a5: {  	v54 =	vimm.s32 $0x9;
	[tilespmem:s26+$0x70] =	vst v4;
	v15 =	vld.idx.msk [tilespmem:v40+s22+$0x0], $0xffff;
	v4 =	vmul.f32 v39, v9;
	v23 =	vmul.f32 v23, v45  }
0x2a6: {  	[tilespmem:s26+$0xFFFFFFB0] =	vst v17;
	v55 =	vimm.s32 $0x4;
	v9 =	vld.idx.msk [tilespmem:v38+s22+$0x0], $0xffff;
	v18 =	vmul.f32 v42, v18;
	v7 =	vmul.f32 v44, v7  }
0x2a7: {  	v45 =	vld.idx.msk [tilespmem:v49+s23+$0x0], $0xffff;
	v21 =	vperm.xlane v36, v55;
	[tilespmem:s21+$0x100] =	vst v8;
	v8 =	vperm.xlane v36, v54  }
0x2a8: {  	[tilespmem:s26+$0xFFFFFF30] =	vst v16;
	v42 =	vld [tilespmem:s21+$0x50];
	v39 =	vpop (erf);
	v36 =	vperm.xlane v36, v57;
	v44 =	vmul.f32 v26, v2  }
0x2a9: {  	v48 =	vld [tilespmem:s21+$0xC0];
	[tilespmem:v20+s22+$0x0] =	vst.idx.msk $0xffff, v39;
	v20 =	vperm.xlane v39, v31;
	v12 =	vperm.xlane v39, v3  }
0x2aa: {  	v37 =	vld [tilespmem:s26+$0xFFFFFFE0];
	[tilespmem:s21+$0x0] =	vst v14;
	v3 =	vperm.xlane v39, v53;
	v21 =	vmul.f32 v50, v21  }
0x2ab: {  	v26 =	vld [tilespmem:s21+$0xF0];
	[tilespmem:s21+$0x10] =	vst v23;
	v50 =	vmul.f32 v43, v22;
	v23 =	vperm.xlane v39, v28  }
0x2ac: {  	[tilespmem:s21+$0x30] =	vst v7;
	v7 =	vperm.xlane v39, v55;
	v15 =	vadd.f32 v47, v15;
	v6 =	vmul.f32 v24, v6;
	v24 =	vld [tilespmem:s21+$0xE0]  }
0x2ad: {  	[tilespmem:s21+$0x20] =	vst v18;
	v8 =	vmul.f32 v41, v8;
	v41 =	vld [tilespmem:s21+$0xD0];
	v9 =	vadd.f32 v45, v9;
	v5 =	vmul.f32 v42, v5  }
0x2ae: {  	v18 =	vld [tilespmem:s21+$0xFFFFFF00];
	[tilespmem:s21+$0x40] =	vst v21;
	v21 =	vperm.xlane v39, v60;
	v53 =	vadd.f32 v25, v15;
	v15 =	vmul.f32 v48, v46  }
0x2af: {  	[tilespmem:s21+$0x90] =	vst v4;
	v47 =	vld [tilespmem:s21+$0xFFFFFEE0];
	v25 =	vperm.xlane v39, v54;
	v46 =	vadd.f32 v44, v9;
	v9 =	vperm.xlane v39, v19  }
0x2b0: {  	[tilespmem:s21+$0x60] =	vst v50;
	v10 =	vmul.f32 v26, v10;
	v26 =	vld [tilespmem:s21+$0xFFFFFEF0];
	v45 =	vmul.f32 $2.000000030e-01, v53  }
0x2b1: {  	[tilespmem:s21+$0xB0] =	vst v6;
	v6 =	vperm.xlane v39, v29;
	v17 =	vmul.f32 v24, v52;
	v24 =	vld [tilespmem:s21+$0x70]  }
0x2b2: {  	[tilespmem:s21+$0xA0] =	vst v8;
	v44 =	vmul.f32 v35, v30;
	v11 =	vmul.f32 v41, v51;
	v14 =	vmax.f32 v53, v45;
	v53 =	vld [tilespmem:s21+$0xFFFFFF80]  }
0x2b3: {  	v54 =	vld [tilespmem:s21+$0xFFFFFF10];
	[tilespmem:s21+$0x50] =	vst v5;
	v22 =	vmul.f32 $2.000000030e-01, v46;
	v14 =	vmul.f32 $1.442695020e+00, v14  }
0x2b4: {  	v51 =	vld [tilespmem:s21+$0xFFFFFF70];
	[tilespmem:s21+$0xC0] =	vst v15;
	v15 =	vperm.xlane v39, v56;
	v5 =	vmul.f32 v18, v9  }
0x2b5: {  	v13 =	vmul.f32 v47, v20;
	v47 =	vld [tilespmem:s21+$0xFFFFFFB0];
	v4 =	vmax.f32 v46, v22;
	[tilespmem:s21+$0xD0] =	vst v11;
	(erf) = vpow2.f32 v14  }
0x2b6: {  	v4 =	vmul.f32 $1.442695020e+00, v4;
	[tilespmem:s21+$0xE0] =	vst v17;
	v43 =	vmul.f32 v24, v36;
	v24 =	vld [tilespmem:s21+$0xFFFFFF90]  }
0x2b7: {  	v52 =	vperm.xlane v39, v1;
	v11 =	vmul.f32 v53, v25;
	v53 =	vld [tilespmem:$0x1FE70];
	[tilespmem:s21+$0xFFFFFEE0] =	vst v13  }
0x2b8: {  	v55 =	vld [tilespmem:s21+$0xFFFFFFA0];
	v20 =	vperm.xlane v39, v59;
	(erf) = vpow2.f32 v4;
	[tilespmem:s21+$0xF0] =	vst v10  }
0x2b9: {  	v12 =	vmul.f32 v51, v12;
	v51 =	vmul.f32 v54, v52;
	v54 =	vld [tilespmem:$0x1FE80]  }
0x2ba: {  	v45 =	vperm.xlane v39, v58;
	v46 =	vld [tilespmem:s21+$0xFFFFFF20];
	v22 =	vperm.xlane v39, v61  }
0x2bb: {  	v31 =	vimm.s32 $0xA;
	v27 =	vld [tilespmem:s21+$0xFFFFFFD0];
	v3 =	vmul.f32 v26, v3;
	v52 =	vmul.f32 v47, v15  }
0x2bc: {  	v28 =	vld [tilespmem:s21+$0xFFFFFF50];
	v8 =	vimm.s32 $0xF;
	v17 =	vmul.f32 v24, v23;
	v23 =	vperm.xlane v39, v57  }
0x2bd: {  	v48 =	vimm.s32 $0x2;
	v9 =	vld [tilespmem:s21+$0xFFFFFF30];
	v24 =	vperm.xlane v39, v8;
	v36 =	vmul.f32 v33, v53  }
0x2be: {  	v53 =	vmul.f32 v55, v6;
	v55 =	vld [tilespmem:$0x1FE90];
	[tilespmem:s21+$0xFFFFFEF0] =	vst v3;
	v3 =	vimm.s32 $0x0;
	v39 =	vmul.f32 v32, v54;
	v32 =	vpop (erf)  }
0x2bf: {  	v19 =	vimm.s32 $0x3;
	v29 =	vld [tilespmem:s21+$0xFFFFFFE0];
	[tilespmem:s21+$0xFFFFFF70] =	vst v12;
	v54 =	vmul.f32 v46, v7;
	v47 =	vperm.xlane v32, v3  }
0x2c0: {  	v1 =	vimm.s32 $0xB;
	v26 =	vld [tilespmem:s21+$0xFFFFFF40];
	[tilespmem:s21+$0x70] =	vst v43;
	v43 =	vperm.xlane v32, v48;
	v35 =	vperm.xlane v32, v31  }
0x2c1: {  	s19 =	simm.s32 $0x6270;
	v25 =	vld [tilespmem:s21+$0xFFFFFFC0];
	[tilespmem:v40+s22+$0x0] =	vst.idx.msk $0xffff, v32;
	v3 =	vimm.s32 $0x8;
	v30 =	vpop (erf);
	v33 =	vperm.xlane v32, v1;
	v31 =	vperm.xlane v32, v8  }
0x2c2: {  	v49 =	vimm.s32 $0x9;
	v46 =	vperm.xlane v32, v3;
	v41 =	vld [tilespmem:s19+$0x100];
	[tilespmem:v38+s22+$0x0] =	vst.idx.msk $0xffff, v30;
	v38 =	vperm.xlane v32, v19  }
0x2c3: {  	[tilespmem:s21+$0xFFFFFF80] =	vst v11;
	v3 =	vimm.s32 $0x1;
	v50 =	vld [tilespmem:s19+$0x0];
	v42 =	vmul.f32 v34, v55;
	v55 =	vmul.f32 v9, v45  }
0x2c4: {  	v2 =	vimm.s32 $0x4;
	[tilespmem:s21+$0xFFFFFF00] =	vst v5;
	v48 =	vld [tilespmem:s19+$0x10];
	v45 =	vmul.f32 v37, v62;
	v40 =	vperm.xlane v32, v3  }
0x2c5: {  	s14 =	simm.s32 $0xC;
	s20 =	simm.s32 $0x4;
	[tilespmem:s21+$0xFFFFFF90] =	vst v17;
	v37 =	vperm.xlane v32, v49;
	v49 =	vld [tilespmem:s19+$0x90];
	v34 =	vperm.xlane v32, v2  }
.LBB2_7:
0x2c6: {  	v5 =	vperm.xlane v32, v56;
	v1 =	vld [tilespmem:$0x1FFF0]  }
0x2c7: {  	v6 =	vperm.xlane v32, v58;
	v15 =	vperm.xlane v32, v60  }
0x2c8: {  	s2 =	sadd.s32 $0x2, s14;
	v16 =	vperm.xlane v32, v61;
	v17 =	vperm.xlane v32, v57;
	v3 =	vor.u32 s14, v63  }
0x2c9: {  	v4 =	vld [tilespmem:s19+$0xA0];
	[tilespmem:s21+$0xFFFFFFA0] =	vst v53;
	v19 =	vimm.s32 $0x9;
	v8 =	vor.u32 s2, v63;
	v7 =	vmul.u32 $0x90, v3  }
0x2ca: {  	v9 =	vld [tilespmem:s19+$0x20];
	[tilespmem:s21+$0xFFFFFF10] =	vst v51;
	v10 =	vmul.f32 v41, v31;
	v47 =	vmul.f32 v50, v47;
	v11 =	vshll.u32 v3, $0x4  }
0x2cb: {  	v14 =	vld [tilespmem:s19+$0xB0];
	[tilespmem:s21+$0xFFFFFF20] =	vst v54;
	v12 =	vmul.u32 $0x90, v8;
	v13 =	vshll.u32 v8, $0x4;
	v31 =	vadd.s32 v1, v7  }
0x2cc: {  	[tilespmem:s21+$0xFFFFFFB0] =	vst v52;
	v51 =	vld [tilespmem:s19+$0x40];
	v7 =	vor.u32 v0, v11;
	v11 =	vor.u32 v0, v13;
	v0 =	vimm.s32 $0x0  }
0x2cd: {  	v50 =	vld [tilespmem:s19+$0xE0];
	[tilespmem:s19+$0x100] =	vst v10;
	v41 =	vadd.s32 v1, v12;
	v18 =	vperm.xlane v30, v0;
	v0 =	vimm.s32 $0x8  }
0x2ce: {  	v12 =	vperm.xlane v32, v59;
	v3 =	vld.idx.msk [tilespmem:v3+s16+$0x0], $0xffff;
	[tilespmem:s21+$0xFFFFFF30] =	vst v55;
	v32 =	vperm.xlane v30, v0;
	v0 =	vimm.s32 $0x2  }
0x2cf: {  	v61 =	vimm.s32 $0xE;
	v13 =	vld [tilespmem:s19+$0x30];
	[tilespmem:s26+$0xFFFFFF40] =	vst v39;
	v39 =	vperm.xlane v30, v0;
	v0 =	vimm.s32 $0xA  }
0x2d0: {  	v62 =	vimm.s32 $0x7;
	v8 =	vld.idx.msk [tilespmem:v8+s16+$0x0], $0xffff;
	v53 =	vperm.xlane v30, v0;
	v0 =	vimm.s32 $0x3  }
0x2d1: {  	v52 =	vperm.xlane v30, v19;
	[tilespmem:s26+$0xFFFFFFC0] =	vst v36;
	v11 =	vld.idx.msk [tilespmem:v11+s23+$0x0], $0xffff;
	v54 =	vperm.xlane v30, v0;
	v0 =	vimm.s32 $0xB  }
0x2d2: {  	v61 =	vperm.xlane v30, v61;
	[tilespmem:s26+$0xFFFFFFD0] =	vst v42;
	v42 =	vld.idx.msk [tilespmem:v41+s22+$0x0], $0xffff;
	v55 =	vperm.xlane v30, v0;
	v0 =	vimm.s32 $0x4  }
0x2d3: {  	v62 =	vperm.xlane v30, v62;
	[tilespmem:s26+$0xFFFFFF50] =	vst v44;
	v56 =	vperm.xlane v30, v0;
	v0 =	vld [tilespmem:$0x1FFC0]  }
0x2d4: {  	v63 =	vimm.s32 $0xC;
	v49 =	vmul.f32 v49, v46;
	v40 =	vmul.f32 v48, v40;
	v44 =	vld.idx.msk [tilespmem:v31+s22+$0x0], $0xffff;
	[tilespmem:s26+$0xFFFFFFE0] =	vst v45  }
0x2d5: {  	v57 =	vperm.xlane v30, v63;
	v4 =	vmul.f32 v4, v37;
	v7 =	vld.idx.msk [tilespmem:v7+s23+$0x0], $0xffff  }
0x2d6: {  	v2 =	vimm.s32 $0x1;
	v9 =	vmul.f32 v9, v43;
	v14 =	vmul.f32 v14, v35;
	v10 =	vld [tilespmem:s19+$0xC0]  }
0x2d7: {  	v46 =	vld [tilespmem:s19+$0x60];
	v36 =	vperm.xlane v30, v2;
	v45 =	vperm.xlane v30, v58;
	[tilespmem:s19+$0x0] =	vst v47  }
0x2d8: {  	v63 =	vld [tilespmem:s19+$0x50];
	v58 =	vperm.xlane v30, v59;
	[tilespmem:s19+$0x90] =	vst v49;
	v11 =	vadd.f32 v11, v42;
	v8 =	vmul.f32 v8, v0  }
0x2d9: {  	v48 =	vld [tilespmem:s19+$0xFFFFFEE0];
	v59 =	vperm.xlane v30, v60;
	v13 =	vmul.f32 v13, v38;
	[tilespmem:s19+$0xA0] =	vst v4  }
0x2da: {  	v60 =	vld [tilespmem:s19+$0xD0];
	[tilespmem:s19+$0x20] =	vst v9;
	v7 =	vadd.f32 v7, v44;
	v3 =	vmul.f32 v3, v0;
	v8 =	vadd.f32 v8, v11  }
0x2db: {  	v12 =	vmul.f32 v50, v12;
	v47 =	vld [tilespmem:s19+$0xF0];
	v4 =	vmul.f32 v10, v33;
	[tilespmem:s19+$0xB0] =	vst v14  }
0x2dc: {  	v10 =	vld [tilespmem:s19+$0xFFFFFEF0];
	v9 =	vmul.f32 v51, v34;
	[tilespmem:s19+$0x30] =	vst v13;
	v3 =	vadd.f32 v3, v7;
	v7 =	vmul.f32 $2.000000030e-01, v8  }
0x2dd: {  	v1 =	vimm.s32 $0xF;
	v6 =	vmul.f32 v63, v6;
	v14 =	vld [tilespmem:s19+$0xFFFFFF00];
	[tilespmem:s19+$0xC0] =	vst v4;
	v4 =	vmul.f32 v46, v15  }
0x2de: {  	v63 =	vld [tilespmem:$0x1FFE0];
	v30 =	vperm.xlane v30, v1;
	[tilespmem:s19+$0x40] =	vst v9;
	v9 =	vmul.f32 v48, v18;
	v7 =	vmax.f32 v8, v7  }
0x2df: {  	v49 =	vld [tilespmem:s19+$0xFFFFFF70];
	v18 =	vimm.s32 $0x2;
	[tilespmem:s19+$0x60] =	vst v4;
	v4 =	vimm.s32 $0x0;
	v7 =	vmul.f32 $1.442695020e+00, v7  }
0x2e0: {  	v13 =	vld [tilespmem:s19+$0xFFFFFF90];
	[tilespmem:s19+$0xFFFFFEE0] =	vst v9;
	v9 =	vimm.s32 $0xB;
	v5 =	vmul.f32 v60, v5;
	v51 =	vmul.f32 $2.000000030e-01, v3  }
0x2e1: {  	[tilespmem:s19+$0x50] =	vst v6;
	v60 =	vimm.s32 $0x6;
	v15 =	vmul.f32 v47, v16;
	v16 =	vld [tilespmem:s19+$0xFFFFFFA0];
	(erf) = vpow2.f32 v7  }
0x2e2: {  	[tilespmem:s19+$0xE0] =	vst v12;
	v6 =	vmul.f32 v10, v36;
	v12 =	vmul.f32 v14, v39;
	v11 =	vld [tilespmem:s19+$0x70];
	v3 =	vmax.f32 v3, v51  }
0x2e3: {  	v14 =	vld [tilespmem:s19+$0xFFFFFF30];
	v36 =	vmul.f32 v25, v20;
	v20 =	vmovc v58;
	v58 =	vimm.s32 $0x5;
	v3 =	vmul.f32 $1.442695020e+00, v3  }
0x2e4: {  	v39 =	vmul.f32 v26, v21;
	v21 =	vmovc v59;
	v59 =	vimm.s32 $0xD;
	v42 =	vmul.f32 v27, v22;
	v8 =	vld [tilespmem:s19+$0xFFFFFF80]  }
0x2e5: {  	[tilespmem:s19+$0x10] =	vst v40;
	v10 =	vld [tilespmem:s19+$0xFFFFFFB0];
	v22 =	vmovc v61;
	v61 =	vimm.s32 $0xE;
	v44 =	vmul.f32 v28, v23;
	(erf) = vpow2.f32 v3  }
0x2e6: {  	v25 =	vld [tilespmem:s19+$0xFFFFFFC0];
	v23 =	vmovc v62;
	v62 =	vimm.s32 $0xF;
	[tilespmem:s19+$0xD0] =	vst v5;
	v13 =	vmul.f32 v13, v53;
	v0 =	vimm.s32 $0x0  }
0x2e7: {  	[tilespmem:s19+$0xF0] =	vst v15;
	v15 =	vimm.s32 $0x1;
	v53 =	vmul.f32 v16, v55;
	v5 =	vmul.f32 v11, v17;
	v7 =	vld [tilespmem:s19+$0xFFFFFF10]  }
0x2e8: {  	[tilespmem:s19+$0xFFFFFEF0] =	vst v6;
	v6 =	vimm.s32 $0x9;
	v55 =	vmul.f32 v14, v45;
	v11 =	vld [tilespmem:s19+$0xFFFFFF20];
	v3 =	vmul.f32 v49, v32  }
0x2e9: {  	v26 =	vld [tilespmem:s19+$0xFFFFFF40];
	v45 =	vmul.f32 v29, v24;
	v17 =	vimm.s32 $0x8;
	[tilespmem:s19+$0x70] =	vst v5;
	v8 =	vmul.f32 v8, v52  }
0x2ea: {  	s26 =	smov.u32 s21;
	s21 =	smov.u32 s19;
	v27 =	vld [tilespmem:s19+$0xFFFFFFD0];
	v52 =	vmul.f32 v10, v57;
	v57 =	vimm.s32 $0x7;
	v10 =	vimm.s32 $0x3;
	[tilespmem:s19+$0xFFFFFF70] =	vst v3;
	v32 =	vpop (erf)  }
0x2eb: {  	s20 =	sadd.s32 $0x2, s20;
	v28 =	vld [tilespmem:s19+$0xFFFFFF50];
	[tilespmem:s21+$0xFFFFFF80] =	vst v8;
	v8 =	vimm.s32 $0x4;
	v47 =	vperm.xlane v32, v0;
	v0 =	vimm.s32 $0x8  }
0x2ec: {  	p1 =	slt.u32 s20, $0x26;
	v29 =	vld [tilespmem:s19+$0xFFFFFFE0];
	s19 =	sadd.s32 $0x240, s19;
	v51 =	vmul.f32 v7, v54;
	[tilespmem:v41+s22+$0x0] =	vst.idx.msk $0xffff, v32;
	v46 =	vperm.xlane v32, v0;
	v0 =	vimm.s32 $0x2  }
.Ltmp4:
0x2ed: {  	v24 =	vmovc v30;
	v54 =	vmul.f32 v11, v56;
	v41 =	vld [tilespmem:s19+$0x100];
	v43 =	vperm.xlane v32, v0;
	v0 =	vimm.s32 $0xA;
	(pc) =	sbr.rel @p1 .LBB2_7-.Ltmp4, $4  }
0x2ee: {  	v56 =	vimm.s32 $0xC;
	v30 =	vpop (erf);
	v50 =	vld [tilespmem:s19+$0x0];
	v35 =	vperm.xlane v32, v0;
	v0 =	vimm.s32 $0x3  }
0x2ef: {  	v40 =	vperm.xlane v32, v2;
	[tilespmem:v31+s22+$0x0] =	vst.idx.msk $0xffff, v30;
	v49 =	vld [tilespmem:s19+$0x90];
	v38 =	vperm.xlane v32, v0;
	v0 =	vimm.s32 $0xB  }
0x2f0: {  	v37 =	vperm.xlane v32, v19;
	v48 =	vld [tilespmem:s19+$0x10];
	[tilespmem:s21+$0xFFFFFF00] =	vst v12;
	v33 =	vperm.xlane v32, v0;
	v0 =	vimm.s32 $0x4  }
0x2f1: {  	s14 =	sadd.s32 $0x4, s14;
	v7 =	vimm.s32 $0xA;
	v31 =	vperm.xlane v32, v1;
	[tilespmem:s21+$0xFFFFFF90] =	vst v13;
	v34 =	vperm.xlane v32, v0;
	v0 =	vld [tilespmem:$0x1FFD0]  }
0x2f2: {  	[tilespmem:s21+$0xFFFFFF10] =	vst v51  }
0x2f3: {  	[tilespmem:s21+$0xFFFFFFA0] =	vst v53  }
0x2f4: {  	[tilespmem:s21+$0xFFFFFF20] =	vst v54  }
0x2f5: {  	[tilespmem:s21+$0xFFFFFFB0] =	vst v52  }
0x2f6: {  	[tilespmem:s21+$0xFFFFFF30] =	vst v55  }
0x2f7: {  	[tilespmem:s26+$0xFFFFFFC0] =	vst v36  }
0x2f8: {  	[tilespmem:s26+$0xFFFFFF40] =	vst v39  }
0x2f9: {  	v3 =	vld [tilespmem:s19+$0xA0];
	[tilespmem:s26+$0xFFFFFFD0] =	vst v42  }
0x2fa: {  	v19 =	vld [tilespmem:s19+$0x20];
	[tilespmem:s26+$0xFFFFFF50] =	vst v44;
	v5 =	vmul.f32 v41, v31  }
0x2fb: {  	v1 =	vld [tilespmem:s19+$0xB0];
	[tilespmem:s26+$0xFFFFFFE0] =	vst v45;
	v11 =	vmul.f32 v50, v47  }
0x2fc: {  	v2 =	vld [tilespmem:s19+$0x40];
	v14 =	vmul.f32 v49, v46;
	[tilespmem:s19+$0x100] =	vst v5  }
0x2fd: {  	v51 =	vld [tilespmem:s19+$0x50];
	[tilespmem:s19+$0x0] =	vst v11;
	v16 =	vmul.f32 v48, v40  }
0x2fe: {  	v12 =	vld [tilespmem:s19+$0xE0];
	[tilespmem:s19+$0x90] =	vst v14;
	v3 =	vmul.f32 v3, v37  }
0x2ff: {  	v52 =	vld [tilespmem:s19+$0xFFFFFEE0];
	v19 =	vmul.f32 v19, v43;
	[tilespmem:s19+$0x10] =	vst v16  }
0x300: {  	v13 =	vld [tilespmem:s19+$0x60];
	v55 =	vperm.xlane v32, v58;
	v1 =	vmul.f32 v1, v35;
	[tilespmem:s19+$0xA0] =	vst v3  }
0x301: {  	v44 =	vperm.xlane v32, v59;
	v31 =	vld [tilespmem:s19+$0x30];
	v2 =	vmul.f32 v2, v34;
	[tilespmem:s19+$0x20] =	vst v19  }
0x302: {  	v41 =	vld [tilespmem:s19+$0xD0];
	v46 =	vperm.xlane v30, v4;
	v45 =	vmul.f32 v51, v55;
	[tilespmem:s19+$0xB0] =	vst v1  }
0x303: {  	v47 =	vperm.xlane v32, v60;
	v5 =	vld [tilespmem:s19+$0xC0];
	v12 =	vmul.f32 v12, v44;
	[tilespmem:s19+$0x40] =	vst v2  }
0x304: {  	v40 =	vld [tilespmem:s19+$0xFFFFFF70];
	v49 =	vmul.f32 v52, v46;
	[tilespmem:s19+$0x50] =	vst v45  }
0x305: {  	v54 =	vperm.xlane v32, v56;
	v11 =	vld [tilespmem:s19+$0xF0];
	v13 =	vmul.f32 v13, v47;
	[tilespmem:s19+$0xE0] =	vst v12  }
0x306: {  	v37 =	vld [tilespmem:s19+$0xFFFFFEF0];
	v53 =	vmul.f32 v31, v38;
	[tilespmem:s19+$0xFFFFFEE0] =	vst v49  }
0x307: {  	v50 =	vperm.xlane v30, v17;
	v14 =	vld [tilespmem:s19+$0x70];
	v43 =	vmul.f32 v41, v54;
	[tilespmem:s19+$0x60] =	vst v13  }
0x308: {  	v52 =	vperm.xlane v32, v61;
	v3 =	vld [tilespmem:s19+$0xFFFFFF00];
	v5 =	vmul.f32 v5, v33;
	[tilespmem:s19+$0x30] =	vst v53  }
0x309: {  	v15 =	vperm.xlane v30, v15;
	v1 =	vld [tilespmem:s19+$0xFFFFFF10];
	[tilespmem:s19+$0xD0] =	vst v43;
	v17 =	vmul.f32 v40, v50  }
0x30a: {  	v19 =	vld [tilespmem:s19+$0xFFFFFF90];
	v11 =	vmul.f32 v11, v52;
	v53 =	vperm.xlane v32, v57;
	[tilespmem:s19+$0xC0] =	vst v5  }
0x30b: {  	v18 =	vperm.xlane v30, v18;
	v16 =	vld [tilespmem:s19+$0xFFFFFF80];
	v15 =	vmul.f32 v37, v15;
	[tilespmem:s19+$0xFFFFFF70] =	vst v17  }
0x30c: {  	v55 =	vperm.xlane v30, v10;
	v14 =	vmul.f32 v14, v53;
	[tilespmem:s19+$0xF0] =	vst v11  }
0x30d: {  	v5 =	vld [tilespmem:s19+$0xFFFFFF20];
	[tilespmem:s19+$0xFFFFFEF0] =	vst v15;
	v15 =	vperm.xlane v30, v7;
	v3 =	vmul.f32 v3, v18  }
0x30e: {  	v54 =	vperm.xlane v30, v6;
	v2 =	vld [tilespmem:s19+$0xFFFFFFB0];
	[tilespmem:s19+$0x70] =	vst v14;
	v6 =	vmul.f32 v1, v55  }
0x30f: {  	v48 =	vld [tilespmem:s19+$0xFFFFFF30];
	v4 =	vmul.f32 v19, v15;
	[tilespmem:s19+$0xFFFFFF00] =	vst v3  }
0x310: {  	v16 =	vmul.f32 v16, v54;
	v3 =	vperm.xlane v30, v8;
	[tilespmem:s19+$0xFFFFFF10] =	vst v6  }
0x311: {  	v6 =	vmul.f32 v29, v24;
	[tilespmem:s19+$0xFFFFFF90] =	vst v4;
	v4 =	vperm.xlane v30, v56  }
0x312: {  	[tilespmem:s19+$0xFFFFFF80] =	vst v16;
	v3 =	vmul.f32 v5, v3;
	v5 =	vperm.xlane v30, v58  }
0x313: {  	[tilespmem:s21+$0xFFFFFFE0] =	vst v6;
	v4 =	vmul.f32 v2, v4  }
0x314: {  	v42 =	vld [tilespmem:s19+$0xFFFFFFA0];
	v5 =	vmul.f32 v48, v5;
	[tilespmem:s19+$0xFFFFFF20] =	vst v3  }
0x315: {  	v51 =	vld [tilespmem:s19+$0xFFFFFFC0];
	v3 =	vmul.f32 v25, v20;
	[tilespmem:s19+$0xFFFFFFB0] =	vst v4  }
0x316: {  	v11 =	vld [tilespmem:s19+$0xFFFFFF50];
	v4 =	vmul.f32 v26, v21;
	[tilespmem:s19+$0xFFFFFF30] =	vst v5  }
0x317: {  	v12 =	vld [tilespmem:s19+$0xFFFFFF40];
	v15 =	vperm.xlane v30, v9;
	v5 =	vmul.f32 v27, v22;
	[tilespmem:s21+$0xFFFFFFC0] =	vst v3  }
0x318: {  	v13 =	vld [tilespmem:s19+$0xFFFFFFD0];
	v3 =	vmul.f32 v28, v23;
	[tilespmem:s21+$0xFFFFFF40] =	vst v4;
	v4 =	vperm.xlane v30, v59  }
0x319: {  	v14 =	vld [tilespmem:s19+$0xFFFFFFE0];
	v7 =	vmul.f32 v42, v15;
	v6 =	vperm.xlane v30, v57;
	[tilespmem:s21+$0xFFFFFFD0] =	vst v5  }
0x31a: {  	v5 =	vperm.xlane v30, v60;
	[tilespmem:s21+$0xFFFFFF50] =	vst v3;
	v3 =	vmul.f32 v51, v4  }
0x31b: {  	[tilespmem:s19+$0xFFFFFFA0] =	vst v7;
	v6 =	vmul.f32 v11, v6;
	v4 =	vperm.xlane v30, v61  }
0x31c: {  	v5 =	vmul.f32 v12, v5;
	[tilespmem:s19+$0xFFFFFFC0] =	vst v3;
	v3 =	vperm.xlane v30, v62  }
0x31d: {  	[tilespmem:s19+$0xFFFFFF50] =	vst v6;
	v4 =	vmul.f32 v13, v4  }
0x31e: {  	[tilespmem:s19+$0xFFFFFF40] =	vst v5;
	v3 =	vmul.f32 v14, v3  }
0x31f: {  	[tilespmem:s19+$0xFFFFFFD0] =	vst v4  }
.Ltmp5:
0x320: {  	[tilespmem:s19+$0xFFFFFFE0] =	vst v3;
	(pc) =	sbr.rel @p0 .LBB2_10-.Ltmp5, $4  }
0x321: {  	v10 =	vimm.s32 $0x3;
	[spmem:s1] =	stream.indirect.scatter.add.f32 [tilespmem:s22], [sflag:$0x7], $0x90, s15, s30, $0xb8;
	[tilespmem:$0x1FC60] =	vst v63  }
0x322: {  	v8 =	vimm.s32 $0x2;
	v9 =	vimm.s32 $0xA;
	v7 =	vimm.s32 $0x9;
	_ =	swait.ge [sflag:s24], $0x2D00  }
0x323: {  	v11 =	vimm.s32 $0xB;
	v6 =	vimm.s32 $0x1;
	v12 =	vimm.s32 $0xF;
	[sflag:s24] =	ssyncset.done $0x0  }
0x324: {  	v5 =	vimm.s32 $0x8;
	v4 =	vimm.s32 $0x0;
	v3 =	vimm.s32 $0x4;
	[sflag:s24] =	ssyncadd.s32 $0xFFFFD300  }
0x325: {  	s2 =	rddreg [dreg:$0x10]  }
0x326: {  	s2 =	sadd.s32 s12, s2  }
0x327: {  	s2 =	smul.u32 $0xA, s2  }
0x328: {  	s21 =	rddreg [dreg:$0x1]  }
0x329: {  	s12 =	sadd.s32 s21, s2  }
0x32a: {  	[tilespmem:s30], [sflag:$0x2] =	stream.linear.gather [hbm4b:s12+s5], $0x50, $0x38;
	[tilespmem:$0x1FC60] =	vst v63  }
.Ltmp6:
0x32b: {  	_ = 	snop;
	(pc) =	sbr.rel .LBB2_2-.Ltmp6, $4  }
0x32c: {  	s26 =	sadd.s32 s8, s2  }
0x32d: {  	[tilespmem:s4], [sflag:$0x2] =	stream.linear.gather [hbm4b:s26+s5], $0x50, $0x38;
	[tilespmem:$0x1FC60] =	vst v63  }
0x32e: {  	s29 =	sadd.s32 $0x1, s29;
	s2 =	sadd.s32 s3, s2  }
0x32f: {  	v13 =	vld [tilespmem:$0x1FFF0];
	[tilespmem:s25], [sflag:$0x2] =	stream.linear.gather [hbm4b:s2+s5], $0x50, $0x38  }
.LBB2_11:
0x330: {  	_ =	sfence.sel $0x180000  }
0x331: {  	[bflag:$0x0] =	sbarrier.arrive $0xFFFF  }
0x332: {  	_ =	strace $0x90000047  }
0x333: {  	s0 =	stileid.u32;
	[bflag:$0x2] =	sbarrier.arrive $0xFFFF  }
0x334: {  	p0 =	sne.s32 s0, $0x0;
	s0 =	rddreg [dreg:$0x3]  }
0x335: {  	s0 =	sadd.s32 @!p0 $0x100000, s0  }
0x336: {  	[sflag:s0] =	ssyncadd.tile.s32 @!p0 $0x1;
	_ =	shalt  }
.Lfunc_end2:
_tile_overlayer_lowered:
.L_overlay_start_2:
0x337: {  	(tag) =	ssettag $0x2  }
0x338: {  	s0 =	rddreg [dreg:$0x0];
	s2 =	stileid.u32  }
0x339: {  	s1 =	rddreg [dreg:$0x1];
	p0 =	sne.s32 s2, $0x0  }
0x33a: {  	s3 =	rddreg [dreg:$0x2];
	[bflag:$0x3] =	sbarrier.arrive $0xFFFF;
	s2 =	simm.s32 @!p0 $0x1C07  }
0x33b: {  	[timem:s3], [sflag:s2] =	dma.local @!p0 [hbm:s0], s1  }
0x33c: {  	s0 =	simm.s32 @!p0 $0x7  }
0x33d: {  	_ =	swait.ge @!p0 [sflag:s0], s1  }
0x33e: {  	s1 =	ssub.s32 @!p0 $0x0, s1;
	[sflag:s0] =	ssyncset.done @!p0 $0x0  }
0x33f: {  	[sflag:s0] =	ssyncadd.s32 @!p0 s1  }
0x340: {  	[bflag:$0x3] =	sbarrier.arrive $0xFFFF  }
0x341: {  	_ =	shalt  }

</sc_bundles>
